<compile_context>
chip_gen: v7x
topology: tpu7x:2x2x1
jax: 0.10.2.dev20260603
libtpu: 0.0.44.dev20260713+nightly
codegen_flags: <defaults>
</compile_context>

<pallas_src>
import functools

import jax
import jax.numpy as jnp
from jax import lax
from jax.experimental import pallas as pl
from jax.experimental.pallas import tpu as pltpu
from jax.experimental.pallas import tpu_sc as plsc

N = 10000
D = 256
HD = D // 2
NS = 16
NC = 2
B = 128
NPAD = 10112
STRIPE = NPAD // NS

def _mesh():
  return plsc.VectorSubcoreMesh(core_axis_name="c", subcore_axis_name="s")


def _deg_body(dstb, ones_hbm, zz, out, dst_v, ones_v, acc, sem):
  cid = lax.axis_index("c")
  sid = lax.axis_index("s")
  nb = dst_v.shape[0]
  w = sid * NC + cid
  rs = sid * STRIPE
  pltpu.sync_copy(zz.at[pl.ds(rs, STRIPE)], acc.at[pl.ds(rs, STRIPE)])
  pltpu.sync_copy(ones_hbm, ones_v)
  pltpu.sync_copy(dstb.at[pl.ds(w * nb, nb)], dst_v)
  plsc.subcore_barrier()

  def fire(j, carry):
    pltpu.async_copy(ones_v, acc.at[dst_v.at[j]], sem, add=True)
    return carry

  lax.fori_loop(0, nb, fire, 0)

  def drain(j, carry):
    pltpu.make_async_copy(ones_v, acc.at[dst_v.at[0]], sem).wait()
    return carry

  lax.fori_loop(0, nb, drain, 0)
  plsc.subcore_barrier()
  pltpu.sync_copy(acc.at[pl.ds(rs, STRIPE)], out.at[cid, pl.ds(rs, STRIPE)])


def _prop_body(ga, gb, srcb, dstb, zz, outa, outb,
               src_v, dst_v, buf0, buf1, acc, sg0, sg1, ss0, ss1):
  cid = lax.axis_index("c")
  sid = lax.axis_index("s")
  nb = srcb.shape[0] // NS
  rs = sid * STRIPE

  nbp = src_v.shape[0]
  nph = nb // nbp

  def run(g_hbm, out_hbm):
    pltpu.async_copy(zz.at[pl.ds(rs, STRIPE)], acc.at[pl.ds(rs, STRIPE)], ss0)
    for ph in range(nph):
      base = sid * nb + ph * nbp
      pltpu.sync_copy(srcb.at[pl.ds(base, nbp)], src_v)
      pltpu.sync_copy(dstb.at[pl.ds(base, nbp)], dst_v)
      pltpu.async_copy(g_hbm.at[src_v.at[0]], buf0, sg0)
      if ph == 0:
        pltpu.make_async_copy(zz.at[pl.ds(rs, STRIPE)],
                              acc.at[pl.ds(rs, STRIPE)], ss0).wait()
        plsc.subcore_barrier()

      def step(i, carry):
        j = i * 2
        pltpu.make_async_copy(g_hbm.at[src_v.at[j]], buf0, sg0).wait()
        pltpu.async_copy(buf0, acc.at[dst_v.at[j]], ss0, add=True)

        @pl.when(j > 0)
        def _():
          pltpu.make_async_copy(buf1, acc.at[dst_v.at[0]], ss1).wait()

        pltpu.async_copy(g_hbm.at[src_v.at[j + 1]], buf1, sg1)
        pltpu.make_async_copy(g_hbm.at[src_v.at[j + 1]], buf1, sg1).wait()
        pltpu.async_copy(buf1, acc.at[dst_v.at[j + 1]], ss1, add=True)
        pltpu.make_async_copy(buf0, acc.at[dst_v.at[0]], ss0).wait()

        @pl.when(j + 2 < nbp)
        def _():
          pltpu.async_copy(g_hbm.at[src_v.at[j + 2]], buf0, sg0)

        return carry

      lax.fori_loop(0, nbp // 2, step, 0)
      pltpu.make_async_copy(buf1, acc.at[dst_v.at[0]], ss1).wait()
    plsc.subcore_barrier()
    pltpu.sync_copy(acc.at[pl.ds(rs, STRIPE)], out_hbm.at[pl.ds(rs, STRIPE)])

  @pl.when(cid == 0)
  def _():
    run(ga, outa)

  @pl.when(cid == 1)
  def _():
    run(gb, outb)


def _make_deg_kernel(nb_w):
  return pl.kernel(
      _deg_body,
      out_type=jax.ShapeDtypeStruct((NC, NPAD, 16), jnp.float32),
      mesh=_mesh(),
      compiler_params=pltpu.CompilerParams(use_tc_tiling_on_sc=False),
      scratch_types=[
          pltpu.VMEM((nb_w, B), jnp.int32),
          pltpu.VMEM((B, 16), jnp.float32),
          pltpu.VMEM_SHARED((NPAD, 16), jnp.float32),
          pltpu.SemaphoreType.DMA,
      ],
  )


def _make_prop_kernel(nb_t):
  return pl.kernel(
      _prop_body,
      out_type=(jax.ShapeDtypeStruct((NPAD, HD), jnp.float32),
                jax.ShapeDtypeStruct((NPAD, HD), jnp.float32)),
      mesh=_mesh(),
      scratch_types=[
          pltpu.VMEM((nb_t // 2, B), jnp.int32),
          pltpu.VMEM((nb_t // 2, B), jnp.int32),
          pltpu.VMEM((B, HD), jnp.float32),
          pltpu.VMEM((B, HD), jnp.float32),
          pltpu.VMEM_SHARED((NPAD, HD), jnp.float32),
          pltpu.SemaphoreType.DMA,
          pltpu.SemaphoreType.DMA,
          pltpu.SemaphoreType.DMA,
          pltpu.SemaphoreType.DMA,
      ],
  )


RB = 2000
_G = N // RB


def _dinv_block(deg_ref):
  p = deg_ref[0, :, 0:1] + deg_ref[1, :, 0:1]
  return lax.rsqrt(p + 1.0)


def _tc_scale0(deg_ref, x_ref, ga_ref, gb_ref):
  dinv = _dinv_block(deg_ref)
  ga_ref[...] = dinv * x_ref[:, :HD]
  gb_ref[...] = dinv * x_ref[:, HD:]


def _tc_scale1(deg_ref, aa_ref, ab_ref, ga_ref, gb_ref, oa_ref, ob_ref):
  dinv = _dinv_block(deg_ref)
  d2 = dinv * dinv
  oa_ref[...] = d2 * (aa_ref[...] + ga_ref[...])
  ob_ref[...] = d2 * (ab_ref[...] + gb_ref[...])


def _tc_final(deg_ref, aa_ref, ab_ref, ga_ref, gb_ref, w_ref, b_ref, o_ref):
  dinv = _dinv_block(deg_ref)
  ha = dinv * (aa_ref[...] + ga_ref[...])
  hb = dinv * (ab_ref[...] + gb_ref[...])
  dn = (((1,), (1,)), ((), ()))
  o_ref[...] = (
      lax.dot_general(ha, w_ref[:, :HD], dn, preferred_element_type=jnp.float32)
      + lax.dot_general(hb, w_ref[:, HD:], dn, preferred_element_type=jnp.float32)
      + b_ref[...]
  )


_deg_spec = pl.BlockSpec((NC, RB, 16), lambda i: (0, i, 0))
_half_spec = pl.BlockSpec((RB, HD), lambda i: (i, 0))


def _scale0(deg, x):
  return pl.pallas_call(
      _tc_scale0,
      grid=(_G,),
      in_specs=[_deg_spec, pl.BlockSpec((RB, D), lambda i: (i, 0))],
      out_specs=[_half_spec, _half_spec],
      out_shape=(jax.ShapeDtypeStruct((N, HD), jnp.float32),
                 jax.ShapeDtypeStruct((N, HD), jnp.float32)),
  )(deg, x)


def _scale1(deg, aa, ab, ga, gb):
  return pl.pallas_call(
      _tc_scale1,
      grid=(_G,),
      in_specs=[_deg_spec, _half_spec, _half_spec, _half_spec, _half_spec],
      out_specs=[_half_spec, _half_spec],
      out_shape=(jax.ShapeDtypeStruct((N, HD), jnp.float32),
                 jax.ShapeDtypeStruct((N, HD), jnp.float32)),
  )(deg, aa, ab, ga, gb)


def _final(deg, aa, ab, ga, gb, W, b2):
  return pl.pallas_call(
      _tc_final,
      grid=(_G,),
      in_specs=[_deg_spec, _half_spec, _half_spec, _half_spec, _half_spec,
                pl.BlockSpec((D, D), lambda i: (0, 0)),
                pl.BlockSpec((1, D), lambda i: (0, 0))],
      out_specs=pl.BlockSpec((RB, D), lambda i: (i, 0)),
      out_shape=jax.ShapeDtypeStruct((N, D), jnp.float32),
  )(deg, aa, ab, ga, gb, W, b2)


def kernel(x, edge_index, W, b):
  e = edge_index.shape[1]
  epad = -(-e // (NC * NS * B)) * (NC * NS * B)
  pad = epad - e
  src = edge_index[0]
  dst = edge_index[1]
  if pad:
    fill = jnp.arange(pad, dtype=jnp.int32)
    src = jnp.concatenate([src, fill % N])
    dst = jnp.concatenate([dst, N + fill % (NPAD - N)])
  srcb = src.reshape(epad // B, B)
  dstb = dst.reshape(epad // B, B)
  zz = jnp.zeros((NPAD, HD), jnp.float32)
  zz16 = jnp.zeros((NPAD, 16), jnp.float32)
  ones = jnp.ones((B, 16), jnp.float32)

  deg = _make_deg_kernel(epad // B // (NC * NS))(dstb, ones, zz16)
  g0a, g0b = _scale0(deg, x)
  prop = _make_prop_kernel(epad // B // NS)
  a1a, a1b = prop(g0a, g0b, srcb, dstb, zz)
  g1a, g1b = _scale1(deg, a1a, a1b, g0a, g0b)
  a2a, a2b = prop(g1a, g1b, srcb, dstb, zz)
  return _final(deg, a2a, a2b, g1a, g1b, W, b.reshape(1, D))

# --- scband reference (transcript-rebuilt; emitter-appended) ---
"""Pipeline reference for scband-sgc-83794811945391 (READ-ONLY COPY).

The authoritative reference and input builder live on the scoring server;
editing this copy changes nothing except your own understanding.
"""

import jax, jax.numpy as jnp
import numpy as np

N = 10000
E = 160000
IN_DIM = 256
OUT_DIM = 256
K = 2


def setup_inputs(seed: int = 0) -> dict:
    key = jax.random.key(seed)
    k1, k2, k3, k4 = jax.random.split(key, 4)
    x = jax.random.normal(k1, (N, IN_DIM), dtype=jnp.float32)
    edge_index = jax.random.randint(k2, (2, E), 0, N, dtype=jnp.int32)
    # Learned parameters of the final Linear layer in SGConv (lin: in_dim -> out_dim)
    W = jax.random.normal(k3, (OUT_DIM, IN_DIM), dtype=jnp.float32) * (1.0 / np.sqrt(IN_DIM))
    b = jax.random.normal(k4, (OUT_DIM,), dtype=jnp.float32) * 0.01
    return {"x": x, "edge_index": edge_index, "W": W, "b": b}


def reference(x, edge_index, W, b):
    # SGConv (PyG semantics): add self-loops, symmetric GCN normalization,
    # propagate K times, then a single linear transform.
    src = edge_index[0]
    dst = edge_index[1]
    loop = jnp.arange(N, dtype=src.dtype)
    src = jnp.concatenate([src, loop])
    dst = jnp.concatenate([dst, loop])
    ones = jnp.ones(src.shape[0], dtype=x.dtype)
    deg = jax.ops.segment_sum(ones, dst, num_segments=N)
    deg_inv_sqrt = jnp.where(deg > 0, 1.0 / jnp.sqrt(deg), 0.0)
    norm = deg_inv_sqrt[src] * deg_inv_sqrt[dst]
    h = x
    for _ in range(K):
        msgs = norm[:, None] * h[src]
        h = jax.ops.segment_sum(msgs, dst, num_segments=N)
    out = h @ W.T + b
    return out

if __name__ == "__main__":
    import jax
    _d = setup_inputs()
    print(jax.jit(kernel)(*tuple(_d.values())))

</pallas_src>

<mosaic_0001>
#map = affine_map<(d0, d1) -> (0, 0)>
module attributes {stable_mosaic.version = 14 : i64} {
  func.func @_prop_body(%arg0: i32, %arg1: i32, %arg2: memref<10000x128xf32, #tpu.memory_space<hbm>>, %arg3: memref<10000x128xf32, #tpu.memory_space<hbm>>, %arg4: memref<1280x128xi32, #tpu.memory_space<hbm>>, %arg5: memref<1280x128xi32, #tpu.memory_space<hbm>>, %arg6: memref<10112x128xf32, #tpu.memory_space<hbm>>, %arg7: memref<10112x128xf32, #tpu.memory_space<hbm>>, %arg8: memref<10112x128xf32, #tpu.memory_space<hbm>>, %arg9: memref<40x128xi32, #tpu.memory_space<vmem>>, %arg10: memref<40x128xi32, #tpu.memory_space<vmem>>, %arg11: memref<128x128xf32, #tpu.memory_space<vmem>>, %arg12: memref<128x128xf32, #tpu.memory_space<vmem>>, %arg13: memref<10112x128xf32, #tpu.memory_space<vmem_shared>>, %arg14: memref<!tpu.dma_semaphore, #tpu.memory_space<semaphore_mem>>, %arg15: memref<!tpu.dma_semaphore, #tpu.memory_space<semaphore_mem>>, %arg16: memref<!tpu.dma_semaphore, #tpu.memory_space<semaphore_mem>>, %arg17: memref<!tpu.dma_semaphore, #tpu.memory_space<semaphore_mem>>) attributes {dimension_semantics = [#tpu.dimension_semantics<core_parallel>, #tpu.dimension_semantics<subcore_parallel>], iteration_bounds = array<i64: 2, 16>, scalar_prefetch = 0 : i64, scratch_operands = 9 : i64, tpu.core_type = #tpu.core_type<sc_vector_subcore>, window_params = [{transform_indices = #map}, {transform_indices = #map}, {transform_indices = #map}, {transform_indices = #map}, {transform_indices = #map}, {transform_indices = #map}, {transform_indices = #map}]} {
    %mul3A = arith.constant 632 : i32
    %mul3A_0 = arith.muli %arg1, %mul3A : i32
    %eq3A = arith.constant 0 : i32
    %eq3A_1 = arith.cmpi eq, %arg0, %eq3A : i32
    %convert_element_type3A = arith.extui %eq3A_1 : i1 to i32
    %cond3A = arith.constant 0 : i32
    %cond3A_2 = arith.cmpi ne, %convert_element_type3A, %cond3A : i32
    scf.if %cond3A_2 {
      %dma_start3A = arith.constant 0 : i32
      %dma_start3A_8 = tpu.memref_slice %arg13[%mul3A_0, %dma_start3A] : memref<10112x128xf32, #tpu.memory_space<vmem_shared>> -> memref<632x128xf32, #tpu.memory_space<vmem_shared>>
      %dma_start3A_9 = arith.constant 0 : i32
      %dma_start3A_10 = tpu.memref_slice %arg6[%mul3A_0, %dma_start3A_9] : memref<10112x128xf32, #tpu.memory_space<hbm>> -> memref<632x128xf32, #tpu.memory_space<hbm>>
      tpu.enqueue_dma source(%dma_start3A_10 : memref<632x128xf32, #tpu.memory_space<hbm>>) target(%dma_start3A_8 : memref<632x128xf32, #tpu.memory_space<vmem_shared>>) target_semaphore(%arg16 : memref<!tpu.dma_semaphore, #tpu.memory_space<semaphore_mem>>)
      %mul3A_11 = arith.constant 80 : i32
      %mul3A_12 = arith.muli %arg1, %mul3A_11 : i32
      %add3A = arith.constant 0 : i32
      %add3A_13 = arith.addi %mul3A_12, %add3A : i32
      "tpu.region"() ({
        %run_scoped3A = tpu.sem_alloc : memref<!tpu.dma_semaphore, #tpu.memory_space<semaphore_mem>>
        %dma_start3A_61 = arith.constant 0 : i32
        %dma_start3A_62 = tpu.memref_slice %arg4[%add3A_13, %dma_start3A_61] : memref<1280x128xi32, #tpu.memory_space<hbm>> -> memref<40x128xi32, #tpu.memory_space<hbm>>
        %dma_start3A_63 = arith.constant 0 : i32
        %dma_start3A_64 = tpu.memref_slice %arg4[%add3A_13, %dma_start3A_63] : memref<1280x128xi32, #tpu.memory_space<hbm>> -> memref<40x128xi32, #tpu.memory_space<hbm>>
        tpu.enqueue_dma source(%dma_start3A_64 : memref<40x128xi32, #tpu.memory_space<hbm>>) target(%arg9 : memref<40x128xi32, #tpu.memory_space<vmem>>) target_semaphore(%run_scoped3A : memref<!tpu.dma_semaphore, #tpu.memory_space<semaphore_mem>>)
        %dma_wait3A_65 = arith.constant 0 : i32
        %dma_wait3A_66 = tpu.memref_slice %arg4[%add3A_13, %dma_wait3A_65] : memref<1280x128xi32, #tpu.memory_space<hbm>> -> memref<40x128xi32, #tpu.memory_space<hbm>>
        %dma_wait3A_67 = arith.constant 0 : i32
        %dma_wait3A_68 = tpu.memref_slice %arg4[%add3A_13, %dma_wait3A_67] : memref<1280x128xi32, #tpu.memory_space<hbm>> -> memref<40x128xi32, #tpu.memory_space<hbm>>
        tpu.wait_dma2 semaphore(%run_scoped3A : memref<!tpu.dma_semaphore, #tpu.memory_space<semaphore_mem>>) src(%dma_wait3A_68 : memref<40x128xi32, #tpu.memory_space<hbm>>) dst(%arg9 : memref<40x128xi32, #tpu.memory_space<vmem>>)
        tpu.yield
      }) : () -> ()
      "tpu.region"() ({
        %run_scoped3A = tpu.sem_alloc : memref<!tpu.dma_semaphore, #tpu.memory_space<semaphore_mem>>
        %dma_start3A_61 = arith.constant 0 : i32
        %dma_start3A_62 = tpu.memref_slice %arg5[%add3A_13, %dma_start3A_61] : memref<1280x128xi32, #tpu.memory_space<hbm>> -> memref<40x128xi32, #tpu.memory_space<hbm>>
        %dma_start3A_63 = arith.constant 0 : i32
        %dma_start3A_64 = tpu.memref_slice %arg5[%add3A_13, %dma_start3A_63] : memref<1280x128xi32, #tpu.memory_space<hbm>> -> memref<40x128xi32, #tpu.memory_space<hbm>>
        tpu.enqueue_dma source(%dma_start3A_64 : memref<40x128xi32, #tpu.memory_space<hbm>>) target(%arg10 : memref<40x128xi32, #tpu.memory_space<vmem>>) target_semaphore(%run_scoped3A : memref<!tpu.dma_semaphore, #tpu.memory_space<semaphore_mem>>)
        %dma_wait3A_65 = arith.constant 0 : i32
        %dma_wait3A_66 = tpu.memref_slice %arg5[%add3A_13, %dma_wait3A_65] : memref<1280x128xi32, #tpu.memory_space<hbm>> -> memref<40x128xi32, #tpu.memory_space<hbm>>
        %dma_wait3A_67 = arith.constant 0 : i32
        %dma_wait3A_68 = tpu.memref_slice %arg5[%add3A_13, %dma_wait3A_67] : memref<1280x128xi32, #tpu.memory_space<hbm>> -> memref<40x128xi32, #tpu.memory_space<hbm>>
        tpu.wait_dma2 semaphore(%run_scoped3A : memref<!tpu.dma_semaphore, #tpu.memory_space<semaphore_mem>>) src(%dma_wait3A_68 : memref<40x128xi32, #tpu.memory_space<hbm>>) dst(%arg10 : memref<40x128xi32, #tpu.memory_space<vmem>>)
        tpu.yield
      }) : () -> ()
      %dma_start3A_14 = arith.constant 0 : i32
      %dma_start3A_15 = arith.constant 0 : i32
      %dma_start3A_16 = tpu.memref_slice %arg9[%dma_start3A_14, %dma_start3A_15] : memref<40x128xi32, #tpu.memory_space<vmem>> -> memref<1x128xi32, #tpu.memory_space<vmem>>
      %dma_start3A_17 = tpu.memref_squeeze %dma_start3A_16 : memref<1x128xi32, #tpu.memory_space<vmem>> -> memref<128xi32, #tpu.memory_space<vmem>>
      %dma_start3A_18 = arith.constant 0 : i32
      %dma_start3A_19 = arith.constant 0 : i32
      %dma_start3A_20 = tpu.memref_slice %arg2[%dma_start3A_18, %dma_start3A_19] : memref<10000x128xf32, #tpu.memory_space<hbm>> -> memref<10000x128xf32, #tpu.memory_space<hbm>>
      tpu.enqueue_indirect_dma source(%dma_start3A_20 : memref<10000x128xf32, #tpu.memory_space<hbm>>) target(%arg11 : memref<128x128xf32, #tpu.memory_space<vmem>>) offsets(%dma_start3A_17 : memref<128xi32, #tpu.memory_space<vmem>>) semaphore(%arg14 : memref<!tpu.dma_semaphore, #tpu.memory_space<semaphore_mem>>)
      %dma_wait3A = arith.constant 0 : i32
      %dma_wait3A_21 = tpu.memref_slice %arg13[%mul3A_0, %dma_wait3A] : memref<10112x128xf32, #tpu.memory_space<vmem_shared>> -> memref<632x128xf32, #tpu.memory_space<vmem_shared>>
      %dma_wait3A_22 = arith.constant 0 : i32
      %dma_wait3A_23 = tpu.memref_slice %arg6[%mul3A_0, %dma_wait3A_22] : memref<10112x128xf32, #tpu.memory_space<hbm>> -> memref<632x128xf32, #tpu.memory_space<hbm>>
      tpu.wait_dma2 semaphore(%arg16 : memref<!tpu.dma_semaphore, #tpu.memory_space<semaphore_mem>>) src(%dma_wait3A_23 : memref<632x128xf32, #tpu.memory_space<hbm>>) dst(%dma_wait3A_21 : memref<632x128xf32, #tpu.memory_space<vmem_shared>>)
      %barrier3A = arith.constant 0 : index
      tpu.barrier barrier_id(%barrier3A)
      %scan3A = arith.constant 0 : i32
      %scan3A_24 = arith.constant 0 : i32
      %scan3A_25 = arith.constant 20 : i32
      %scan3A_26 = arith.addi %scan3A_24, %scan3A_25 : i32
      %scan3A_27 = arith.constant 1 : i32
      scf.for %scan3A_61 = %scan3A_24 to %scan3A_26 step %scan3A_27  : i32 {
        %mul3A_62 = arith.constant 2 : i32
        %mul3A_63 = arith.muli %scan3A_61, %mul3A_62 : i32
        %dma_wait3A_64 = arith.constant 0 : i32
        %dma_wait3A_65 = tpu.memref_slice %arg9[%mul3A_63, %dma_wait3A_64] : memref<40x128xi32, #tpu.memory_space<vmem>> -> memref<1x128xi32, #tpu.memory_space<vmem>>
        %dma_wait3A_66 = tpu.memref_squeeze %dma_wait3A_65 : memref<1x128xi32, #tpu.memory_space<vmem>> -> memref<128xi32, #tpu.memory_space<vmem>>
        %dma_wait3A_67 = arith.constant 0 : i32
        %dma_wait3A_68 = arith.constant 0 : i32
        %dma_wait3A_69 = tpu.memref_slice %arg2[%dma_wait3A_67, %dma_wait3A_68] : memref<10000x128xf32, #tpu.memory_space<hbm>> -> memref<10000x128xf32, #tpu.memory_space<hbm>>
        tpu.wait_indirect_dma semaphore(%arg14 : memref<!tpu.dma_semaphore, #tpu.memory_space<semaphore_mem>>) src(%dma_wait3A_69 : memref<10000x128xf32, #tpu.memory_space<hbm>>) dst(%arg11 : memref<128x128xf32, #tpu.memory_space<vmem>>)
        %dma_start3A_70 = arith.constant 0 : i32
        %dma_start3A_71 = tpu.memref_slice %arg10[%mul3A_63, %dma_start3A_70] : memref<40x128xi32, #tpu.memory_space<vmem>> -> memref<1x128xi32, #tpu.memory_space<vmem>>
        %dma_start3A_72 = tpu.memref_squeeze %dma_start3A_71 : memref<1x128xi32, #tpu.memory_space<vmem>> -> memref<128xi32, #tpu.memory_space<vmem>>
        %dma_start3A_73 = arith.constant 0 : i32
        %dma_start3A_74 = arith.constant 0 : i32
        %dma_start3A_75 = tpu.memref_slice %arg13[%dma_start3A_73, %dma_start3A_74] : memref<10112x128xf32, #tpu.memory_space<vmem_shared>> -> memref<10112x128xf32, #tpu.memory_space<vmem_shared>>
        tpu.enqueue_indirect_dma source(%arg11 : memref<128x128xf32, #tpu.memory_space<vmem>>) target(%dma_start3A_75 : memref<10112x128xf32, #tpu.memory_space<vmem_shared>>) offsets(%dma_start3A_72 : memref<128xi32, #tpu.memory_space<vmem>>) semaphore(%arg16 : memref<!tpu.dma_semaphore, #tpu.memory_space<semaphore_mem>>) {add = true}
        %gt3A = arith.constant 0 : i32
        %gt3A_76 = arith.cmpi sgt, %mul3A_63, %gt3A : i32
        %convert_element_type3A_77 = arith.extui %gt3A_76 : i1 to i32
        %cond3A_78 = arith.constant 0 : i32
        %cond3A_79 = arith.cmpi ne, %convert_element_type3A_77, %cond3A_78 : i32
        scf.if %cond3A_79 {
          %dma_wait3A_117 = arith.constant 0 : i32
          %dma_wait3A_118 = arith.constant 0 : i32
          %dma_wait3A_119 = tpu.memref_slice %arg10[%dma_wait3A_117, %dma_wait3A_118] : memref<40x128xi32, #tpu.memory_space<vmem>> -> memref<1x128xi32, #tpu.memory_space<vmem>>
          %dma_wait3A_120 = tpu.memref_squeeze %dma_wait3A_119 : memref<1x128xi32, #tpu.memory_space<vmem>> -> memref<128xi32, #tpu.memory_space<vmem>>
          %dma_wait3A_121 = arith.constant 0 : i32
          %dma_wait3A_122 = arith.constant 0 : i32
          %dma_wait3A_123 = tpu.memref_slice %arg13[%dma_wait3A_121, %dma_wait3A_122] : memref<10112x128xf32, #tpu.memory_space<vmem_shared>> -> memref<10112x128xf32, #tpu.memory_space<vmem_shared>>
          tpu.wait_indirect_dma semaphore(%arg17 : memref<!tpu.dma_semaphore, #tpu.memory_space<semaphore_mem>>) src(%arg12 : memref<128x128xf32, #tpu.memory_space<vmem>>) dst(%dma_wait3A_123 : memref<10112x128xf32, #tpu.memory_space<vmem_shared>>)
        } else {
        }
        %add3A_80 = arith.constant 1 : i32
        %add3A_81 = arith.addi %mul3A_63, %add3A_80 : i32
        %dma_start3A_82 = arith.constant 0 : i32
        %dma_start3A_83 = tpu.memref_slice %arg9[%add3A_81, %dma_start3A_82] : memref<40x128xi32, #tpu.memory_space<vmem>> -> memref<1x128xi32, #tpu.memory_space<vmem>>
        %dma_start3A_84 = tpu.memref_squeeze %dma_start3A_83 : memref<1x128xi32, #tpu.memory_space<vmem>> -> memref<128xi32, #tpu.memory_space<vmem>>
        %dma_start3A_85 = arith.constant 0 : i32
        %dma_start3A_86 = arith.constant 0 : i32
        %dma_start3A_87 = tpu.memref_slice %arg2[%dma_start3A_85, %dma_start3A_86] : memref<10000x128xf32, #tpu.memory_space<hbm>> -> memref<10000x128xf32, #tpu.memory_space<hbm>>
        tpu.enqueue_indirect_dma source(%dma_start3A_87 : memref<10000x128xf32, #tpu.memory_space<hbm>>) target(%arg12 : memref<128x128xf32, #tpu.memory_space<vmem>>) offsets(%dma_start3A_84 : memref<128xi32, #tpu.memory_space<vmem>>) semaphore(%arg15 : memref<!tpu.dma_semaphore, #tpu.memory_space<semaphore_mem>>)
        %add3A_88 = arith.constant 1 : i32
        %add3A_89 = arith.addi %mul3A_63, %add3A_88 : i32
        %dma_wait3A_90 = arith.constant 0 : i32
        %dma_wait3A_91 = tpu.memref_slice %arg9[%add3A_89, %dma_wait3A_90] : memref<40x128xi32, #tpu.memory_space<vmem>> -> memref<1x128xi32, #tpu.memory_space<vmem>>
        %dma_wait3A_92 = tpu.memref_squeeze %dma_wait3A_91 : memref<1x128xi32, #tpu.memory_space<vmem>> -> memref<128xi32, #tpu.memory_space<vmem>>
        %dma_wait3A_93 = arith.constant 0 : i32
        %dma_wait3A_94 = arith.constant 0 : i32
        %dma_wait3A_95 = tpu.memref_slice %arg2[%dma_wait3A_93, %dma_wait3A_94] : memref<10000x128xf32, #tpu.memory_space<hbm>> -> memref<10000x128xf32, #tpu.memory_space<hbm>>
        tpu.wait_indirect_dma semaphore(%arg15 : memref<!tpu.dma_semaphore, #tpu.memory_space<semaphore_mem>>) src(%dma_wait3A_95 : memref<10000x128xf32, #tpu.memory_space<hbm>>) dst(%arg12 : memref<128x128xf32, #tpu.memory_space<vmem>>)
        %add3A_96 = arith.constant 1 : i32
        %add3A_97 = arith.addi %mul3A_63, %add3A_96 : i32
        %dma_start3A_98 = arith.constant 0 : i32
        %dma_start3A_99 = tpu.memref_slice %arg10[%add3A_97, %dma_start3A_98] : memref<40x128xi32, #tpu.memory_space<vmem>> -> memref<1x128xi32, #tpu.memory_space<vmem>>
        %dma_start3A_100 = tpu.memref_squeeze %dma_start3A_99 : memref<1x128xi32, #tpu.memory_space<vmem>> -> memref<128xi32, #tpu.memory_space<vmem>>
        %dma_start3A_101 = arith.constant 0 : i32
        %dma_start3A_102 = arith.constant 0 : i32
        %dma_start3A_103 = tpu.memref_slice %arg13[%dma_start3A_101, %dma_start3A_102] : memref<10112x128xf32, #tpu.memory_space<vmem_shared>> -> memref<10112x128xf32, #tpu.memory_space<vmem_shared>>
        tpu.enqueue_indirect_dma source(%arg12 : memref<128x128xf32, #tpu.memory_space<vmem>>) target(%dma_start3A_103 : memref<10112x128xf32, #tpu.memory_space<vmem_shared>>) offsets(%dma_start3A_100 : memref<128xi32, #tpu.memory_space<vmem>>) semaphore(%arg17 : memref<!tpu.dma_semaphore, #tpu.memory_space<semaphore_mem>>) {add = true}
        %dma_wait3A_104 = arith.constant 0 : i32
        %dma_wait3A_105 = arith.constant 0 : i32
        %dma_wait3A_106 = tpu.memref_slice %arg10[%dma_wait3A_104, %dma_wait3A_105] : memref<40x128xi32, #tpu.memory_space<vmem>> -> memref<1x128xi32, #tpu.memory_space<vmem>>
        %dma_wait3A_107 = tpu.memref_squeeze %dma_wait3A_106 : memref<1x128xi32, #tpu.memory_space<vmem>> -> memref<128xi32, #tpu.memory_space<vmem>>
        %dma_wait3A_108 = arith.constant 0 : i32
        %dma_wait3A_109 = arith.constant 0 : i32
        %dma_wait3A_110 = tpu.memref_slice %arg13[%dma_wait3A_108, %dma_wait3A_109] : memref<10112x128xf32, #tpu.memory_space<vmem_shared>> -> memref<10112x128xf32, #tpu.memory_space<vmem_shared>>
        tpu.wait_indirect_dma semaphore(%arg16 : memref<!tpu.dma_semaphore, #tpu.memory_space<semaphore_mem>>) src(%arg11 : memref<128x128xf32, #tpu.memory_space<vmem>>) dst(%dma_wait3A_110 : memref<10112x128xf32, #tpu.memory_space<vmem_shared>>)
        %add3A_111 = arith.constant 2 : i32
        %add3A_112 = arith.addi %mul3A_63, %add3A_111 : i32
        %lt3A = arith.constant 40 : i32
        %lt3A_113 = arith.cmpi slt, %add3A_112, %lt3A : i32
        %convert_element_type3A_114 = arith.extui %lt3A_113 : i1 to i32
        %cond3A_115 = arith.constant 0 : i32
        %cond3A_116 = arith.cmpi ne, %convert_element_type3A_114, %cond3A_115 : i32
        scf.if %cond3A_116 {
          %add3A_117 = arith.constant 2 : i32
          %add3A_118 = arith.addi %mul3A_63, %add3A_117 : i32
          %dma_start3A_119 = arith.constant 0 : i32
          %dma_start3A_120 = tpu.memref_slice %arg9[%add3A_118, %dma_start3A_119] : memref<40x128xi32, #tpu.memory_space<vmem>> -> memref<1x128xi32, #tpu.memory_space<vmem>>
          %dma_start3A_121 = tpu.memref_squeeze %dma_start3A_120 : memref<1x128xi32, #tpu.memory_space<vmem>> -> memref<128xi32, #tpu.memory_space<vmem>>
          %dma_start3A_122 = arith.constant 0 : i32
          %dma_start3A_123 = arith.constant 0 : i32
          %dma_start3A_124 = tpu.memref_slice %arg2[%dma_start3A_122, %dma_start3A_123] : memref<10000x128xf32, #tpu.memory_space<hbm>> -> memref<10000x128xf32, #tpu.memory_space<hbm>>
          tpu.enqueue_indirect_dma source(%dma_start3A_124 : memref<10000x128xf32, #tpu.memory_space<hbm>>) target(%arg11 : memref<128x128xf32, #tpu.memory_space<vmem>>) offsets(%dma_start3A_121 : memref<128xi32, #tpu.memory_space<vmem>>) semaphore(%arg14 : memref<!tpu.dma_semaphore, #tpu.memory_space<semaphore_mem>>)
        } else {
        }
      }
      %scan3A_28 = arith.constant 20 : i32
      %dma_wait3A_29 = arith.constant 0 : i32
      %dma_wait3A_30 = arith.constant 0 : i32
      %dma_wait3A_31 = tpu.memref_slice %arg10[%dma_wait3A_29, %dma_wait3A_30] : memref<40x128xi32, #tpu.memory_space<vmem>> -> memref<1x128xi32, #tpu.memory_space<vmem>>
      %dma_wait3A_32 = tpu.memref_squeeze %dma_wait3A_31 : memref<1x128xi32, #tpu.memory_space<vmem>> -> memref<128xi32, #tpu.memory_space<vmem>>
      %dma_wait3A_33 = arith.constant 0 : i32
      %dma_wait3A_34 = arith.constant 0 : i32
      %dma_wait3A_35 = tpu.memref_slice %arg13[%dma_wait3A_33, %dma_wait3A_34] : memref<10112x128xf32, #tpu.memory_space<vmem_shared>> -> memref<10112x128xf32, #tpu.memory_space<vmem_shared>>
      tpu.wait_indirect_dma semaphore(%arg17 : memref<!tpu.dma_semaphore, #tpu.memory_space<semaphore_mem>>) src(%arg12 : memref<128x128xf32, #tpu.memory_space<vmem>>) dst(%dma_wait3A_35 : memref<10112x128xf32, #tpu.memory_space<vmem_shared>>)
      %mul3A_36 = arith.constant 80 : i32
      %mul3A_37 = arith.muli %arg1, %mul3A_36 : i32
      %add3A_38 = arith.constant 40 : i32
      %add3A_39 = arith.addi %mul3A_37, %add3A_38 : i32
      "tpu.region"() ({
        %run_scoped3A = tpu.sem_alloc : memref<!tpu.dma_semaphore, #tpu.memory_space<semaphore_mem>>
        %dma_start3A_61 = arith.constant 0 : i32
        %dma_start3A_62 = tpu.memref_slice %arg4[%add3A_39, %dma_start3A_61] : memref<1280x128xi32, #tpu.memory_space<hbm>> -> memref<40x128xi32, #tpu.memory_space<hbm>>
        %dma_start3A_63 = arith.constant 0 : i32
        %dma_start3A_64 = tpu.memref_slice %arg4[%add3A_39, %dma_start3A_63] : memref<1280x128xi32, #tpu.memory_space<hbm>> -> memref<40x128xi32, #tpu.memory_space<hbm>>
        tpu.enqueue_dma source(%dma_start3A_64 : memref<40x128xi32, #tpu.memory_space<hbm>>) target(%arg9 : memref<40x128xi32, #tpu.memory_space<vmem>>) target_semaphore(%run_scoped3A : memref<!tpu.dma_semaphore, #tpu.memory_space<semaphore_mem>>)
        %dma_wait3A_65 = arith.constant 0 : i32
        %dma_wait3A_66 = tpu.memref_slice %arg4[%add3A_39, %dma_wait3A_65] : memref<1280x128xi32, #tpu.memory_space<hbm>> -> memref<40x128xi32, #tpu.memory_space<hbm>>
        %dma_wait3A_67 = arith.constant 0 : i32
        %dma_wait3A_68 = tpu.memref_slice %arg4[%add3A_39, %dma_wait3A_67] : memref<1280x128xi32, #tpu.memory_space<hbm>> -> memref<40x128xi32, #tpu.memory_space<hbm>>
        tpu.wait_dma2 semaphore(%run_scoped3A : memref<!tpu.dma_semaphore, #tpu.memory_space<semaphore_mem>>) src(%dma_wait3A_68 : memref<40x128xi32, #tpu.memory_space<hbm>>) dst(%arg9 : memref<40x128xi32, #tpu.memory_space<vmem>>)
        tpu.yield
      }) : () -> ()
      "tpu.region"() ({
        %run_scoped3A = tpu.sem_alloc : memref<!tpu.dma_semaphore, #tpu.memory_space<semaphore_mem>>
        %dma_start3A_61 = arith.constant 0 : i32
        %dma_start3A_62 = tpu.memref_slice %arg5[%add3A_39, %dma_start3A_61] : memref<1280x128xi32, #tpu.memory_space<hbm>> -> memref<40x128xi32, #tpu.memory_space<hbm>>
        %dma_start3A_63 = arith.constant 0 : i32
        %dma_start3A_64 = tpu.memref_slice %arg5[%add3A_39, %dma_start3A_63] : memref<1280x128xi32, #tpu.memory_space<hbm>> -> memref<40x128xi32, #tpu.memory_space<hbm>>
        tpu.enqueue_dma source(%dma_start3A_64 : memref<40x128xi32, #tpu.memory_space<hbm>>) target(%arg10 : memref<40x128xi32, #tpu.memory_space<vmem>>) target_semaphore(%run_scoped3A : memref<!tpu.dma_semaphore, #tpu.memory_space<semaphore_mem>>)
        %dma_wait3A_65 = arith.constant 0 : i32
        %dma_wait3A_66 = tpu.memref_slice %arg5[%add3A_39, %dma_wait3A_65] : memref<1280x128xi32, #tpu.memory_space<hbm>> -> memref<40x128xi32, #tpu.memory_space<hbm>>
        %dma_wait3A_67 = arith.constant 0 : i32
        %dma_wait3A_68 = tpu.memref_slice %arg5[%add3A_39, %dma_wait3A_67] : memref<1280x128xi32, #tpu.memory_space<hbm>> -> memref<40x128xi32, #tpu.memory_space<hbm>>
        tpu.wait_dma2 semaphore(%run_scoped3A : memref<!tpu.dma_semaphore, #tpu.memory_space<semaphore_mem>>) src(%dma_wait3A_68 : memref<40x128xi32, #tpu.memory_space<hbm>>) dst(%arg10 : memref<40x128xi32, #tpu.memory_space<vmem>>)
        tpu.yield
      }) : () -> ()
      %dma_start3A_40 = arith.constant 0 : i32
      %dma_start3A_41 = arith.constant 0 : i32
      %dma_start3A_42 = tpu.memref_slice %arg9[%dma_start3A_40, %dma_start3A_41] : memref<40x128xi32, #tpu.memory_space<vmem>> -> memref<1x128xi32, #tpu.memory_space<vmem>>
      %dma_start3A_43 = tpu.memref_squeeze %dma_start3A_42 : memref<1x128xi32, #tpu.memory_space<vmem>> -> memref<128xi32, #tpu.memory_space<vmem>>
      %dma_start3A_44 = arith.constant 0 : i32
      %dma_start3A_45 = arith.constant 0 : i32
      %dma_start3A_46 = tpu.memref_slice %arg2[%dma_start3A_44, %dma_start3A_45] : memref<10000x128xf32, #tpu.memory_space<hbm>> -> memref<10000x128xf32, #tpu.memory_space<hbm>>
      tpu.enqueue_indirect_dma source(%dma_start3A_46 : memref<10000x128xf32, #tpu.memory_space<hbm>>) target(%arg11 : memref<128x128xf32, #tpu.memory_space<vmem>>) offsets(%dma_start3A_43 : memref<128xi32, #tpu.memory_space<vmem>>) semaphore(%arg14 : memref<!tpu.dma_semaphore, #tpu.memory_space<semaphore_mem>>)
      %scan3A_47 = arith.constant 0 : i32
      %scan3A_48 = arith.constant 0 : i32
      %scan3A_49 = arith.constant 20 : i32
      %scan3A_50 = arith.addi %scan3A_48, %scan3A_49 : i32
      %scan3A_51 = arith.constant 1 : i32
      scf.for %scan3A_61 = %scan3A_48 to %scan3A_50 step %scan3A_51  : i32 {
        %mul3A_62 = arith.constant 2 : i32
        %mul3A_63 = arith.muli %scan3A_61, %mul3A_62 : i32
        %dma_wait3A_64 = arith.constant 0 : i32
        %dma_wait3A_65 = tpu.memref_slice %arg9[%mul3A_63, %dma_wait3A_64] : memref<40x128xi32, #tpu.memory_space<vmem>> -> memref<1x128xi32, #tpu.memory_space<vmem>>
        %dma_wait3A_66 = tpu.memref_squeeze %dma_wait3A_65 : memref<1x128xi32, #tpu.memory_space<vmem>> -> memref<128xi32, #tpu.memory_space<vmem>>
        %dma_wait3A_67 = arith.constant 0 : i32
        %dma_wait3A_68 = arith.constant 0 : i32
        %dma_wait3A_69 = tpu.memref_slice %arg2[%dma_wait3A_67, %dma_wait3A_68] : memref<10000x128xf32, #tpu.memory_space<hbm>> -> memref<10000x128xf32, #tpu.memory_space<hbm>>
        tpu.wait_indirect_dma semaphore(%arg14 : memref<!tpu.dma_semaphore, #tpu.memory_space<semaphore_mem>>) src(%dma_wait3A_69 : memref<10000x128xf32, #tpu.memory_space<hbm>>) dst(%arg11 : memref<128x128xf32, #tpu.memory_space<vmem>>)
        %dma_start3A_70 = arith.constant 0 : i32
        %dma_start3A_71 = tpu.memref_slice %arg10[%mul3A_63, %dma_start3A_70] : memref<40x128xi32, #tpu.memory_space<vmem>> -> memref<1x128xi32, #tpu.memory_space<vmem>>
        %dma_start3A_72 = tpu.memref_squeeze %dma_start3A_71 : memref<1x128xi32, #tpu.memory_space<vmem>> -> memref<128xi32, #tpu.memory_space<vmem>>
        %dma_start3A_73 = arith.constant 0 : i32
        %dma_start3A_74 = arith.constant 0 : i32
        %dma_start3A_75 = tpu.memref_slice %arg13[%dma_start3A_73, %dma_start3A_74] : memref<10112x128xf32, #tpu.memory_space<vmem_shared>> -> memref<10112x128xf32, #tpu.memory_space<vmem_shared>>
        tpu.enqueue_indirect_dma source(%arg11 : memref<128x128xf32, #tpu.memory_space<vmem>>) target(%dma_start3A_75 : memref<10112x128xf32, #tpu.memory_space<vmem_shared>>) offsets(%dma_start3A_72 : memref<128xi32, #tpu.memory_space<vmem>>) semaphore(%arg16 : memref<!tpu.dma_semaphore, #tpu.memory_space<semaphore_mem>>) {add = true}
        %gt3A = arith.constant 0 : i32
        %gt3A_76 = arith.cmpi sgt, %mul3A_63, %gt3A : i32
        %convert_element_type3A_77 = arith.extui %gt3A_76 : i1 to i32
        %cond3A_78 = arith.constant 0 : i32
        %cond3A_79 = arith.cmpi ne, %convert_element_type3A_77, %cond3A_78 : i32
        scf.if %cond3A_79 {
          %dma_wait3A_117 = arith.constant 0 : i32
          %dma_wait3A_118 = arith.constant 0 : i32
          %dma_wait3A_119 = tpu.memref_slice %arg10[%dma_wait3A_117, %dma_wait3A_118] : memref<40x128xi32, #tpu.memory_space<vmem>> -> memref<1x128xi32, #tpu.memory_space<vmem>>
          %dma_wait3A_120 = tpu.memref_squeeze %dma_wait3A_119 : memref<1x128xi32, #tpu.memory_space<vmem>> -> memref<128xi32, #tpu.memory_space<vmem>>
          %dma_wait3A_121 = arith.constant 0 : i32
          %dma_wait3A_122 = arith.constant 0 : i32
          %dma_wait3A_123 = tpu.memref_slice %arg13[%dma_wait3A_121, %dma_wait3A_122] : memref<10112x128xf32, #tpu.memory_space<vmem_shared>> -> memref<10112x128xf32, #tpu.memory_space<vmem_shared>>
          tpu.wait_indirect_dma semaphore(%arg17 : memref<!tpu.dma_semaphore, #tpu.memory_space<semaphore_mem>>) src(%arg12 : memref<128x128xf32, #tpu.memory_space<vmem>>) dst(%dma_wait3A_123 : memref<10112x128xf32, #tpu.memory_space<vmem_shared>>)
        } else {
        }
        %add3A_80 = arith.constant 1 : i32
        %add3A_81 = arith.addi %mul3A_63, %add3A_80 : i32
        %dma_start3A_82 = arith.constant 0 : i32
        %dma_start3A_83 = tpu.memref_slice %arg9[%add3A_81, %dma_start3A_82] : memref<40x128xi32, #tpu.memory_space<vmem>> -> memref<1x128xi32, #tpu.memory_space<vmem>>
        %dma_start3A_84 = tpu.memref_squeeze %dma_start3A_83 : memref<1x128xi32, #tpu.memory_space<vmem>> -> memref<128xi32, #tpu.memory_space<vmem>>
        %dma_start3A_85 = arith.constant 0 : i32
        %dma_start3A_86 = arith.constant 0 : i32
        %dma_start3A_87 = tpu.memref_slice %arg2[%dma_start3A_85, %dma_start3A_86] : memref<10000x128xf32, #tpu.memory_space<hbm>> -> memref<10000x128xf32, #tpu.memory_space<hbm>>
        tpu.enqueue_indirect_dma source(%dma_start3A_87 : memref<10000x128xf32, #tpu.memory_space<hbm>>) target(%arg12 : memref<128x128xf32, #tpu.memory_space<vmem>>) offsets(%dma_start3A_84 : memref<128xi32, #tpu.memory_space<vmem>>) semaphore(%arg15 : memref<!tpu.dma_semaphore, #tpu.memory_space<semaphore_mem>>)
        %add3A_88 = arith.constant 1 : i32
        %add3A_89 = arith.addi %mul3A_63, %add3A_88 : i32
        %dma_wait3A_90 = arith.constant 0 : i32
        %dma_wait3A_91 = tpu.memref_slice %arg9[%add3A_89, %dma_wait3A_90] : memref<40x128xi32, #tpu.memory_space<vmem>> -> memref<1x128xi32, #tpu.memory_space<vmem>>
        %dma_wait3A_92 = tpu.memref_squeeze %dma_wait3A_91 : memref<1x128xi32, #tpu.memory_space<vmem>> -> memref<128xi32, #tpu.memory_space<vmem>>
        %dma_wait3A_93 = arith.constant 0 : i32
        %dma_wait3A_94 = arith.constant 0 : i32
        %dma_wait3A_95 = tpu.memref_slice %arg2[%dma_wait3A_93, %dma_wait3A_94] : memref<10000x128xf32, #tpu.memory_space<hbm>> -> memref<10000x128xf32, #tpu.memory_space<hbm>>
        tpu.wait_indirect_dma semaphore(%arg15 : memref<!tpu.dma_semaphore, #tpu.memory_space<semaphore_mem>>) src(%dma_wait3A_95 : memref<10000x128xf32, #tpu.memory_space<hbm>>) dst(%arg12 : memref<128x128xf32, #tpu.memory_space<vmem>>)
        %add3A_96 = arith.constant 1 : i32
        %add3A_97 = arith.addi %mul3A_63, %add3A_96 : i32
        %dma_start3A_98 = arith.constant 0 : i32
        %dma_start3A_99 = tpu.memref_slice %arg10[%add3A_97, %dma_start3A_98] : memref<40x128xi32, #tpu.memory_space<vmem>> -> memref<1x128xi32, #tpu.memory_space<vmem>>
        %dma_start3A_100 = tpu.memref_squeeze %dma_start3A_99 : memref<1x128xi32, #tpu.memory_space<vmem>> -> memref<128xi32, #tpu.memory_space<vmem>>
        %dma_start3A_101 = arith.constant 0 : i32
        %dma_start3A_102 = arith.constant 0 : i32
        %dma_start3A_103 = tpu.memref_slice %arg13[%dma_start3A_101, %dma_start3A_102] : memref<10112x128xf32, #tpu.memory_space<vmem_shared>> -> memref<10112x128xf32, #tpu.memory_space<vmem_shared>>
        tpu.enqueue_indirect_dma source(%arg12 : memref<128x128xf32, #tpu.memory_space<vmem>>) target(%dma_start3A_103 : memref<10112x128xf32, #tpu.memory_space<vmem_shared>>) offsets(%dma_start3A_100 : memref<128xi32, #tpu.memory_space<vmem>>) semaphore(%arg17 : memref<!tpu.dma_semaphore, #tpu.memory_space<semaphore_mem>>) {add = true}
        %dma_wait3A_104 = arith.constant 0 : i32
        %dma_wait3A_105 = arith.constant 0 : i32
        %dma_wait3A_106 = tpu.memref_slice %arg10[%dma_wait3A_104, %dma_wait3A_105] : memref<40x128xi32, #tpu.memory_space<vmem>> -> memref<1x128xi32, #tpu.memory_space<vmem>>
        %dma_wait3A_107 = tpu.memref_squeeze %dma_wait3A_106 : memref<1x128xi32, #tpu.memory_space<vmem>> -> memref<128xi32, #tpu.memory_space<vmem>>
        %dma_wait3A_108 = arith.constant 0 : i32
        %dma_wait3A_109 = arith.constant 0 : i32
        %dma_wait3A_110 = tpu.memref_slice %arg13[%dma_wait3A_108, %dma_wait3A_109] : memref<10112x128xf32, #tpu.memory_space<vmem_shared>> -> memref<10112x128xf32, #tpu.memory_space<vmem_shared>>
        tpu.wait_indirect_dma semaphore(%arg16 : memref<!tpu.dma_semaphore, #tpu.memory_space<semaphore_mem>>) src(%arg11 : memref<128x128xf32, #tpu.memory_space<vmem>>) dst(%dma_wait3A_110 : memref<10112x128xf32, #tpu.memory_space<vmem_shared>>)
        %add3A_111 = arith.constant 2 : i32
        %add3A_112 = arith.addi %mul3A_63, %add3A_111 : i32
        %lt3A = arith.constant 40 : i32
        %lt3A_113 = arith.cmpi slt, %add3A_112, %lt3A : i32
        %convert_element_type3A_114 = arith.extui %lt3A_113 : i1 to i32
        %cond3A_115 = arith.constant 0 : i32
        %cond3A_116 = arith.cmpi ne, %convert_element_type3A_114, %cond3A_115 : i32
        scf.if %cond3A_116 {
          %add3A_117 = arith.constant 2 : i32
          %add3A_118 = arith.addi %mul3A_63, %add3A_117 : i32
          %dma_start3A_119 = arith.constant 0 : i32
          %dma_start3A_120 = tpu.memref_slice %arg9[%add3A_118, %dma_start3A_119] : memref<40x128xi32, #tpu.memory_space<vmem>> -> memref<1x128xi32, #tpu.memory_space<vmem>>
          %dma_start3A_121 = tpu.memref_squeeze %dma_start3A_120 : memref<1x128xi32, #tpu.memory_space<vmem>> -> memref<128xi32, #tpu.memory_space<vmem>>
          %dma_start3A_122 = arith.constant 0 : i32
          %dma_start3A_123 = arith.constant 0 : i32
          %dma_start3A_124 = tpu.memref_slice %arg2[%dma_start3A_122, %dma_start3A_123] : memref<10000x128xf32, #tpu.memory_space<hbm>> -> memref<10000x128xf32, #tpu.memory_space<hbm>>
          tpu.enqueue_indirect_dma source(%dma_start3A_124 : memref<10000x128xf32, #tpu.memory_space<hbm>>) target(%arg11 : memref<128x128xf32, #tpu.memory_space<vmem>>) offsets(%dma_start3A_121 : memref<128xi32, #tpu.memory_space<vmem>>) semaphore(%arg14 : memref<!tpu.dma_semaphore, #tpu.memory_space<semaphore_mem>>)
        } else {
        }
      }
      %scan3A_52 = arith.constant 20 : i32
      %dma_wait3A_53 = arith.constant 0 : i32
      %dma_wait3A_54 = arith.constant 0 : i32
      %dma_wait3A_55 = tpu.memref_slice %arg10[%dma_wait3A_53, %dma_wait3A_54] : memref<40x128xi32, #tpu.memory_space<vmem>> -> memref<1x128xi32, #tpu.memory_space<vmem>>
      %dma_wait3A_56 = tpu.memref_squeeze %dma_wait3A_55 : memref<1x128xi32, #tpu.memory_space<vmem>> -> memref<128xi32, #tpu.memory_space<vmem>>
      %dma_wait3A_57 = arith.constant 0 : i32
      %dma_wait3A_58 = arith.constant 0 : i32
      %dma_wait3A_59 = tpu.memref_slice %arg13[%dma_wait3A_57, %dma_wait3A_58] : memref<10112x128xf32, #tpu.memory_space<vmem_shared>> -> memref<10112x128xf32, #tpu.memory_space<vmem_shared>>
      tpu.wait_indirect_dma semaphore(%arg17 : memref<!tpu.dma_semaphore, #tpu.memory_space<semaphore_mem>>) src(%arg12 : memref<128x128xf32, #tpu.memory_space<vmem>>) dst(%dma_wait3A_59 : memref<10112x128xf32, #tpu.memory_space<vmem_shared>>)
      %barrier3A_60 = arith.constant 0 : index
      tpu.barrier barrier_id(%barrier3A_60)
      "tpu.region"() ({
        %run_scoped3A = tpu.sem_alloc : memref<!tpu.dma_semaphore, #tpu.memory_space<semaphore_mem>>
        %dma_start3A_61 = arith.constant 0 : i32
        %dma_start3A_62 = tpu.memref_slice %arg7[%mul3A_0, %dma_start3A_61] : memref<10112x128xf32, #tpu.memory_space<hbm>> -> memref<632x128xf32, #tpu.memory_space<hbm>>
        %dma_start3A_63 = arith.constant 0 : i32
        %dma_start3A_64 = tpu.memref_slice %arg13[%mul3A_0, %dma_start3A_63] : memref<10112x128xf32, #tpu.memory_space<vmem_shared>> -> memref<632x128xf32, #tpu.memory_space<vmem_shared>>
        tpu.enqueue_dma source(%dma_start3A_64 : memref<632x128xf32, #tpu.memory_space<vmem_shared>>) target(%dma_start3A_62 : memref<632x128xf32, #tpu.memory_space<hbm>>) target_semaphore(%run_scoped3A : memref<!tpu.dma_semaphore, #tpu.memory_space<semaphore_mem>>)
        %dma_wait3A_65 = arith.constant 0 : i32
        %dma_wait3A_66 = tpu.memref_slice %arg7[%mul3A_0, %dma_wait3A_65] : memref<10112x128xf32, #tpu.memory_space<hbm>> -> memref<632x128xf32, #tpu.memory_space<hbm>>
        %dma_wait3A_67 = arith.constant 0 : i32
        %dma_wait3A_68 = tpu.memref_slice %arg13[%mul3A_0, %dma_wait3A_67] : memref<10112x128xf32, #tpu.memory_space<vmem_shared>> -> memref<632x128xf32, #tpu.memory_space<vmem_shared>>
        tpu.wait_dma2 semaphore(%run_scoped3A : memref<!tpu.dma_semaphore, #tpu.memory_space<semaphore_mem>>) src(%dma_wait3A_68 : memref<632x128xf32, #tpu.memory_space<vmem_shared>>) dst(%dma_wait3A_66 : memref<632x128xf32, #tpu.memory_space<hbm>>)
        tpu.yield
      }) : () -> ()
    } else {
    }
    %eq3A_3 = arith.constant 1 : i32
    %eq3A_4 = arith.cmpi eq, %arg0, %eq3A_3 : i32
    %convert_element_type3A_5 = arith.extui %eq3A_4 : i1 to i32
    %cond3A_6 = arith.constant 0 : i32
    %cond3A_7 = arith.cmpi ne, %convert_element_type3A_5, %cond3A_6 : i32
    scf.if %cond3A_7 {
      %dma_start3A = arith.constant 0 : i32
      %dma_start3A_8 = tpu.memref_slice %arg13[%mul3A_0, %dma_start3A] : memref<10112x128xf32, #tpu.memory_space<vmem_shared>> -> memref<632x128xf32, #tpu.memory_space<vmem_shared>>
      %dma_start3A_9 = arith.constant 0 : i32
      %dma_start3A_10 = tpu.memref_slice %arg6[%mul3A_0, %dma_start3A_9] : memref<10112x128xf32, #tpu.memory_space<hbm>> -> memref<632x128xf32, #tpu.memory_space<hbm>>
      tpu.enqueue_dma source(%dma_start3A_10 : memref<632x128xf32, #tpu.memory_space<hbm>>) target(%dma_start3A_8 : memref<632x128xf32, #tpu.memory_space<vmem_shared>>) target_semaphore(%arg16 : memref<!tpu.dma_semaphore, #tpu.memory_space<semaphore_mem>>)
      %mul3A_11 = arith.constant 80 : i32
      %mul3A_12 = arith.muli %arg1, %mul3A_11 : i32
      %add3A = arith.constant 0 : i32
      %add3A_13 = arith.addi %mul3A_12, %add3A : i32
      "tpu.region"() ({
        %run_scoped3A = tpu.sem_alloc : memref<!tpu.dma_semaphore, #tpu.memory_space<semaphore_mem>>
        %dma_start3A_61 = arith.constant 0 : i32
        %dma_start3A_62 = tpu.memref_slice %arg4[%add3A_13, %dma_start3A_61] : memref<1280x128xi32, #tpu.memory_space<hbm>> -> memref<40x128xi32, #tpu.memory_space<hbm>>
        %dma_start3A_63 = arith.constant 0 : i32
        %dma_start3A_64 = tpu.memref_slice %arg4[%add3A_13, %dma_start3A_63] : memref<1280x128xi32, #tpu.memory_space<hbm>> -> memref<40x128xi32, #tpu.memory_space<hbm>>
        tpu.enqueue_dma source(%dma_start3A_64 : memref<40x128xi32, #tpu.memory_space<hbm>>) target(%arg9 : memref<40x128xi32, #tpu.memory_space<vmem>>) target_semaphore(%run_scoped3A : memref<!tpu.dma_semaphore, #tpu.memory_space<semaphore_mem>>)
        %dma_wait3A_65 = arith.constant 0 : i32
        %dma_wait3A_66 = tpu.memref_slice %arg4[%add3A_13, %dma_wait3A_65] : memref<1280x128xi32, #tpu.memory_space<hbm>> -> memref<40x128xi32, #tpu.memory_space<hbm>>
        %dma_wait3A_67 = arith.constant 0 : i32
        %dma_wait3A_68 = tpu.memref_slice %arg4[%add3A_13, %dma_wait3A_67] : memref<1280x128xi32, #tpu.memory_space<hbm>> -> memref<40x128xi32, #tpu.memory_space<hbm>>
        tpu.wait_dma2 semaphore(%run_scoped3A : memref<!tpu.dma_semaphore, #tpu.memory_space<semaphore_mem>>) src(%dma_wait3A_68 : memref<40x128xi32, #tpu.memory_space<hbm>>) dst(%arg9 : memref<40x128xi32, #tpu.memory_space<vmem>>)
        tpu.yield
      }) : () -> ()
      "tpu.region"() ({
        %run_scoped3A = tpu.sem_alloc : memref<!tpu.dma_semaphore, #tpu.memory_space<semaphore_mem>>
        %dma_start3A_61 = arith.constant 0 : i32
        %dma_start3A_62 = tpu.memref_slice %arg5[%add3A_13, %dma_start3A_61] : memref<1280x128xi32, #tpu.memory_space<hbm>> -> memref<40x128xi32, #tpu.memory_space<hbm>>
        %dma_start3A_63 = arith.constant 0 : i32
        %dma_start3A_64 = tpu.memref_slice %arg5[%add3A_13, %dma_start3A_63] : memref<1280x128xi32, #tpu.memory_space<hbm>> -> memref<40x128xi32, #tpu.memory_space<hbm>>
        tpu.enqueue_dma source(%dma_start3A_64 : memref<40x128xi32, #tpu.memory_space<hbm>>) target(%arg10 : memref<40x128xi32, #tpu.memory_space<vmem>>) target_semaphore(%run_scoped3A : memref<!tpu.dma_semaphore, #tpu.memory_space<semaphore_mem>>)
        %dma_wait3A_65 = arith.constant 0 : i32
        %dma_wait3A_66 = tpu.memref_slice %arg5[%add3A_13, %dma_wait3A_65] : memref<1280x128xi32, #tpu.memory_space<hbm>> -> memref<40x128xi32, #tpu.memory_space<hbm>>
        %dma_wait3A_67 = arith.constant 0 : i32
        %dma_wait3A_68 = tpu.memref_slice %arg5[%add3A_13, %dma_wait3A_67] : memref<1280x128xi32, #tpu.memory_space<hbm>> -> memref<40x128xi32, #tpu.memory_space<hbm>>
        tpu.wait_dma2 semaphore(%run_scoped3A : memref<!tpu.dma_semaphore, #tpu.memory_space<semaphore_mem>>) src(%dma_wait3A_68 : memref<40x128xi32, #tpu.memory_space<hbm>>) dst(%arg10 : memref<40x128xi32, #tpu.memory_space<vmem>>)
        tpu.yield
      }) : () -> ()
      %dma_start3A_14 = arith.constant 0 : i32
      %dma_start3A_15 = arith.constant 0 : i32
      %dma_start3A_16 = tpu.memref_slice %arg9[%dma_start3A_14, %dma_start3A_15] : memref<40x128xi32, #tpu.memory_space<vmem>> -> memref<1x128xi32, #tpu.memory_space<vmem>>
      %dma_start3A_17 = tpu.memref_squeeze %dma_start3A_16 : memref<1x128xi32, #tpu.memory_space<vmem>> -> memref<128xi32, #tpu.memory_space<vmem>>
      %dma_start3A_18 = arith.constant 0 : i32
      %dma_start3A_19 = arith.constant 0 : i32
      %dma_start3A_20 = tpu.memref_slice %arg3[%dma_start3A_18, %dma_start3A_19] : memref<10000x128xf32, #tpu.memory_space<hbm>> -> memref<10000x128xf32, #tpu.memory_space<hbm>>
      tpu.enqueue_indirect_dma source(%dma_start3A_20 : memref<10000x128xf32, #tpu.memory_space<hbm>>) target(%arg11 : memref<128x128xf32, #tpu.memory_space<vmem>>) offsets(%dma_start3A_17 : memref<128xi32, #tpu.memory_space<vmem>>) semaphore(%arg14 : memref<!tpu.dma_semaphore, #tpu.memory_space<semaphore_mem>>)
      %dma_wait3A = arith.constant 0 : i32
      %dma_wait3A_21 = tpu.memref_slice %arg13[%mul3A_0, %dma_wait3A] : memref<10112x128xf32, #tpu.memory_space<vmem_shared>> -> memref<632x128xf32, #tpu.memory_space<vmem_shared>>
      %dma_wait3A_22 = arith.constant 0 : i32
      %dma_wait3A_23 = tpu.memref_slice %arg6[%mul3A_0, %dma_wait3A_22] : memref<10112x128xf32, #tpu.memory_space<hbm>> -> memref<632x128xf32, #tpu.memory_space<hbm>>
      tpu.wait_dma2 semaphore(%arg16 : memref<!tpu.dma_semaphore, #tpu.memory_space<semaphore_mem>>) src(%dma_wait3A_23 : memref<632x128xf32, #tpu.memory_space<hbm>>) dst(%dma_wait3A_21 : memref<632x128xf32, #tpu.memory_space<vmem_shared>>)
      %barrier3A = arith.constant 0 : index
      tpu.barrier barrier_id(%barrier3A)
      %scan3A = arith.constant 0 : i32
      %scan3A_24 = arith.constant 0 : i32
      %scan3A_25 = arith.constant 20 : i32
      %scan3A_26 = arith.addi %scan3A_24, %scan3A_25 : i32
      %scan3A_27 = arith.constant 1 : i32
      scf.for %scan3A_61 = %scan3A_24 to %scan3A_26 step %scan3A_27  : i32 {
        %mul3A_62 = arith.constant 2 : i32
        %mul3A_63 = arith.muli %scan3A_61, %mul3A_62 : i32
        %dma_wait3A_64 = arith.constant 0 : i32
        %dma_wait3A_65 = tpu.memref_slice %arg9[%mul3A_63, %dma_wait3A_64] : memref<40x128xi32, #tpu.memory_space<vmem>> -> memref<1x128xi32, #tpu.memory_space<vmem>>
        %dma_wait3A_66 = tpu.memref_squeeze %dma_wait3A_65 : memref<1x128xi32, #tpu.memory_space<vmem>> -> memref<128xi32, #tpu.memory_space<vmem>>
        %dma_wait3A_67 = arith.constant 0 : i32
        %dma_wait3A_68 = arith.constant 0 : i32
        %dma_wait3A_69 = tpu.memref_slice %arg3[%dma_wait3A_67, %dma_wait3A_68] : memref<10000x128xf32, #tpu.memory_space<hbm>> -> memref<10000x128xf32, #tpu.memory_space<hbm>>
        tpu.wait_indirect_dma semaphore(%arg14 : memref<!tpu.dma_semaphore, #tpu.memory_space<semaphore_mem>>) src(%dma_wait3A_69 : memref<10000x128xf32, #tpu.memory_space<hbm>>) dst(%arg11 : memref<128x128xf32, #tpu.memory_space<vmem>>)
        %dma_start3A_70 = arith.constant 0 : i32
        %dma_start3A_71 = tpu.memref_slice %arg10[%mul3A_63, %dma_start3A_70] : memref<40x128xi32, #tpu.memory_space<vmem>> -> memref<1x128xi32, #tpu.memory_space<vmem>>
        %dma_start3A_72 = tpu.memref_squeeze %dma_start3A_71 : memref<1x128xi32, #tpu.memory_space<vmem>> -> memref<128xi32, #tpu.memory_space<vmem>>
        %dma_start3A_73 = arith.constant 0 : i32
        %dma_start3A_74 = arith.constant 0 : i32
        %dma_start3A_75 = tpu.memref_slice %arg13[%dma_start3A_73, %dma_start3A_74] : memref<10112x128xf32, #tpu.memory_space<vmem_shared>> -> memref<10112x128xf32, #tpu.memory_space<vmem_shared>>
        tpu.enqueue_indirect_dma source(%arg11 : memref<128x128xf32, #tpu.memory_space<vmem>>) target(%dma_start3A_75 : memref<10112x128xf32, #tpu.memory_space<vmem_shared>>) offsets(%dma_start3A_72 : memref<128xi32, #tpu.memory_space<vmem>>) semaphore(%arg16 : memref<!tpu.dma_semaphore, #tpu.memory_space<semaphore_mem>>) {add = true}
        %gt3A = arith.constant 0 : i32
        %gt3A_76 = arith.cmpi sgt, %mul3A_63, %gt3A : i32
        %convert_element_type3A_77 = arith.extui %gt3A_76 : i1 to i32
        %cond3A_78 = arith.constant 0 : i32
        %cond3A_79 = arith.cmpi ne, %convert_element_type3A_77, %cond3A_78 : i32
        scf.if %cond3A_79 {
          %dma_wait3A_117 = arith.constant 0 : i32
          %dma_wait3A_118 = arith.constant 0 : i32
          %dma_wait3A_119 = tpu.memref_slice %arg10[%dma_wait3A_117, %dma_wait3A_118] : memref<40x128xi32, #tpu.memory_space<vmem>> -> memref<1x128xi32, #tpu.memory_space<vmem>>
          %dma_wait3A_120 = tpu.memref_squeeze %dma_wait3A_119 : memref<1x128xi32, #tpu.memory_space<vmem>> -> memref<128xi32, #tpu.memory_space<vmem>>
          %dma_wait3A_121 = arith.constant 0 : i32
          %dma_wait3A_122 = arith.constant 0 : i32
          %dma_wait3A_123 = tpu.memref_slice %arg13[%dma_wait3A_121, %dma_wait3A_122] : memref<10112x128xf32, #tpu.memory_space<vmem_shared>> -> memref<10112x128xf32, #tpu.memory_space<vmem_shared>>
          tpu.wait_indirect_dma semaphore(%arg17 : memref<!tpu.dma_semaphore, #tpu.memory_space<semaphore_mem>>) src(%arg12 : memref<128x128xf32, #tpu.memory_space<vmem>>) dst(%dma_wait3A_123 : memref<10112x128xf32, #tpu.memory_space<vmem_shared>>)
        } else {
        }
        %add3A_80 = arith.constant 1 : i32
        %add3A_81 = arith.addi %mul3A_63, %add3A_80 : i32
        %dma_start3A_82 = arith.constant 0 : i32
        %dma_start3A_83 = tpu.memref_slice %arg9[%add3A_81, %dma_start3A_82] : memref<40x128xi32, #tpu.memory_space<vmem>> -> memref<1x128xi32, #tpu.memory_space<vmem>>
        %dma_start3A_84 = tpu.memref_squeeze %dma_start3A_83 : memref<1x128xi32, #tpu.memory_space<vmem>> -> memref<128xi32, #tpu.memory_space<vmem>>
        %dma_start3A_85 = arith.constant 0 : i32
        %dma_start3A_86 = arith.constant 0 : i32
        %dma_start3A_87 = tpu.memref_slice %arg3[%dma_start3A_85, %dma_start3A_86] : memref<10000x128xf32, #tpu.memory_space<hbm>> -> memref<10000x128xf32, #tpu.memory_space<hbm>>
        tpu.enqueue_indirect_dma source(%dma_start3A_87 : memref<10000x128xf32, #tpu.memory_space<hbm>>) target(%arg12 : memref<128x128xf32, #tpu.memory_space<vmem>>) offsets(%dma_start3A_84 : memref<128xi32, #tpu.memory_space<vmem>>) semaphore(%arg15 : memref<!tpu.dma_semaphore, #tpu.memory_space<semaphore_mem>>)
        %add3A_88 = arith.constant 1 : i32
        %add3A_89 = arith.addi %mul3A_63, %add3A_88 : i32
        %dma_wait3A_90 = arith.constant 0 : i32
        %dma_wait3A_91 = tpu.memref_slice %arg9[%add3A_89, %dma_wait3A_90] : memref<40x128xi32, #tpu.memory_space<vmem>> -> memref<1x128xi32, #tpu.memory_space<vmem>>
        %dma_wait3A_92 = tpu.memref_squeeze %dma_wait3A_91 : memref<1x128xi32, #tpu.memory_space<vmem>> -> memref<128xi32, #tpu.memory_space<vmem>>
        %dma_wait3A_93 = arith.constant 0 : i32
        %dma_wait3A_94 = arith.constant 0 : i32
        %dma_wait3A_95 = tpu.memref_slice %arg3[%dma_wait3A_93, %dma_wait3A_94] : memref<10000x128xf32, #tpu.memory_space<hbm>> -> memref<10000x128xf32, #tpu.memory_space<hbm>>
        tpu.wait_indirect_dma semaphore(%arg15 : memref<!tpu.dma_semaphore, #tpu.memory_space<semaphore_mem>>) src(%dma_wait3A_95 : memref<10000x128xf32, #tpu.memory_space<hbm>>) dst(%arg12 : memref<128x128xf32, #tpu.memory_space<vmem>>)
        %add3A_96 = arith.constant 1 : i32
        %add3A_97 = arith.addi %mul3A_63, %add3A_96 : i32
        %dma_start3A_98 = arith.constant 0 : i32
        %dma_start3A_99 = tpu.memref_slice %arg10[%add3A_97, %dma_start3A_98] : memref<40x128xi32, #tpu.memory_space<vmem>> -> memref<1x128xi32, #tpu.memory_space<vmem>>
        %dma_start3A_100 = tpu.memref_squeeze %dma_start3A_99 : memref<1x128xi32, #tpu.memory_space<vmem>> -> memref<128xi32, #tpu.memory_space<vmem>>
        %dma_start3A_101 = arith.constant 0 : i32
        %dma_start3A_102 = arith.constant 0 : i32
        %dma_start3A_103 = tpu.memref_slice %arg13[%dma_start3A_101, %dma_start3A_102] : memref<10112x128xf32, #tpu.memory_space<vmem_shared>> -> memref<10112x128xf32, #tpu.memory_space<vmem_shared>>
        tpu.enqueue_indirect_dma source(%arg12 : memref<128x128xf32, #tpu.memory_space<vmem>>) target(%dma_start3A_103 : memref<10112x128xf32, #tpu.memory_space<vmem_shared>>) offsets(%dma_start3A_100 : memref<128xi32, #tpu.memory_space<vmem>>) semaphore(%arg17 : memref<!tpu.dma_semaphore, #tpu.memory_space<semaphore_mem>>) {add = true}
        %dma_wait3A_104 = arith.constant 0 : i32
        %dma_wait3A_105 = arith.constant 0 : i32
        %dma_wait3A_106 = tpu.memref_slice %arg10[%dma_wait3A_104, %dma_wait3A_105] : memref<40x128xi32, #tpu.memory_space<vmem>> -> memref<1x128xi32, #tpu.memory_space<vmem>>
        %dma_wait3A_107 = tpu.memref_squeeze %dma_wait3A_106 : memref<1x128xi32, #tpu.memory_space<vmem>> -> memref<128xi32, #tpu.memory_space<vmem>>
        %dma_wait3A_108 = arith.constant 0 : i32
        %dma_wait3A_109 = arith.constant 0 : i32
        %dma_wait3A_110 = tpu.memref_slice %arg13[%dma_wait3A_108, %dma_wait3A_109] : memref<10112x128xf32, #tpu.memory_space<vmem_shared>> -> memref<10112x128xf32, #tpu.memory_space<vmem_shared>>
        tpu.wait_indirect_dma semaphore(%arg16 : memref<!tpu.dma_semaphore, #tpu.memory_space<semaphore_mem>>) src(%arg11 : memref<128x128xf32, #tpu.memory_space<vmem>>) dst(%dma_wait3A_110 : memref<10112x128xf32, #tpu.memory_space<vmem_shared>>)
        %add3A_111 = arith.constant 2 : i32
        %add3A_112 = arith.addi %mul3A_63, %add3A_111 : i32
        %lt3A = arith.constant 40 : i32
        %lt3A_113 = arith.cmpi slt, %add3A_112, %lt3A : i32
        %convert_element_type3A_114 = arith.extui %lt3A_113 : i1 to i32
        %cond3A_115 = arith.constant 0 : i32
        %cond3A_116 = arith.cmpi ne, %convert_element_type3A_114, %cond3A_115 : i32
        scf.if %cond3A_116 {
          %add3A_117 = arith.constant 2 : i32
          %add3A_118 = arith.addi %mul3A_63, %add3A_117 : i32
          %dma_start3A_119 = arith.constant 0 : i32
          %dma_start3A_120 = tpu.memref_slice %arg9[%add3A_118, %dma_start3A_119] : memref<40x128xi32, #tpu.memory_space<vmem>> -> memref<1x128xi32, #tpu.memory_space<vmem>>
          %dma_start3A_121 = tpu.memref_squeeze %dma_start3A_120 : memref<1x128xi32, #tpu.memory_space<vmem>> -> memref<128xi32, #tpu.memory_space<vmem>>
          %dma_start3A_122 = arith.constant 0 : i32
          %dma_start3A_123 = arith.constant 0 : i32
          %dma_start3A_124 = tpu.memref_slice %arg3[%dma_start3A_122, %dma_start3A_123] : memref<10000x128xf32, #tpu.memory_space<hbm>> -> memref<10000x128xf32, #tpu.memory_space<hbm>>
          tpu.enqueue_indirect_dma source(%dma_start3A_124 : memref<10000x128xf32, #tpu.memory_space<hbm>>) target(%arg11 : memref<128x128xf32, #tpu.memory_space<vmem>>) offsets(%dma_start3A_121 : memref<128xi32, #tpu.memory_space<vmem>>) semaphore(%arg14 : memref<!tpu.dma_semaphore, #tpu.memory_space<semaphore_mem>>)
        } else {
        }
      }
      %scan3A_28 = arith.constant 20 : i32
      %dma_wait3A_29 = arith.constant 0 : i32
      %dma_wait3A_30 = arith.constant 0 : i32
      %dma_wait3A_31 = tpu.memref_slice %arg10[%dma_wait3A_29, %dma_wait3A_30] : memref<40x128xi32, #tpu.memory_space<vmem>> -> memref<1x128xi32, #tpu.memory_space<vmem>>
      %dma_wait3A_32 = tpu.memref_squeeze %dma_wait3A_31 : memref<1x128xi32, #tpu.memory_space<vmem>> -> memref<128xi32, #tpu.memory_space<vmem>>
      %dma_wait3A_33 = arith.constant 0 : i32
      %dma_wait3A_34 = arith.constant 0 : i32
      %dma_wait3A_35 = tpu.memref_slice %arg13[%dma_wait3A_33, %dma_wait3A_34] : memref<10112x128xf32, #tpu.memory_space<vmem_shared>> -> memref<10112x128xf32, #tpu.memory_space<vmem_shared>>
      tpu.wait_indirect_dma semaphore(%arg17 : memref<!tpu.dma_semaphore, #tpu.memory_space<semaphore_mem>>) src(%arg12 : memref<128x128xf32, #tpu.memory_space<vmem>>) dst(%dma_wait3A_35 : memref<10112x128xf32, #tpu.memory_space<vmem_shared>>)
      %mul3A_36 = arith.constant 80 : i32
      %mul3A_37 = arith.muli %arg1, %mul3A_36 : i32
      %add3A_38 = arith.constant 40 : i32
      %add3A_39 = arith.addi %mul3A_37, %add3A_38 : i32
      "tpu.region"() ({
        %run_scoped3A = tpu.sem_alloc : memref<!tpu.dma_semaphore, #tpu.memory_space<semaphore_mem>>
        %dma_start3A_61 = arith.constant 0 : i32
        %dma_start3A_62 = tpu.memref_slice %arg4[%add3A_39, %dma_start3A_61] : memref<1280x128xi32, #tpu.memory_space<hbm>> -> memref<40x128xi32, #tpu.memory_space<hbm>>
        %dma_start3A_63 = arith.constant 0 : i32
        %dma_start3A_64 = tpu.memref_slice %arg4[%add3A_39, %dma_start3A_63] : memref<1280x128xi32, #tpu.memory_space<hbm>> -> memref<40x128xi32, #tpu.memory_space<hbm>>
        tpu.enqueue_dma source(%dma_start3A_64 : memref<40x128xi32, #tpu.memory_space<hbm>>) target(%arg9 : memref<40x128xi32, #tpu.memory_space<vmem>>) target_semaphore(%run_scoped3A : memref<!tpu.dma_semaphore, #tpu.memory_space<semaphore_mem>>)
        %dma_wait3A_65 = arith.constant 0 : i32
        %dma_wait3A_66 = tpu.memref_slice %arg4[%add3A_39, %dma_wait3A_65] : memref<1280x128xi32, #tpu.memory_space<hbm>> -> memref<40x128xi32, #tpu.memory_space<hbm>>
        %dma_wait3A_67 = arith.constant 0 : i32
        %dma_wait3A_68 = tpu.memref_slice %arg4[%add3A_39, %dma_wait3A_67] : memref<1280x128xi32, #tpu.memory_space<hbm>> -> memref<40x128xi32, #tpu.memory_space<hbm>>
        tpu.wait_dma2 semaphore(%run_scoped3A : memref<!tpu.dma_semaphore, #tpu.memory_space<semaphore_mem>>) src(%dma_wait3A_68 : memref<40x128xi32, #tpu.memory_space<hbm>>) dst(%arg9 : memref<40x128xi32, #tpu.memory_space<vmem>>)
        tpu.yield
      }) : () -> ()
      "tpu.region"() ({
        %run_scoped3A = tpu.sem_alloc : memref<!tpu.dma_semaphore, #tpu.memory_space<semaphore_mem>>
        %dma_start3A_61 = arith.constant 0 : i32
        %dma_start3A_62 = tpu.memref_slice %arg5[%add3A_39, %dma_start3A_61] : memref<1280x128xi32, #tpu.memory_space<hbm>> -> memref<40x128xi32, #tpu.memory_space<hbm>>
        %dma_start3A_63 = arith.constant 0 : i32
        %dma_start3A_64 = tpu.memref_slice %arg5[%add3A_39, %dma_start3A_63] : memref<1280x128xi32, #tpu.memory_space<hbm>> -> memref<40x128xi32, #tpu.memory_space<hbm>>
        tpu.enqueue_dma source(%dma_start3A_64 : memref<40x128xi32, #tpu.memory_space<hbm>>) target(%arg10 : memref<40x128xi32, #tpu.memory_space<vmem>>) target_semaphore(%run_scoped3A : memref<!tpu.dma_semaphore, #tpu.memory_space<semaphore_mem>>)
        %dma_wait3A_65 = arith.constant 0 : i32
        %dma_wait3A_66 = tpu.memref_slice %arg5[%add3A_39, %dma_wait3A_65] : memref<1280x128xi32, #tpu.memory_space<hbm>> -> memref<40x128xi32, #tpu.memory_space<hbm>>
        %dma_wait3A_67 = arith.constant 0 : i32
        %dma_wait3A_68 = tpu.memref_slice %arg5[%add3A_39, %dma_wait3A_67] : memref<1280x128xi32, #tpu.memory_space<hbm>> -> memref<40x128xi32, #tpu.memory_space<hbm>>
        tpu.wait_dma2 semaphore(%run_scoped3A : memref<!tpu.dma_semaphore, #tpu.memory_space<semaphore_mem>>) src(%dma_wait3A_68 : memref<40x128xi32, #tpu.memory_space<hbm>>) dst(%arg10 : memref<40x128xi32, #tpu.memory_space<vmem>>)
        tpu.yield
      }) : () -> ()
      %dma_start3A_40 = arith.constant 0 : i32
      %dma_start3A_41 = arith.constant 0 : i32
      %dma_start3A_42 = tpu.memref_slice %arg9[%dma_start3A_40, %dma_start3A_41] : memref<40x128xi32, #tpu.memory_space<vmem>> -> memref<1x128xi32, #tpu.memory_space<vmem>>
      %dma_start3A_43 = tpu.memref_squeeze %dma_start3A_42 : memref<1x128xi32, #tpu.memory_space<vmem>> -> memref<128xi32, #tpu.memory_space<vmem>>
      %dma_start3A_44 = arith.constant 0 : i32
      %dma_start3A_45 = arith.constant 0 : i32
      %dma_start3A_46 = tpu.memref_slice %arg3[%dma_start3A_44, %dma_start3A_45] : memref<10000x128xf32, #tpu.memory_space<hbm>> -> memref<10000x128xf32, #tpu.memory_space<hbm>>
      tpu.enqueue_indirect_dma source(%dma_start3A_46 : memref<10000x128xf32, #tpu.memory_space<hbm>>) target(%arg11 : memref<128x128xf32, #tpu.memory_space<vmem>>) offsets(%dma_start3A_43 : memref<128xi32, #tpu.memory_space<vmem>>) semaphore(%arg14 : memref<!tpu.dma_semaphore, #tpu.memory_space<semaphore_mem>>)
      %scan3A_47 = arith.constant 0 : i32
      %scan3A_48 = arith.constant 0 : i32
      %scan3A_49 = arith.constant 20 : i32
      %scan3A_50 = arith.addi %scan3A_48, %scan3A_49 : i32
      %scan3A_51 = arith.constant 1 : i32
      scf.for %scan3A_61 = %scan3A_48 to %scan3A_50 step %scan3A_51  : i32 {
        %mul3A_62 = arith.constant 2 : i32
        %mul3A_63 = arith.muli %scan3A_61, %mul3A_62 : i32
        %dma_wait3A_64 = arith.constant 0 : i32
        %dma_wait3A_65 = tpu.memref_slice %arg9[%mul3A_63, %dma_wait3A_64] : memref<40x128xi32, #tpu.memory_space<vmem>> -> memref<1x128xi32, #tpu.memory_space<vmem>>
        %dma_wait3A_66 = tpu.memref_squeeze %dma_wait3A_65 : memref<1x128xi32, #tpu.memory_space<vmem>> -> memref<128xi32, #tpu.memory_space<vmem>>
        %dma_wait3A_67 = arith.constant 0 : i32
        %dma_wait3A_68 = arith.constant 0 : i32
        %dma_wait3A_69 = tpu.memref_slice %arg3[%dma_wait3A_67, %dma_wait3A_68] : memref<10000x128xf32, #tpu.memory_space<hbm>> -> memref<10000x128xf32, #tpu.memory_space<hbm>>
        tpu.wait_indirect_dma semaphore(%arg14 : memref<!tpu.dma_semaphore, #tpu.memory_space<semaphore_mem>>) src(%dma_wait3A_69 : memref<10000x128xf32, #tpu.memory_space<hbm>>) dst(%arg11 : memref<128x128xf32, #tpu.memory_space<vmem>>)
        %dma_start3A_70 = arith.constant 0 : i32
        %dma_start3A_71 = tpu.memref_slice %arg10[%mul3A_63, %dma_start3A_70] : memref<40x128xi32, #tpu.memory_space<vmem>> -> memref<1x128xi32, #tpu.memory_space<vmem>>
        %dma_start3A_72 = tpu.memref_squeeze %dma_start3A_71 : memref<1x128xi32, #tpu.memory_space<vmem>> -> memref<128xi32, #tpu.memory_space<vmem>>
        %dma_start3A_73 = arith.constant 0 : i32
        %dma_start3A_74 = arith.constant 0 : i32
        %dma_start3A_75 = tpu.memref_slice %arg13[%dma_start3A_73, %dma_start3A_74] : memref<10112x128xf32, #tpu.memory_space<vmem_shared>> -> memref<10112x128xf32, #tpu.memory_space<vmem_shared>>
        tpu.enqueue_indirect_dma source(%arg11 : memref<128x128xf32, #tpu.memory_space<vmem>>) target(%dma_start3A_75 : memref<10112x128xf32, #tpu.memory_space<vmem_shared>>) offsets(%dma_start3A_72 : memref<128xi32, #tpu.memory_space<vmem>>) semaphore(%arg16 : memref<!tpu.dma_semaphore, #tpu.memory_space<semaphore_mem>>) {add = true}
        %gt3A = arith.constant 0 : i32
        %gt3A_76 = arith.cmpi sgt, %mul3A_63, %gt3A : i32
        %convert_element_type3A_77 = arith.extui %gt3A_76 : i1 to i32
        %cond3A_78 = arith.constant 0 : i32
        %cond3A_79 = arith.cmpi ne, %convert_element_type3A_77, %cond3A_78 : i32
        scf.if %cond3A_79 {
          %dma_wait3A_117 = arith.constant 0 : i32
          %dma_wait3A_118 = arith.constant 0 : i32
          %dma_wait3A_119 = tpu.memref_slice %arg10[%dma_wait3A_117, %dma_wait3A_118] : memref<40x128xi32, #tpu.memory_space<vmem>> -> memref<1x128xi32, #tpu.memory_space<vmem>>
          %dma_wait3A_120 = tpu.memref_squeeze %dma_wait3A_119 : memref<1x128xi32, #tpu.memory_space<vmem>> -> memref<128xi32, #tpu.memory_space<vmem>>
          %dma_wait3A_121 = arith.constant 0 : i32
          %dma_wait3A_122 = arith.constant 0 : i32
          %dma_wait3A_123 = tpu.memref_slice %arg13[%dma_wait3A_121, %dma_wait3A_122] : memref<10112x128xf32, #tpu.memory_space<vmem_shared>> -> memref<10112x128xf32, #tpu.memory_space<vmem_shared>>
          tpu.wait_indirect_dma semaphore(%arg17 : memref<!tpu.dma_semaphore, #tpu.memory_space<semaphore_mem>>) src(%arg12 : memref<128x128xf32, #tpu.memory_space<vmem>>) dst(%dma_wait3A_123 : memref<10112x128xf32, #tpu.memory_space<vmem_shared>>)
        } else {
        }
        %add3A_80 = arith.constant 1 : i32
        %add3A_81 = arith.addi %mul3A_63, %add3A_80 : i32
        %dma_start3A_82 = arith.constant 0 : i32
        %dma_start3A_83 = tpu.memref_slice %arg9[%add3A_81, %dma_start3A_82] : memref<40x128xi32, #tpu.memory_space<vmem>> -> memref<1x128xi32, #tpu.memory_space<vmem>>
        %dma_start3A_84 = tpu.memref_squeeze %dma_start3A_83 : memref<1x128xi32, #tpu.memory_space<vmem>> -> memref<128xi32, #tpu.memory_space<vmem>>
        %dma_start3A_85 = arith.constant 0 : i32
        %dma_start3A_86 = arith.constant 0 : i32
        %dma_start3A_87 = tpu.memref_slice %arg3[%dma_start3A_85, %dma_start3A_86] : memref<10000x128xf32, #tpu.memory_space<hbm>> -> memref<10000x128xf32, #tpu.memory_space<hbm>>
        tpu.enqueue_indirect_dma source(%dma_start3A_87 : memref<10000x128xf32, #tpu.memory_space<hbm>>) target(%arg12 : memref<128x128xf32, #tpu.memory_space<vmem>>) offsets(%dma_start3A_84 : memref<128xi32, #tpu.memory_space<vmem>>) semaphore(%arg15 : memref<!tpu.dma_semaphore, #tpu.memory_space<semaphore_mem>>)
        %add3A_88 = arith.constant 1 : i32
        %add3A_89 = arith.addi %mul3A_63, %add3A_88 : i32
        %dma_wait3A_90 = arith.constant 0 : i32
        %dma_wait3A_91 = tpu.memref_slice %arg9[%add3A_89, %dma_wait3A_90] : memref<40x128xi32, #tpu.memory_space<vmem>> -> memref<1x128xi32, #tpu.memory_space<vmem>>
        %dma_wait3A_92 = tpu.memref_squeeze %dma_wait3A_91 : memref<1x128xi32, #tpu.memory_space<vmem>> -> memref<128xi32, #tpu.memory_space<vmem>>
        %dma_wait3A_93 = arith.constant 0 : i32
        %dma_wait3A_94 = arith.constant 0 : i32
        %dma_wait3A_95 = tpu.memref_slice %arg3[%dma_wait3A_93, %dma_wait3A_94] : memref<10000x128xf32, #tpu.memory_space<hbm>> -> memref<10000x128xf32, #tpu.memory_space<hbm>>
        tpu.wait_indirect_dma semaphore(%arg15 : memref<!tpu.dma_semaphore, #tpu.memory_space<semaphore_mem>>) src(%dma_wait3A_95 : memref<10000x128xf32, #tpu.memory_space<hbm>>) dst(%arg12 : memref<128x128xf32, #tpu.memory_space<vmem>>)
        %add3A_96 = arith.constant 1 : i32
        %add3A_97 = arith.addi %mul3A_63, %add3A_96 : i32
        %dma_start3A_98 = arith.constant 0 : i32
        %dma_start3A_99 = tpu.memref_slice %arg10[%add3A_97, %dma_start3A_98] : memref<40x128xi32, #tpu.memory_space<vmem>> -> memref<1x128xi32, #tpu.memory_space<vmem>>
        %dma_start3A_100 = tpu.memref_squeeze %dma_start3A_99 : memref<1x128xi32, #tpu.memory_space<vmem>> -> memref<128xi32, #tpu.memory_space<vmem>>
        %dma_start3A_101 = arith.constant 0 : i32
        %dma_start3A_102 = arith.constant 0 : i32
        %dma_start3A_103 = tpu.memref_slice %arg13[%dma_start3A_101, %dma_start3A_102] : memref<10112x128xf32, #tpu.memory_space<vmem_shared>> -> memref<10112x128xf32, #tpu.memory_space<vmem_shared>>
        tpu.enqueue_indirect_dma source(%arg12 : memref<128x128xf32, #tpu.memory_space<vmem>>) target(%dma_start3A_103 : memref<10112x128xf32, #tpu.memory_space<vmem_shared>>) offsets(%dma_start3A_100 : memref<128xi32, #tpu.memory_space<vmem>>) semaphore(%arg17 : memref<!tpu.dma_semaphore, #tpu.memory_space<semaphore_mem>>) {add = true}
        %dma_wait3A_104 = arith.constant 0 : i32
        %dma_wait3A_105 = arith.constant 0 : i32
        %dma_wait3A_106 = tpu.memref_slice %arg10[%dma_wait3A_104, %dma_wait3A_105] : memref<40x128xi32, #tpu.memory_space<vmem>> -> memref<1x128xi32, #tpu.memory_space<vmem>>
        %dma_wait3A_107 = tpu.memref_squeeze %dma_wait3A_106 : memref<1x128xi32, #tpu.memory_space<vmem>> -> memref<128xi32, #tpu.memory_space<vmem>>
        %dma_wait3A_108 = arith.constant 0 : i32
        %dma_wait3A_109 = arith.constant 0 : i32
        %dma_wait3A_110 = tpu.memref_slice %arg13[%dma_wait3A_108, %dma_wait3A_109] : memref<10112x128xf32, #tpu.memory_space<vmem_shared>> -> memref<10112x128xf32, #tpu.memory_space<vmem_shared>>
        tpu.wait_indirect_dma semaphore(%arg16 : memref<!tpu.dma_semaphore, #tpu.memory_space<semaphore_mem>>) src(%arg11 : memref<128x128xf32, #tpu.memory_space<vmem>>) dst(%dma_wait3A_110 : memref<10112x128xf32, #tpu.memory_space<vmem_shared>>)
        %add3A_111 = arith.constant 2 : i32
        %add3A_112 = arith.addi %mul3A_63, %add3A_111 : i32
        %lt3A = arith.constant 40 : i32
        %lt3A_113 = arith.cmpi slt, %add3A_112, %lt3A : i32
        %convert_element_type3A_114 = arith.extui %lt3A_113 : i1 to i32
        %cond3A_115 = arith.constant 0 : i32
        %cond3A_116 = arith.cmpi ne, %convert_element_type3A_114, %cond3A_115 : i32
        scf.if %cond3A_116 {
          %add3A_117 = arith.constant 2 : i32
          %add3A_118 = arith.addi %mul3A_63, %add3A_117 : i32
          %dma_start3A_119 = arith.constant 0 : i32
          %dma_start3A_120 = tpu.memref_slice %arg9[%add3A_118, %dma_start3A_119] : memref<40x128xi32, #tpu.memory_space<vmem>> -> memref<1x128xi32, #tpu.memory_space<vmem>>
          %dma_start3A_121 = tpu.memref_squeeze %dma_start3A_120 : memref<1x128xi32, #tpu.memory_space<vmem>> -> memref<128xi32, #tpu.memory_space<vmem>>
          %dma_start3A_122 = arith.constant 0 : i32
          %dma_start3A_123 = arith.constant 0 : i32
          %dma_start3A_124 = tpu.memref_slice %arg3[%dma_start3A_122, %dma_start3A_123] : memref<10000x128xf32, #tpu.memory_space<hbm>> -> memref<10000x128xf32, #tpu.memory_space<hbm>>
          tpu.enqueue_indirect_dma source(%dma_start3A_124 : memref<10000x128xf32, #tpu.memory_space<hbm>>) target(%arg11 : memref<128x128xf32, #tpu.memory_space<vmem>>) offsets(%dma_start3A_121 : memref<128xi32, #tpu.memory_space<vmem>>) semaphore(%arg14 : memref<!tpu.dma_semaphore, #tpu.memory_space<semaphore_mem>>)
        } else {
        }
      }
      %scan3A_52 = arith.constant 20 : i32
      %dma_wait3A_53 = arith.constant 0 : i32
      %dma_wait3A_54 = arith.constant 0 : i32
      %dma_wait3A_55 = tpu.memref_slice %arg10[%dma_wait3A_53, %dma_wait3A_54] : memref<40x128xi32, #tpu.memory_space<vmem>> -> memref<1x128xi32, #tpu.memory_space<vmem>>
      %dma_wait3A_56 = tpu.memref_squeeze %dma_wait3A_55 : memref<1x128xi32, #tpu.memory_space<vmem>> -> memref<128xi32, #tpu.memory_space<vmem>>
      %dma_wait3A_57 = arith.constant 0 : i32
      %dma_wait3A_58 = arith.constant 0 : i32
      %dma_wait3A_59 = tpu.memref_slice %arg13[%dma_wait3A_57, %dma_wait3A_58] : memref<10112x128xf32, #tpu.memory_space<vmem_shared>> -> memref<10112x128xf32, #tpu.memory_space<vmem_shared>>
      tpu.wait_indirect_dma semaphore(%arg17 : memref<!tpu.dma_semaphore, #tpu.memory_space<semaphore_mem>>) src(%arg12 : memref<128x128xf32, #tpu.memory_space<vmem>>) dst(%dma_wait3A_59 : memref<10112x128xf32, #tpu.memory_space<vmem_shared>>)
      %barrier3A_60 = arith.constant 0 : index
      tpu.barrier barrier_id(%barrier3A_60)
      "tpu.region"() ({
        %run_scoped3A = tpu.sem_alloc : memref<!tpu.dma_semaphore, #tpu.memory_space<semaphore_mem>>
        %dma_start3A_61 = arith.constant 0 : i32
        %dma_start3A_62 = tpu.memref_slice %arg8[%mul3A_0, %dma_start3A_61] : memref<10112x128xf32, #tpu.memory_space<hbm>> -> memref<632x128xf32, #tpu.memory_space<hbm>>
        %dma_start3A_63 = arith.constant 0 : i32
        %dma_start3A_64 = tpu.memref_slice %arg13[%mul3A_0, %dma_start3A_63] : memref<10112x128xf32, #tpu.memory_space<vmem_shared>> -> memref<632x128xf32, #tpu.memory_space<vmem_shared>>
        tpu.enqueue_dma source(%dma_start3A_64 : memref<632x128xf32, #tpu.memory_space<vmem_shared>>) target(%dma_start3A_62 : memref<632x128xf32, #tpu.memory_space<hbm>>) target_semaphore(%run_scoped3A : memref<!tpu.dma_semaphore, #tpu.memory_space<semaphore_mem>>)
        %dma_wait3A_65 = arith.constant 0 : i32
        %dma_wait3A_66 = tpu.memref_slice %arg8[%mul3A_0, %dma_wait3A_65] : memref<10112x128xf32, #tpu.memory_space<hbm>> -> memref<632x128xf32, #tpu.memory_space<hbm>>
        %dma_wait3A_67 = arith.constant 0 : i32
        %dma_wait3A_68 = tpu.memref_slice %arg13[%mul3A_0, %dma_wait3A_67] : memref<10112x128xf32, #tpu.memory_space<vmem_shared>> -> memref<632x128xf32, #tpu.memory_space<vmem_shared>>
        tpu.wait_dma2 semaphore(%run_scoped3A : memref<!tpu.dma_semaphore, #tpu.memory_space<semaphore_mem>>) src(%dma_wait3A_68 : memref<632x128xf32, #tpu.memory_space<vmem_shared>>) dst(%dma_wait3A_66 : memref<632x128xf32, #tpu.memory_space<hbm>>)
        tpu.yield
      }) : () -> ()
    } else {
    }
    return
  }
}

#map = affine_map<(d0, d1) -> (0, 0)>
#map1 = affine_map<(d0, d1) -> (0, 0, 0)>
module attributes {stable_mosaic.version = 14 : i64} {
  func.func @_deg_body(%arg0: i32, %arg1: i32, %arg2: memref<1280x128xi32, #tpu.memory_space<hbm>>, %arg3: memref<128x16xf32, #tpu.memory_space<hbm>>, %arg4: memref<10112x16xf32, #tpu.memory_space<hbm>>, %arg5: memref<2x10112x16xf32, #tpu.memory_space<hbm>>, %arg6: memref<40x128xi32, #tpu.memory_space<vmem>>, %arg7: memref<128x16xf32, #tpu.memory_space<vmem>>, %arg8: memref<10112x16xf32, #tpu.memory_space<vmem_shared>>, %arg9: memref<!tpu.dma_semaphore, #tpu.memory_space<semaphore_mem>>) attributes {dimension_semantics = [#tpu.dimension_semantics<core_parallel>, #tpu.dimension_semantics<subcore_parallel>], iteration_bounds = array<i64: 2, 16>, scalar_prefetch = 0 : i64, scratch_operands = 4 : i64, tpu.core_type = #tpu.core_type<sc_vector_subcore>, window_params = [{transform_indices = #map}, {transform_indices = #map}, {transform_indices = #map}, {transform_indices = #map1}]} {
    %mul3A = arith.constant 2 : i32
    %mul3A_0 = arith.muli %arg1, %mul3A : i32
    %add3A = arith.addi %mul3A_0, %arg0 : i32
    %mul3A_1 = arith.constant 632 : i32
    %mul3A_2 = arith.muli %arg1, %mul3A_1 : i32
    "tpu.region"() ({
      %run_scoped3A = tpu.sem_alloc : memref<!tpu.dma_semaphore, #tpu.memory_space<semaphore_mem>>
      %dma_start3A = arith.constant 0 : i32
      %dma_start3A_17 = tpu.memref_slice %arg8[%mul3A_2, %dma_start3A] : memref<10112x16xf32, #tpu.memory_space<vmem_shared>> -> memref<632x16xf32, #tpu.memory_space<vmem_shared>>
      %dma_start3A_18 = arith.constant 0 : i32
      %dma_start3A_19 = tpu.memref_slice %arg4[%mul3A_2, %dma_start3A_18] : memref<10112x16xf32, #tpu.memory_space<hbm>> -> memref<632x16xf32, #tpu.memory_space<hbm>>
      tpu.enqueue_dma source(%dma_start3A_19 : memref<632x16xf32, #tpu.memory_space<hbm>>) target(%dma_start3A_17 : memref<632x16xf32, #tpu.memory_space<vmem_shared>>) target_semaphore(%run_scoped3A : memref<!tpu.dma_semaphore, #tpu.memory_space<semaphore_mem>>)
      %dma_wait3A = arith.constant 0 : i32
      %dma_wait3A_20 = tpu.memref_slice %arg8[%mul3A_2, %dma_wait3A] : memref<10112x16xf32, #tpu.memory_space<vmem_shared>> -> memref<632x16xf32, #tpu.memory_space<vmem_shared>>
      %dma_wait3A_21 = arith.constant 0 : i32
      %dma_wait3A_22 = tpu.memref_slice %arg4[%mul3A_2, %dma_wait3A_21] : memref<10112x16xf32, #tpu.memory_space<hbm>> -> memref<632x16xf32, #tpu.memory_space<hbm>>
      tpu.wait_dma2 semaphore(%run_scoped3A : memref<!tpu.dma_semaphore, #tpu.memory_space<semaphore_mem>>) src(%dma_wait3A_22 : memref<632x16xf32, #tpu.memory_space<hbm>>) dst(%dma_wait3A_20 : memref<632x16xf32, #tpu.memory_space<vmem_shared>>)
      tpu.yield
    }) : () -> ()
    "tpu.region"() ({
      %run_scoped3A = tpu.sem_alloc : memref<!tpu.dma_semaphore, #tpu.memory_space<semaphore_mem>>
      tpu.enqueue_dma source(%arg3 : memref<128x16xf32, #tpu.memory_space<hbm>>) target(%arg7 : memref<128x16xf32, #tpu.memory_space<vmem>>) target_semaphore(%run_scoped3A : memref<!tpu.dma_semaphore, #tpu.memory_space<semaphore_mem>>)
      tpu.wait_dma2 semaphore(%run_scoped3A : memref<!tpu.dma_semaphore, #tpu.memory_space<semaphore_mem>>) src(%arg3 : memref<128x16xf32, #tpu.memory_space<hbm>>) dst(%arg7 : memref<128x16xf32, #tpu.memory_space<vmem>>)
      tpu.yield
    }) : () -> ()
    %mul3A_3 = arith.constant 40 : i32
    %mul3A_4 = arith.muli %add3A, %mul3A_3 : i32
    "tpu.region"() ({
      %run_scoped3A = tpu.sem_alloc : memref<!tpu.dma_semaphore, #tpu.memory_space<semaphore_mem>>
      %dma_start3A = arith.constant 0 : i32
      %dma_start3A_17 = tpu.memref_slice %arg2[%mul3A_4, %dma_start3A] : memref<1280x128xi32, #tpu.memory_space<hbm>> -> memref<40x128xi32, #tpu.memory_space<hbm>>
      %dma_start3A_18 = arith.constant 0 : i32
      %dma_start3A_19 = tpu.memref_slice %arg2[%mul3A_4, %dma_start3A_18] : memref<1280x128xi32, #tpu.memory_space<hbm>> -> memref<40x128xi32, #tpu.memory_space<hbm>>
      tpu.enqueue_dma source(%dma_start3A_19 : memref<40x128xi32, #tpu.memory_space<hbm>>) target(%arg6 : memref<40x128xi32, #tpu.memory_space<vmem>>) target_semaphore(%run_scoped3A : memref<!tpu.dma_semaphore, #tpu.memory_space<semaphore_mem>>)
      %dma_wait3A = arith.constant 0 : i32
      %dma_wait3A_20 = tpu.memref_slice %arg2[%mul3A_4, %dma_wait3A] : memref<1280x128xi32, #tpu.memory_space<hbm>> -> memref<40x128xi32, #tpu.memory_space<hbm>>
      %dma_wait3A_21 = arith.constant 0 : i32
      %dma_wait3A_22 = tpu.memref_slice %arg2[%mul3A_4, %dma_wait3A_21] : memref<1280x128xi32, #tpu.memory_space<hbm>> -> memref<40x128xi32, #tpu.memory_space<hbm>>
      tpu.wait_dma2 semaphore(%run_scoped3A : memref<!tpu.dma_semaphore, #tpu.memory_space<semaphore_mem>>) src(%dma_wait3A_22 : memref<40x128xi32, #tpu.memory_space<hbm>>) dst(%arg6 : memref<40x128xi32, #tpu.memory_space<vmem>>)
      tpu.yield
    }) : () -> ()
    %barrier3A = arith.constant 0 : index
    tpu.barrier barrier_id(%barrier3A)
    %scan3A = arith.constant 0 : i32
    %scan3A_5 = arith.constant 0 : i32
    %scan3A_6 = arith.constant 40 : i32
    %scan3A_7 = arith.addi %scan3A_5, %scan3A_6 : i32
    %scan3A_8 = arith.constant 1 : i32
    scf.for %scan3A_17 = %scan3A_5 to %scan3A_7 step %scan3A_8  : i32 {
      %dma_start3A = arith.constant 0 : i32
      %dma_start3A_18 = tpu.memref_slice %arg6[%scan3A_17, %dma_start3A] : memref<40x128xi32, #tpu.memory_space<vmem>> -> memref<1x128xi32, #tpu.memory_space<vmem>>
      %dma_start3A_19 = tpu.memref_squeeze %dma_start3A_18 : memref<1x128xi32, #tpu.memory_space<vmem>> -> memref<128xi32, #tpu.memory_space<vmem>>
      %dma_start3A_20 = arith.constant 0 : i32
      %dma_start3A_21 = arith.constant 0 : i32
      %dma_start3A_22 = tpu.memref_slice %arg8[%dma_start3A_20, %dma_start3A_21] : memref<10112x16xf32, #tpu.memory_space<vmem_shared>> -> memref<10112x16xf32, #tpu.memory_space<vmem_shared>>
      tpu.enqueue_indirect_dma source(%arg7 : memref<128x16xf32, #tpu.memory_space<vmem>>) target(%dma_start3A_22 : memref<10112x16xf32, #tpu.memory_space<vmem_shared>>) offsets(%dma_start3A_19 : memref<128xi32, #tpu.memory_space<vmem>>) semaphore(%arg9 : memref<!tpu.dma_semaphore, #tpu.memory_space<semaphore_mem>>) {add = true}
    }
    %scan3A_9 = arith.constant 40 : i32
    %scan3A_10 = arith.constant 0 : i32
    %scan3A_11 = arith.constant 0 : i32
    %scan3A_12 = arith.constant 40 : i32
    %scan3A_13 = arith.addi %scan3A_11, %scan3A_12 : i32
    %scan3A_14 = arith.constant 1 : i32
    scf.for %scan3A_17 = %scan3A_11 to %scan3A_13 step %scan3A_14  : i32 {
      %dma_wait3A = arith.constant 0 : i32
      %dma_wait3A_18 = arith.constant 0 : i32
      %dma_wait3A_19 = tpu.memref_slice %arg6[%dma_wait3A, %dma_wait3A_18] : memref<40x128xi32, #tpu.memory_space<vmem>> -> memref<1x128xi32, #tpu.memory_space<vmem>>
      %dma_wait3A_20 = tpu.memref_squeeze %dma_wait3A_19 : memref<1x128xi32, #tpu.memory_space<vmem>> -> memref<128xi32, #tpu.memory_space<vmem>>
      %dma_wait3A_21 = arith.constant 0 : i32
      %dma_wait3A_22 = arith.constant 0 : i32
      %dma_wait3A_23 = tpu.memref_slice %arg8[%dma_wait3A_21, %dma_wait3A_22] : memref<10112x16xf32, #tpu.memory_space<vmem_shared>> -> memref<10112x16xf32, #tpu.memory_space<vmem_shared>>
      tpu.wait_indirect_dma semaphore(%arg9 : memref<!tpu.dma_semaphore, #tpu.memory_space<semaphore_mem>>) src(%arg7 : memref<128x16xf32, #tpu.memory_space<vmem>>) dst(%dma_wait3A_23 : memref<10112x16xf32, #tpu.memory_space<vmem_shared>>)
    }
    %scan3A_15 = arith.constant 40 : i32
    %barrier3A_16 = arith.constant 0 : index
    tpu.barrier barrier_id(%barrier3A_16)
    "tpu.region"() ({
      %run_scoped3A = tpu.sem_alloc : memref<!tpu.dma_semaphore, #tpu.memory_space<semaphore_mem>>
      %dma_start3A = arith.constant 0 : i32
      %dma_start3A_17 = tpu.memref_slice %arg5[%arg0, %mul3A_2, %dma_start3A] : memref<2x10112x16xf32, #tpu.memory_space<hbm>> -> memref<1x632x16xf32, #tpu.memory_space<hbm>>
      %dma_start3A_18 = tpu.memref_squeeze %dma_start3A_17 : memref<1x632x16xf32, #tpu.memory_space<hbm>> -> memref<632x16xf32, #tpu.memory_space<hbm>>
      %dma_start3A_19 = arith.constant 0 : i32
      %dma_start3A_20 = tpu.memref_slice %arg8[%mul3A_2, %dma_start3A_19] : memref<10112x16xf32, #tpu.memory_space<vmem_shared>> -> memref<632x16xf32, #tpu.memory_space<vmem_shared>>
      tpu.enqueue_dma source(%dma_start3A_20 : memref<632x16xf32, #tpu.memory_space<vmem_shared>>) target(%dma_start3A_18 : memref<632x16xf32, #tpu.memory_space<hbm>>) target_semaphore(%run_scoped3A : memref<!tpu.dma_semaphore, #tpu.memory_space<semaphore_mem>>)
      %dma_wait3A = arith.constant 0 : i32
      %dma_wait3A_21 = tpu.memref_slice %arg5[%arg0, %mul3A_2, %dma_wait3A] : memref<2x10112x16xf32, #tpu.memory_space<hbm>> -> memref<1x632x16xf32, #tpu.memory_space<hbm>>
      %dma_wait3A_22 = tpu.memref_squeeze %dma_wait3A_21 : memref<1x632x16xf32, #tpu.memory_space<hbm>> -> memref<632x16xf32, #tpu.memory_space<hbm>>
      %dma_wait3A_23 = arith.constant 0 : i32
      %dma_wait3A_24 = tpu.memref_slice %arg8[%mul3A_2, %dma_wait3A_23] : memref<10112x16xf32, #tpu.memory_space<vmem_shared>> -> memref<632x16xf32, #tpu.memory_space<vmem_shared>>
      tpu.wait_dma2 semaphore(%run_scoped3A : memref<!tpu.dma_semaphore, #tpu.memory_space<semaphore_mem>>) src(%dma_wait3A_24 : memref<632x16xf32, #tpu.memory_space<vmem_shared>>) dst(%dma_wait3A_22 : memref<632x16xf32, #tpu.memory_space<hbm>>)
      tpu.yield
    }) : () -> ()
    return
  }
}

#map = affine_map<(d0, d1) -> (0, 0)>
module attributes {stable_mosaic.version = 14 : i64} {
  func.func @_prop_body(%arg0: i32, %arg1: i32, %arg2: memref<10000x128xf32, #tpu.memory_space<hbm>>, %arg3: memref<10000x128xf32, #tpu.memory_space<hbm>>, %arg4: memref<1280x128xi32, #tpu.memory_space<hbm>>, %arg5: memref<1280x128xi32, #tpu.memory_space<hbm>>, %arg6: memref<10112x128xf32, #tpu.memory_space<hbm>>, %arg7: memref<10112x128xf32, #tpu.memory_space<hbm>>, %arg8: memref<10112x128xf32, #tpu.memory_space<hbm>>, %arg9: memref<40x128xi32, #tpu.memory_space<vmem>>, %arg10: memref<40x128xi32, #tpu.memory_space<vmem>>, %arg11: memref<128x128xf32, #tpu.memory_space<vmem>>, %arg12: memref<128x128xf32, #tpu.memory_space<vmem>>, %arg13: memref<10112x128xf32, #tpu.memory_space<vmem_shared>>, %arg14: memref<!tpu.dma_semaphore, #tpu.memory_space<semaphore_mem>>, %arg15: memref<!tpu.dma_semaphore, #tpu.memory_space<semaphore_mem>>, %arg16: memref<!tpu.dma_semaphore, #tpu.memory_space<semaphore_mem>>, %arg17: memref<!tpu.dma_semaphore, #tpu.memory_space<semaphore_mem>>) attributes {dimension_semantics = [#tpu.dimension_semantics<core_parallel>, #tpu.dimension_semantics<subcore_parallel>], iteration_bounds = array<i64: 2, 16>, scalar_prefetch = 0 : i64, scratch_operands = 9 : i64, tpu.core_type = #tpu.core_type<sc_vector_subcore>, window_params = [{transform_indices = #map}, {transform_indices = #map}, {transform_indices = #map}, {transform_indices = #map}, {transform_indices = #map}, {transform_indices = #map}, {transform_indices = #map}]} {
    %mul3A = arith.constant 632 : i32
    %mul3A_0 = arith.muli %arg1, %mul3A : i32
    %eq3A = arith.constant 0 : i32
    %eq3A_1 = arith.cmpi eq, %arg0, %eq3A : i32
    %convert_element_type3A = arith.extui %eq3A_1 : i1 to i32
    %cond3A = arith.constant 0 : i32
    %cond3A_2 = arith.cmpi ne, %convert_element_type3A, %cond3A : i32
    scf.if %cond3A_2 {
      %dma_start3A = arith.constant 0 : i32
      %dma_start3A_8 = tpu.memref_slice %arg13[%mul3A_0, %dma_start3A] : memref<10112x128xf32, #tpu.memory_space<vmem_shared>> -> memref<632x128xf32, #tpu.memory_space<vmem_shared>>
      %dma_start3A_9 = arith.constant 0 : i32
      %dma_start3A_10 = tpu.memref_slice %arg6[%mul3A_0, %dma_start3A_9] : memref<10112x128xf32, #tpu.memory_space<hbm>> -> memref<632x128xf32, #tpu.memory_space<hbm>>
      tpu.enqueue_dma source(%dma_start3A_10 : memref<632x128xf32, #tpu.memory_space<hbm>>) target(%dma_start3A_8 : memref<632x128xf32, #tpu.memory_space<vmem_shared>>) target_semaphore(%arg16 : memref<!tpu.dma_semaphore, #tpu.memory_space<semaphore_mem>>)
      %mul3A_11 = arith.constant 80 : i32
      %mul3A_12 = arith.muli %arg1, %mul3A_11 : i32
      %add3A = arith.constant 0 : i32
      %add3A_13 = arith.addi %mul3A_12, %add3A : i32
      "tpu.region"() ({
        %run_scoped3A = tpu.sem_alloc : memref<!tpu.dma_semaphore, #tpu.memory_space<semaphore_mem>>
        %dma_start3A_61 = arith.constant 0 : i32
        %dma_start3A_62 = tpu.memref_slice %arg4[%add3A_13, %dma_start3A_61] : memref<1280x128xi32, #tpu.memory_space<hbm>> -> memref<40x128xi32, #tpu.memory_space<hbm>>
        %dma_start3A_63 = arith.constant 0 : i32
        %dma_start3A_64 = tpu.memref_slice %arg4[%add3A_13, %dma_start3A_63] : memref<1280x128xi32, #tpu.memory_space<hbm>> -> memref<40x128xi32, #tpu.memory_space<hbm>>
        tpu.enqueue_dma source(%dma_start3A_64 : memref<40x128xi32, #tpu.memory_space<hbm>>) target(%arg9 : memref<40x128xi32, #tpu.memory_space<vmem>>) target_semaphore(%run_scoped3A : memref<!tpu.dma_semaphore, #tpu.memory_space<semaphore_mem>>)
        %dma_wait3A_65 = arith.constant 0 : i32
        %dma_wait3A_66 = tpu.memref_slice %arg4[%add3A_13, %dma_wait3A_65] : memref<1280x128xi32, #tpu.memory_space<hbm>> -> memref<40x128xi32, #tpu.memory_space<hbm>>
        %dma_wait3A_67 = arith.constant 0 : i32
        %dma_wait3A_68 = tpu.memref_slice %arg4[%add3A_13, %dma_wait3A_67] : memref<1280x128xi32, #tpu.memory_space<hbm>> -> memref<40x128xi32, #tpu.memory_space<hbm>>
        tpu.wait_dma2 semaphore(%run_scoped3A : memref<!tpu.dma_semaphore, #tpu.memory_space<semaphore_mem>>) src(%dma_wait3A_68 : memref<40x128xi32, #tpu.memory_space<hbm>>) dst(%arg9 : memref<40x128xi32, #tpu.memory_space<vmem>>)
        tpu.yield
      }) : () -> ()
      "tpu.region"() ({
        %run_scoped3A = tpu.sem_alloc : memref<!tpu.dma_semaphore, #tpu.memory_space<semaphore_mem>>
        %dma_start3A_61 = arith.constant 0 : i32
        %dma_start3A_62 = tpu.memref_slice %arg5[%add3A_13, %dma_start3A_61] : memref<1280x128xi32, #tpu.memory_space<hbm>> -> memref<40x128xi32, #tpu.memory_space<hbm>>
        %dma_start3A_63 = arith.constant 0 : i32
        %dma_start3A_64 = tpu.memref_slice %arg5[%add3A_13, %dma_start3A_63] : memref<1280x128xi32, #tpu.memory_space<hbm>> -> memref<40x128xi32, #tpu.memory_space<hbm>>
        tpu.enqueue_dma source(%dma_start3A_64 : memref<40x128xi32, #tpu.memory_space<hbm>>) target(%arg10 : memref<40x128xi32, #tpu.memory_space<vmem>>) target_semaphore(%run_scoped3A : memref<!tpu.dma_semaphore, #tpu.memory_space<semaphore_mem>>)
        %dma_wait3A_65 = arith.constant 0 : i32
        %dma_wait3A_66 = tpu.memref_slice %arg5[%add3A_13, %dma_wait3A_65] : memref<1280x128xi32, #tpu.memory_space<hbm>> -> memref<40x128xi32, #tpu.memory_space<hbm>>
        %dma_wait3A_67 = arith.constant 0 : i32
        %dma_wait3A_68 = tpu.memref_slice %arg5[%add3A_13, %dma_wait3A_67] : memref<1280x128xi32, #tpu.memory_space<hbm>> -> memref<40x128xi32, #tpu.memory_space<hbm>>
        tpu.wait_dma2 semaphore(%run_scoped3A : memref<!tpu.dma_semaphore, #tpu.memory_space<semaphore_mem>>) src(%dma_wait3A_68 : memref<40x128xi32, #tpu.memory_space<hbm>>) dst(%arg10 : memref<40x128xi32, #tpu.memory_space<vmem>>)
        tpu.yield
      }) : () -> ()
      %dma_start3A_14 = arith.constant 0 : i32
      %dma_start3A_15 = arith.constant 0 : i32
      %dma_start3A_16 = tpu.memref_slice %arg9[%dma_start3A_14, %dma_start3A_15] : memref<40x128xi32, #tpu.memory_space<vmem>> -> memref<1x128xi32, #tpu.memory_space<vmem>>
      %dma_start3A_17 = tpu.memref_squeeze %dma_start3A_16 : memref<1x128xi32, #tpu.memory_space<vmem>> -> memref<128xi32, #tpu.memory_space<vmem>>
      %dma_start3A_18 = arith.constant 0 : i32
      %dma_start3A_19 = arith.constant 0 : i32
      %dma_start3A_20 = tpu.memref_slice %arg2[%dma_start3A_18, %dma_start3A_19] : memref<10000x128xf32, #tpu.memory_space<hbm>> -> memref<10000x128xf32, #tpu.memory_space<hbm>>
      tpu.enqueue_indirect_dma source(%dma_start3A_20 : memref<10000x128xf32, #tpu.memory_space<hbm>>) target(%arg11 : memref<128x128xf32, #tpu.memory_space<vmem>>) offsets(%dma_start3A_17 : memref<128xi32, #tpu.memory_space<vmem>>) semaphore(%arg14 : memref<!tpu.dma_semaphore, #tpu.memory_space<semaphore_mem>>)
      %dma_wait3A = arith.constant 0 : i32
      %dma_wait3A_21 = tpu.memref_slice %arg13[%mul3A_0, %dma_wait3A] : memref<10112x128xf32, #tpu.memory_space<vmem_shared>> -> memref<632x128xf32, #tpu.memory_space<vmem_shared>>
      %dma_wait3A_22 = arith.constant 0 : i32
      %dma_wait3A_23 = tpu.memref_slice %arg6[%mul3A_0, %dma_wait3A_22] : memref<10112x128xf32, #tpu.memory_space<hbm>> -> memref<632x128xf32, #tpu.memory_space<hbm>>
      tpu.wait_dma2 semaphore(%arg16 : memref<!tpu.dma_semaphore, #tpu.memory_space<semaphore_mem>>) src(%dma_wait3A_23 : memref<632x128xf32, #tpu.memory_space<hbm>>) dst(%dma_wait3A_21 : memref<632x128xf32, #tpu.memory_space<vmem_shared>>)
      %barrier3A = arith.constant 0 : index
      tpu.barrier barrier_id(%barrier3A)
      %scan3A = arith.constant 0 : i32
      %scan3A_24 = arith.constant 0 : i32
      %scan3A_25 = arith.constant 20 : i32
      %scan3A_26 = arith.addi %scan3A_24, %scan3A_25 : i32
      %scan3A_27 = arith.constant 1 : i32
      scf.for %scan3A_61 = %scan3A_24 to %scan3A_26 step %scan3A_27  : i32 {
        %mul3A_62 = arith.constant 2 : i32
        %mul3A_63 = arith.muli %scan3A_61, %mul3A_62 : i32
        %dma_wait3A_64 = arith.constant 0 : i32
        %dma_wait3A_65 = tpu.memref_slice %arg9[%mul3A_63, %dma_wait3A_64] : memref<40x128xi32, #tpu.memory_space<vmem>> -> memref<1x128xi32, #tpu.memory_space<vmem>>
        %dma_wait3A_66 = tpu.memref_squeeze %dma_wait3A_65 : memref<1x128xi32, #tpu.memory_space<vmem>> -> memref<128xi32, #tpu.memory_space<vmem>>
        %dma_wait3A_67 = arith.constant 0 : i32
        %dma_wait3A_68 = arith.constant 0 : i32
        %dma_wait3A_69 = tpu.memref_slice %arg2[%dma_wait3A_67, %dma_wait3A_68] : memref<10000x128xf32, #tpu.memory_space<hbm>> -> memref<10000x128xf32, #tpu.memory_space<hbm>>
        tpu.wait_indirect_dma semaphore(%arg14 : memref<!tpu.dma_semaphore, #tpu.memory_space<semaphore_mem>>) src(%dma_wait3A_69 : memref<10000x128xf32, #tpu.memory_space<hbm>>) dst(%arg11 : memref<128x128xf32, #tpu.memory_space<vmem>>)
        %dma_start3A_70 = arith.constant 0 : i32
        %dma_start3A_71 = tpu.memref_slice %arg10[%mul3A_63, %dma_start3A_70] : memref<40x128xi32, #tpu.memory_space<vmem>> -> memref<1x128xi32, #tpu.memory_space<vmem>>
        %dma_start3A_72 = tpu.memref_squeeze %dma_start3A_71 : memref<1x128xi32, #tpu.memory_space<vmem>> -> memref<128xi32, #tpu.memory_space<vmem>>
        %dma_start3A_73 = arith.constant 0 : i32
        %dma_start3A_74 = arith.constant 0 : i32
        %dma_start3A_75 = tpu.memref_slice %arg13[%dma_start3A_73, %dma_start3A_74] : memref<10112x128xf32, #tpu.memory_space<vmem_shared>> -> memref<10112x128xf32, #tpu.memory_space<vmem_shared>>
        tpu.enqueue_indirect_dma source(%arg11 : memref<128x128xf32, #tpu.memory_space<vmem>>) target(%dma_start3A_75 : memref<10112x128xf32, #tpu.memory_space<vmem_shared>>) offsets(%dma_start3A_72 : memref<128xi32, #tpu.memory_space<vmem>>) semaphore(%arg16 : memref<!tpu.dma_semaphore, #tpu.memory_space<semaphore_mem>>) {add = true}
        %gt3A = arith.constant 0 : i32
        %gt3A_76 = arith.cmpi sgt, %mul3A_63, %gt3A : i32
        %convert_element_type3A_77 = arith.extui %gt3A_76 : i1 to i32
        %cond3A_78 = arith.constant 0 : i32
        %cond3A_79 = arith.cmpi ne, %convert_element_type3A_77, %cond3A_78 : i32
        scf.if %cond3A_79 {
          %dma_wait3A_117 = arith.constant 0 : i32
          %dma_wait3A_118 = arith.constant 0 : i32
          %dma_wait3A_119 = tpu.memref_slice %arg10[%dma_wait3A_117, %dma_wait3A_118] : memref<40x128xi32, #tpu.memory_space<vmem>> -> memref<1x128xi32, #tpu.memory_space<vmem>>
          %dma_wait3A_120 = tpu.memref_squeeze %dma_wait3A_119 : memref<1x128xi32, #tpu.memory_space<vmem>> -> memref<128xi32, #tpu.memory_space<vmem>>
          %dma_wait3A_121 = arith.constant 0 : i32
          %dma_wait3A_122 = arith.constant 0 : i32
          %dma_wait3A_123 = tpu.memref_slice %arg13[%dma_wait3A_121, %dma_wait3A_122] : memref<10112x128xf32, #tpu.memory_space<vmem_shared>> -> memref<10112x128xf32, #tpu.memory_space<vmem_shared>>
          tpu.wait_indirect_dma semaphore(%arg17 : memref<!tpu.dma_semaphore, #tpu.memory_space<semaphore_mem>>) src(%arg12 : memref<128x128xf32, #tpu.memory_space<vmem>>) dst(%dma_wait3A_123 : memref<10112x128xf32, #tpu.memory_space<vmem_shared>>)
        } else {
        }
        %add3A_80 = arith.constant 1 : i32
        %add3A_81 = arith.addi %mul3A_63, %add3A_80 : i32
        %dma_start3A_82 = arith.constant 0 : i32
        %dma_start3A_83 = tpu.memref_slice %arg9[%add3A_81, %dma_start3A_82] : memref<40x128xi32, #tpu.memory_space<vmem>> -> memref<1x128xi32, #tpu.memory_space<vmem>>
        %dma_start3A_84 = tpu.memref_squeeze %dma_start3A_83 : memref<1x128xi32, #tpu.memory_space<vmem>> -> memref<128xi32, #tpu.memory_space<vmem>>
        %dma_start3A_85 = arith.constant 0 : i32
        %dma_start3A_86 = arith.constant 0 : i32
        %dma_start3A_87 = tpu.memref_slice %arg2[%dma_start3A_85, %dma_start3A_86] : memref<10000x128xf32, #tpu.memory_space<hbm>> -> memref<10000x128xf32, #tpu.memory_space<hbm>>
        tpu.enqueue_indirect_dma source(%dma_start3A_87 : memref<10000x128xf32, #tpu.memory_space<hbm>>) target(%arg12 : memref<128x128xf32, #tpu.memory_space<vmem>>) offsets(%dma_start3A_84 : memref<128xi32, #tpu.memory_space<vmem>>) semaphore(%arg15 : memref<!tpu.dma_semaphore, #tpu.memory_space<semaphore_mem>>)
        %add3A_88 = arith.constant 1 : i32
        %add3A_89 = arith.addi %mul3A_63, %add3A_88 : i32
        %dma_wait3A_90 = arith.constant 0 : i32
        %dma_wait3A_91 = tpu.memref_slice %arg9[%add3A_89, %dma_wait3A_90] : memref<40x128xi32, #tpu.memory_space<vmem>> -> memref<1x128xi32, #tpu.memory_space<vmem>>
        %dma_wait3A_92 = tpu.memref_squeeze %dma_wait3A_91 : memref<1x128xi32, #tpu.memory_space<vmem>> -> memref<128xi32, #tpu.memory_space<vmem>>
        %dma_wait3A_93 = arith.constant 0 : i32
        %dma_wait3A_94 = arith.constant 0 : i32
        %dma_wait3A_95 = tpu.memref_slice %arg2[%dma_wait3A_93, %dma_wait3A_94] : memref<10000x128xf32, #tpu.memory_space<hbm>> -> memref<10000x128xf32, #tpu.memory_space<hbm>>
        tpu.wait_indirect_dma semaphore(%arg15 : memref<!tpu.dma_semaphore, #tpu.memory_space<semaphore_mem>>) src(%dma_wait3A_95 : memref<10000x128xf32, #tpu.memory_space<hbm>>) dst(%arg12 : memref<128x128xf32, #tpu.memory_space<vmem>>)
        %add3A_96 = arith.constant 1 : i32
        %add3A_97 = arith.addi %mul3A_63, %add3A_96 : i32
        %dma_start3A_98 = arith.constant 0 : i32
        %dma_start3A_99 = tpu.memref_slice %arg10[%add3A_97, %dma_start3A_98] : memref<40x128xi32, #tpu.memory_space<vmem>> -> memref<1x128xi32, #tpu.memory_space<vmem>>
        %dma_start3A_100 = tpu.memref_squeeze %dma_start3A_99 : memref<1x128xi32, #tpu.memory_space<vmem>> -> memref<128xi32, #tpu.memory_space<vmem>>
        %dma_start3A_101 = arith.constant 0 : i32
        %dma_start3A_102 = arith.constant 0 : i32
        %dma_start3A_103 = tpu.memref_slice %arg13[%dma_start3A_101, %dma_start3A_102] : memref<10112x128xf32, #tpu.memory_space<vmem_shared>> -> memref<10112x128xf32, #tpu.memory_space<vmem_shared>>
        tpu.enqueue_indirect_dma source(%arg12 : memref<128x128xf32, #tpu.memory_space<vmem>>) target(%dma_start3A_103 : memref<10112x128xf32, #tpu.memory_space<vmem_shared>>) offsets(%dma_start3A_100 : memref<128xi32, #tpu.memory_space<vmem>>) semaphore(%arg17 : memref<!tpu.dma_semaphore, #tpu.memory_space<semaphore_mem>>) {add = true}
        %dma_wait3A_104 = arith.constant 0 : i32
        %dma_wait3A_105 = arith.constant 0 : i32
        %dma_wait3A_106 = tpu.memref_slice %arg10[%dma_wait3A_104, %dma_wait3A_105] : memref<40x128xi32, #tpu.memory_space<vmem>> -> memref<1x128xi32, #tpu.memory_space<vmem>>
        %dma_wait3A_107 = tpu.memref_squeeze %dma_wait3A_106 : memref<1x128xi32, #tpu.memory_space<vmem>> -> memref<128xi32, #tpu.memory_space<vmem>>
        %dma_wait3A_108 = arith.constant 0 : i32
        %dma_wait3A_109 = arith.constant 0 : i32
        %dma_wait3A_110 = tpu.memref_slice %arg13[%dma_wait3A_108, %dma_wait3A_109] : memref<10112x128xf32, #tpu.memory_space<vmem_shared>> -> memref<10112x128xf32, #tpu.memory_space<vmem_shared>>
        tpu.wait_indirect_dma semaphore(%arg16 : memref<!tpu.dma_semaphore, #tpu.memory_space<semaphore_mem>>) src(%arg11 : memref<128x128xf32, #tpu.memory_space<vmem>>) dst(%dma_wait3A_110 : memref<10112x128xf32, #tpu.memory_space<vmem_shared>>)
        %add3A_111 = arith.constant 2 : i32
        %add3A_112 = arith.addi %mul3A_63, %add3A_111 : i32
        %lt3A = arith.constant 40 : i32
        %lt3A_113 = arith.cmpi slt, %add3A_112, %lt3A : i32
        %convert_element_type3A_114 = arith.extui %lt3A_113 : i1 to i32
        %cond3A_115 = arith.constant 0 : i32
        %cond3A_116 = arith.cmpi ne, %convert_element_type3A_114, %cond3A_115 : i32
        scf.if %cond3A_116 {
          %add3A_117 = arith.constant 2 : i32
          %add3A_118 = arith.addi %mul3A_63, %add3A_117 : i32
          %dma_start3A_119 = arith.constant 0 : i32
          %dma_start3A_120 = tpu.memref_slice %arg9[%add3A_118, %dma_start3A_119] : memref<40x128xi32, #tpu.memory_space<vmem>> -> memref<1x128xi32, #tpu.memory_space<vmem>>
          %dma_start3A_121 = tpu.memref_squeeze %dma_start3A_120 : memref<1x128xi32, #tpu.memory_space<vmem>> -> memref<128xi32, #tpu.memory_space<vmem>>
          %dma_start3A_122 = arith.constant 0 : i32
          %dma_start3A_123 = arith.constant 0 : i32
          %dma_start3A_124 = tpu.memref_slice %arg2[%dma_start3A_122, %dma_start3A_123] : memref<10000x128xf32, #tpu.memory_space<hbm>> -> memref<10000x128xf32, #tpu.memory_space<hbm>>
          tpu.enqueue_indirect_dma source(%dma_start3A_124 : memref<10000x128xf32, #tpu.memory_space<hbm>>) target(%arg11 : memref<128x128xf32, #tpu.memory_space<vmem>>) offsets(%dma_start3A_121 : memref<128xi32, #tpu.memory_space<vmem>>) semaphore(%arg14 : memref<!tpu.dma_semaphore, #tpu.memory_space<semaphore_mem>>)
        } else {
        }
      }
      %scan3A_28 = arith.constant 20 : i32
      %dma_wait3A_29 = arith.constant 0 : i32
      %dma_wait3A_30 = arith.constant 0 : i32
      %dma_wait3A_31 = tpu.memref_slice %arg10[%dma_wait3A_29, %dma_wait3A_30] : memref<40x128xi32, #tpu.memory_space<vmem>> -> memref<1x128xi32, #tpu.memory_space<vmem>>
      %dma_wait3A_32 = tpu.memref_squeeze %dma_wait3A_31 : memref<1x128xi32, #tpu.memory_space<vmem>> -> memref<128xi32, #tpu.memory_space<vmem>>
      %dma_wait3A_33 = arith.constant 0 : i32
      %dma_wait3A_34 = arith.constant 0 : i32
      %dma_wait3A_35 = tpu.memref_slice %arg13[%dma_wait3A_33, %dma_wait3A_34] : memref<10112x128xf32, #tpu.memory_space<vmem_shared>> -> memref<10112x128xf32, #tpu.memory_space<vmem_shared>>
      tpu.wait_indirect_dma semaphore(%arg17 : memref<!tpu.dma_semaphore, #tpu.memory_space<semaphore_mem>>) src(%arg12 : memref<128x128xf32, #tpu.memory_space<vmem>>) dst(%dma_wait3A_35 : memref<10112x128xf32, #tpu.memory_space<vmem_shared>>)
      %mul3A_36 = arith.constant 80 : i32
      %mul3A_37 = arith.muli %arg1, %mul3A_36 : i32
      %add3A_38 = arith.constant 40 : i32
      %add3A_39 = arith.addi %mul3A_37, %add3A_38 : i32
      "tpu.region"() ({
        %run_scoped3A = tpu.sem_alloc : memref<!tpu.dma_semaphore, #tpu.memory_space<semaphore_mem>>
        %dma_start3A_61 = arith.constant 0 : i32
        %dma_start3A_62 = tpu.memref_slice %arg4[%add3A_39, %dma_start3A_61] : memref<1280x128xi32, #tpu.memory_space<hbm>> -> memref<40x128xi32, #tpu.memory_space<hbm>>
        %dma_start3A_63 = arith.constant 0 : i32
        %dma_start3A_64 = tpu.memref_slice %arg4[%add3A_39, %dma_start3A_63] : memref<1280x128xi32, #tpu.memory_space<hbm>> -> memref<40x128xi32, #tpu.memory_space<hbm>>
        tpu.enqueue_dma source(%dma_start3A_64 : memref<40x128xi32, #tpu.memory_space<hbm>>) target(%arg9 : memref<40x128xi32, #tpu.memory_space<vmem>>) target_semaphore(%run_scoped3A : memref<!tpu.dma_semaphore, #tpu.memory_space<semaphore_mem>>)
        %dma_wait3A_65 = arith.constant 0 : i32
        %dma_wait3A_66 = tpu.memref_slice %arg4[%add3A_39, %dma_wait3A_65] : memref<1280x128xi32, #tpu.memory_space<hbm>> -> memref<40x128xi32, #tpu.memory_space<hbm>>
        %dma_wait3A_67 = arith.constant 0 : i32
        %dma_wait3A_68 = tpu.memref_slice %arg4[%add3A_39, %dma_wait3A_67] : memref<1280x128xi32, #tpu.memory_space<hbm>> -> memref<40x128xi32, #tpu.memory_space<hbm>>
        tpu.wait_dma2 semaphore(%run_scoped3A : memref<!tpu.dma_semaphore, #tpu.memory_space<semaphore_mem>>) src(%dma_wait3A_68 : memref<40x128xi32, #tpu.memory_space<hbm>>) dst(%arg9 : memref<40x128xi32, #tpu.memory_space<vmem>>)
        tpu.yield
      }) : () -> ()
      "tpu.region"() ({
        %run_scoped3A = tpu.sem_alloc : memref<!tpu.dma_semaphore, #tpu.memory_space<semaphore_mem>>
        %dma_start3A_61 = arith.constant 0 : i32
        %dma_start3A_62 = tpu.memref_slice %arg5[%add3A_39, %dma_start3A_61] : memref<1280x128xi32, #tpu.memory_space<hbm>> -> memref<40x128xi32, #tpu.memory_space<hbm>>
        %dma_start3A_63 = arith.constant 0 : i32
        %dma_start3A_64 = tpu.memref_slice %arg5[%add3A_39, %dma_start3A_63] : memref<1280x128xi32, #tpu.memory_space<hbm>> -> memref<40x128xi32, #tpu.memory_space<hbm>>
        tpu.enqueue_dma source(%dma_start3A_64 : memref<40x128xi32, #tpu.memory_space<hbm>>) target(%arg10 : memref<40x128xi32, #tpu.memory_space<vmem>>) target_semaphore(%run_scoped3A : memref<!tpu.dma_semaphore, #tpu.memory_space<semaphore_mem>>)
        %dma_wait3A_65 = arith.constant 0 : i32
        %dma_wait3A_66 = tpu.memref_slice %arg5[%add3A_39, %dma_wait3A_65] : memref<1280x128xi32, #tpu.memory_space<hbm>> -> memref<40x128xi32, #tpu.memory_space<hbm>>
        %dma_wait3A_67 = arith.constant 0 : i32
        %dma_wait3A_68 = tpu.memref_slice %arg5[%add3A_39, %dma_wait3A_67] : memref<1280x128xi32, #tpu.memory_space<hbm>> -> memref<40x128xi32, #tpu.memory_space<hbm>>
        tpu.wait_dma2 semaphore(%run_scoped3A : memref<!tpu.dma_semaphore, #tpu.memory_space<semaphore_mem>>) src(%dma_wait3A_68 : memref<40x128xi32, #tpu.memory_space<hbm>>) dst(%arg10 : memref<40x128xi32, #tpu.memory_space<vmem>>)
        tpu.yield
      }) : () -> ()
      %dma_start3A_40 = arith.constant 0 : i32
      %dma_start3A_41 = arith.constant 0 : i32
      %dma_start3A_42 = tpu.memref_slice %arg9[%dma_start3A_40, %dma_start3A_41] : memref<40x128xi32, #tpu.memory_space<vmem>> -> memref<1x128xi32, #tpu.memory_space<vmem>>
      %dma_start3A_43 = tpu.memref_squeeze %dma_start3A_42 : memref<1x128xi32, #tpu.memory_space<vmem>> -> memref<128xi32, #tpu.memory_space<vmem>>
      %dma_start3A_44 = arith.constant 0 : i32
      %dma_start3A_45 = arith.constant 0 : i32
      %dma_start3A_46 = tpu.memref_slice %arg2[%dma_start3A_44, %dma_start3A_45] : memref<10000x128xf32, #tpu.memory_space<hbm>> -> memref<10000x128xf32, #tpu.memory_space<hbm>>
      tpu.enqueue_indirect_dma source(%dma_start3A_46 : memref<10000x128xf32, #tpu.memory_space<hbm>>) target(%arg11 : memref<128x128xf32, #tpu.memory_space<vmem>>) offsets(%dma_start3A_43 : memref<128xi32, #tpu.memory_space<vmem>>) semaphore(%arg14 : memref<!tpu.dma_semaphore, #tpu.memory_space<semaphore_mem>>)
      %scan3A_47 = arith.constant 0 : i32
      %scan3A_48 = arith.constant 0 : i32
      %scan3A_49 = arith.constant 20 : i32
      %scan3A_50 = arith.addi %scan3A_48, %scan3A_49 : i32
      %scan3A_51 = arith.constant 1 : i32
      scf.for %scan3A_61 = %scan3A_48 to %scan3A_50 step %scan3A_51  : i32 {
        %mul3A_62 = arith.constant 2 : i32
        %mul3A_63 = arith.muli %scan3A_61, %mul3A_62 : i32
        %dma_wait3A_64 = arith.constant 0 : i32
        %dma_wait3A_65 = tpu.memref_slice %arg9[%mul3A_63, %dma_wait3A_64] : memref<40x128xi32, #tpu.memory_space<vmem>> -> memref<1x128xi32, #tpu.memory_space<vmem>>
        %dma_wait3A_66 = tpu.memref_squeeze %dma_wait3A_65 : memref<1x128xi32, #tpu.memory_space<vmem>> -> memref<128xi32, #tpu.memory_space<vmem>>
        %dma_wait3A_67 = arith.constant 0 : i32
        %dma_wait3A_68 = arith.constant 0 : i32
        %dma_wait3A_69 = tpu.memref_slice %arg2[%dma_wait3A_67, %dma_wait3A_68] : memref<10000x128xf32, #tpu.memory_space<hbm>> -> memref<10000x128xf32, #tpu.memory_space<hbm>>
        tpu.wait_indirect_dma semaphore(%arg14 : memref<!tpu.dma_semaphore, #tpu.memory_space<semaphore_mem>>) src(%dma_wait3A_69 : memref<10000x128xf32, #tpu.memory_space<hbm>>) dst(%arg11 : memref<128x128xf32, #tpu.memory_space<vmem>>)
        %dma_start3A_70 = arith.constant 0 : i32
        %dma_start3A_71 = tpu.memref_slice %arg10[%mul3A_63, %dma_start3A_70] : memref<40x128xi32, #tpu.memory_space<vmem>> -> memref<1x128xi32, #tpu.memory_space<vmem>>
        %dma_start3A_72 = tpu.memref_squeeze %dma_start3A_71 : memref<1x128xi32, #tpu.memory_space<vmem>> -> memref<128xi32, #tpu.memory_space<vmem>>
        %dma_start3A_73 = arith.constant 0 : i32
        %dma_start3A_74 = arith.constant 0 : i32
        %dma_start3A_75 = tpu.memref_slice %arg13[%dma_start3A_73, %dma_start3A_74] : memref<10112x128xf32, #tpu.memory_space<vmem_shared>> -> memref<10112x128xf32, #tpu.memory_space<vmem_shared>>
        tpu.enqueue_indirect_dma source(%arg11 : memref<128x128xf32, #tpu.memory_space<vmem>>) target(%dma_start3A_75 : memref<10112x128xf32, #tpu.memory_space<vmem_shared>>) offsets(%dma_start3A_72 : memref<128xi32, #tpu.memory_space<vmem>>) semaphore(%arg16 : memref<!tpu.dma_semaphore, #tpu.memory_space<semaphore_mem>>) {add = true}
        %gt3A = arith.constant 0 : i32
        %gt3A_76 = arith.cmpi sgt, %mul3A_63, %gt3A : i32
        %convert_element_type3A_77 = arith.extui %gt3A_76 : i1 to i32
        %cond3A_78 = arith.constant 0 : i32
        %cond3A_79 = arith.cmpi ne, %convert_element_type3A_77, %cond3A_78 : i32
        scf.if %cond3A_79 {
          %dma_wait3A_117 = arith.constant 0 : i32
          %dma_wait3A_118 = arith.constant 0 : i32
          %dma_wait3A_119 = tpu.memref_slice %arg10[%dma_wait3A_117, %dma_wait3A_118] : memref<40x128xi32, #tpu.memory_space<vmem>> -> memref<1x128xi32, #tpu.memory_space<vmem>>
          %dma_wait3A_120 = tpu.memref_squeeze %dma_wait3A_119 : memref<1x128xi32, #tpu.memory_space<vmem>> -> memref<128xi32, #tpu.memory_space<vmem>>
          %dma_wait3A_121 = arith.constant 0 : i32
          %dma_wait3A_122 = arith.constant 0 : i32
          %dma_wait3A_123 = tpu.memref_slice %arg13[%dma_wait3A_121, %dma_wait3A_122] : memref<10112x128xf32, #tpu.memory_space<vmem_shared>> -> memref<10112x128xf32, #tpu.memory_space<vmem_shared>>
          tpu.wait_indirect_dma semaphore(%arg17 : memref<!tpu.dma_semaphore, #tpu.memory_space<semaphore_mem>>) src(%arg12 : memref<128x128xf32, #tpu.memory_space<vmem>>) dst(%dma_wait3A_123 : memref<10112x128xf32, #tpu.memory_space<vmem_shared>>)
        } else {
        }
        %add3A_80 = arith.constant 1 : i32
        %add3A_81 = arith.addi %mul3A_63, %add3A_80 : i32
        %dma_start3A_82 = arith.constant 0 : i32
        %dma_start3A_83 = tpu.memref_slice %arg9[%add3A_81, %dma_start3A_82] : memref<40x128xi32, #tpu.memory_space<vmem>> -> memref<1x128xi32, #tpu.memory_space<vmem>>
        %dma_start3A_84 = tpu.memref_squeeze %dma_start3A_83 : memref<1x128xi32, #tpu.memory_space<vmem>> -> memref<128xi32, #tpu.memory_space<vmem>>
        %dma_start3A_85 = arith.constant 0 : i32
        %dma_start3A_86 = arith.constant 0 : i32
        %dma_start3A_87 = tpu.memref_slice %arg2[%dma_start3A_85, %dma_start3A_86] : memref<10000x128xf32, #tpu.memory_space<hbm>> -> memref<10000x128xf32, #tpu.memory_space<hbm>>
        tpu.enqueue_indirect_dma source(%dma_start3A_87 : memref<10000x128xf32, #tpu.memory_space<hbm>>) target(%arg12 : memref<128x128xf32, #tpu.memory_space<vmem>>) offsets(%dma_start3A_84 : memref<128xi32, #tpu.memory_space<vmem>>) semaphore(%arg15 : memref<!tpu.dma_semaphore, #tpu.memory_space<semaphore_mem>>)
        %add3A_88 = arith.constant 1 : i32
        %add3A_89 = arith.addi %mul3A_63, %add3A_88 : i32
        %dma_wait3A_90 = arith.constant 0 : i32
        %dma_wait3A_91 = tpu.memref_slice %arg9[%add3A_89, %dma_wait3A_90] : memref<40x128xi32, #tpu.memory_space<vmem>> -> memref<1x128xi32, #tpu.memory_space<vmem>>
        %dma_wait3A_92 = tpu.memref_squeeze %dma_wait3A_91 : memref<1x128xi32, #tpu.memory_space<vmem>> -> memref<128xi32, #tpu.memory_space<vmem>>
        %dma_wait3A_93 = arith.constant 0 : i32
        %dma_wait3A_94 = arith.constant 0 : i32
        %dma_wait3A_95 = tpu.memref_slice %arg2[%dma_wait3A_93, %dma_wait3A_94] : memref<10000x128xf32, #tpu.memory_space<hbm>> -> memref<10000x128xf32, #tpu.memory_space<hbm>>
        tpu.wait_indirect_dma semaphore(%arg15 : memref<!tpu.dma_semaphore, #tpu.memory_space<semaphore_mem>>) src(%dma_wait3A_95 : memref<10000x128xf32, #tpu.memory_space<hbm>>) dst(%arg12 : memref<128x128xf32, #tpu.memory_space<vmem>>)
        %add3A_96 = arith.constant 1 : i32
        %add3A_97 = arith.addi %mul3A_63, %add3A_96 : i32
        %dma_start3A_98 = arith.constant 0 : i32
        %dma_start3A_99 = tpu.memref_slice %arg10[%add3A_97, %dma_start3A_98] : memref<40x128xi32, #tpu.memory_space<vmem>> -> memref<1x128xi32, #tpu.memory_space<vmem>>
        %dma_start3A_100 = tpu.memref_squeeze %dma_start3A_99 : memref<1x128xi32, #tpu.memory_space<vmem>> -> memref<128xi32, #tpu.memory_space<vmem>>
        %dma_start3A_101 = arith.constant 0 : i32
        %dma_start3A_102 = arith.constant 0 : i32
        %dma_start3A_103 = tpu.memref_slice %arg13[%dma_start3A_101, %dma_start3A_102] : memref<10112x128xf32, #tpu.memory_space<vmem_shared>> -> memref<10112x128xf32, #tpu.memory_space<vmem_shared>>
        tpu.enqueue_indirect_dma source(%arg12 : memref<128x128xf32, #tpu.memory_space<vmem>>) target(%dma_start3A_103 : memref<10112x128xf32, #tpu.memory_space<vmem_shared>>) offsets(%dma_start3A_100 : memref<128xi32, #tpu.memory_space<vmem>>) semaphore(%arg17 : memref<!tpu.dma_semaphore, #tpu.memory_space<semaphore_mem>>) {add = true}
        %dma_wait3A_104 = arith.constant 0 : i32
        %dma_wait3A_105 = arith.constant 0 : i32
        %dma_wait3A_106 = tpu.memref_slice %arg10[%dma_wait3A_104, %dma_wait3A_105] : memref<40x128xi32, #tpu.memory_space<vmem>> -> memref<1x128xi32, #tpu.memory_space<vmem>>
        %dma_wait3A_107 = tpu.memref_squeeze %dma_wait3A_106 : memref<1x128xi32, #tpu.memory_space<vmem>> -> memref<128xi32, #tpu.memory_space<vmem>>
        %dma_wait3A_108 = arith.constant 0 : i32
        %dma_wait3A_109 = arith.constant 0 : i32
        %dma_wait3A_110 = tpu.memref_slice %arg13[%dma_wait3A_108, %dma_wait3A_109] : memref<10112x128xf32, #tpu.memory_space<vmem_shared>> -> memref<10112x128xf32, #tpu.memory_space<vmem_shared>>
        tpu.wait_indirect_dma semaphore(%arg16 : memref<!tpu.dma_semaphore, #tpu.memory_space<semaphore_mem>>) src(%arg11 : memref<128x128xf32, #tpu.memory_space<vmem>>) dst(%dma_wait3A_110 : memref<10112x128xf32, #tpu.memory_space<vmem_shared>>)
        %add3A_111 = arith.constant 2 : i32
        %add3A_112 = arith.addi %mul3A_63, %add3A_111 : i32
        %lt3A = arith.constant 40 : i32
        %lt3A_113 = arith.cmpi slt, %add3A_112, %lt3A : i32
        %convert_element_type3A_114 = arith.extui %lt3A_113 : i1 to i32
        %cond3A_115 = arith.constant 0 : i32
        %cond3A_116 = arith.cmpi ne, %convert_element_type3A_114, %cond3A_115 : i32
        scf.if %cond3A_116 {
          %add3A_117 = arith.constant 2 : i32
          %add3A_118 = arith.addi %mul3A_63, %add3A_117 : i32
          %dma_start3A_119 = arith.constant 0 : i32
          %dma_start3A_120 = tpu.memref_slice %arg9[%add3A_118, %dma_start3A_119] : memref<40x128xi32, #tpu.memory_space<vmem>> -> memref<1x128xi32, #tpu.memory_space<vmem>>
          %dma_start3A_121 = tpu.memref_squeeze %dma_start3A_120 : memref<1x128xi32, #tpu.memory_space<vmem>> -> memref<128xi32, #tpu.memory_space<vmem>>
          %dma_start3A_122 = arith.constant 0 : i32
          %dma_start3A_123 = arith.constant 0 : i32
          %dma_start3A_124 = tpu.memref_slice %arg2[%dma_start3A_122, %dma_start3A_123] : memref<10000x128xf32, #tpu.memory_space<hbm>> -> memref<10000x128xf32, #tpu.memory_space<hbm>>
          tpu.enqueue_indirect_dma source(%dma_start3A_124 : memref<10000x128xf32, #tpu.memory_space<hbm>>) target(%arg11 : memref<128x128xf32, #tpu.memory_space<vmem>>) offsets(%dma_start3A_121 : memref<128xi32, #tpu.memory_space<vmem>>) semaphore(%arg14 : memref<!tpu.dma_semaphore, #tpu.memory_space<semaphore_mem>>)
        } else {
        }
      }
      %scan3A_52 = arith.constant 20 : i32
      %dma_wait3A_53 = arith.constant 0 : i32
      %dma_wait3A_54 = arith.constant 0 : i32
      %dma_wait3A_55 = tpu.memref_slice %arg10[%dma_wait3A_53, %dma_wait3A_54] : memref<40x128xi32, #tpu.memory_space<vmem>> -> memref<1x128xi32, #tpu.memory_space<vmem>>
      %dma_wait3A_56 = tpu.memref_squeeze %dma_wait3A_55 : memref<1x128xi32, #tpu.memory_space<vmem>> -> memref<128xi32, #tpu.memory_space<vmem>>
      %dma_wait3A_57 = arith.constant 0 : i32
      %dma_wait3A_58 = arith.constant 0 : i32
      %dma_wait3A_59 = tpu.memref_slice %arg13[%dma_wait3A_57, %dma_wait3A_58] : memref<10112x128xf32, #tpu.memory_space<vmem_shared>> -> memref<10112x128xf32, #tpu.memory_space<vmem_shared>>
      tpu.wait_indirect_dma semaphore(%arg17 : memref<!tpu.dma_semaphore, #tpu.memory_space<semaphore_mem>>) src(%arg12 : memref<128x128xf32, #tpu.memory_space<vmem>>) dst(%dma_wait3A_59 : memref<10112x128xf32, #tpu.memory_space<vmem_shared>>)
      %barrier3A_60 = arith.constant 0 : index
      tpu.barrier barrier_id(%barrier3A_60)
      "tpu.region"() ({
        %run_scoped3A = tpu.sem_alloc : memref<!tpu.dma_semaphore, #tpu.memory_space<semaphore_mem>>
        %dma_start3A_61 = arith.constant 0 : i32
        %dma_start3A_62 = tpu.memref_slice %arg7[%mul3A_0, %dma_start3A_61] : memref<10112x128xf32, #tpu.memory_space<hbm>> -> memref<632x128xf32, #tpu.memory_space<hbm>>
        %dma_start3A_63 = arith.constant 0 : i32
        %dma_start3A_64 = tpu.memref_slice %arg13[%mul3A_0, %dma_start3A_63] : memref<10112x128xf32, #tpu.memory_space<vmem_shared>> -> memref<632x128xf32, #tpu.memory_space<vmem_shared>>
        tpu.enqueue_dma source(%dma_start3A_64 : memref<632x128xf32, #tpu.memory_space<vmem_shared>>) target(%dma_start3A_62 : memref<632x128xf32, #tpu.memory_space<hbm>>) target_semaphore(%run_scoped3A : memref<!tpu.dma_semaphore, #tpu.memory_space<semaphore_mem>>)
        %dma_wait3A_65 = arith.constant 0 : i32
        %dma_wait3A_66 = tpu.memref_slice %arg7[%mul3A_0, %dma_wait3A_65] : memref<10112x128xf32, #tpu.memory_space<hbm>> -> memref<632x128xf32, #tpu.memory_space<hbm>>
        %dma_wait3A_67 = arith.constant 0 : i32
        %dma_wait3A_68 = tpu.memref_slice %arg13[%mul3A_0, %dma_wait3A_67] : memref<10112x128xf32, #tpu.memory_space<vmem_shared>> -> memref<632x128xf32, #tpu.memory_space<vmem_shared>>
        tpu.wait_dma2 semaphore(%run_scoped3A : memref<!tpu.dma_semaphore, #tpu.memory_space<semaphore_mem>>) src(%dma_wait3A_68 : memref<632x128xf32, #tpu.memory_space<vmem_shared>>) dst(%dma_wait3A_66 : memref<632x128xf32, #tpu.memory_space<hbm>>)
        tpu.yield
      }) : () -> ()
    } else {
    }
    %eq3A_3 = arith.constant 1 : i32
    %eq3A_4 = arith.cmpi eq, %arg0, %eq3A_3 : i32
    %convert_element_type3A_5 = arith.extui %eq3A_4 : i1 to i32
    %cond3A_6 = arith.constant 0 : i32
    %cond3A_7 = arith.cmpi ne, %convert_element_type3A_5, %cond3A_6 : i32
    scf.if %cond3A_7 {
      %dma_start3A = arith.constant 0 : i32
      %dma_start3A_8 = tpu.memref_slice %arg13[%mul3A_0, %dma_start3A] : memref<10112x128xf32, #tpu.memory_space<vmem_shared>> -> memref<632x128xf32, #tpu.memory_space<vmem_shared>>
      %dma_start3A_9 = arith.constant 0 : i32
      %dma_start3A_10 = tpu.memref_slice %arg6[%mul3A_0, %dma_start3A_9] : memref<10112x128xf32, #tpu.memory_space<hbm>> -> memref<632x128xf32, #tpu.memory_space<hbm>>
      tpu.enqueue_dma source(%dma_start3A_10 : memref<632x128xf32, #tpu.memory_space<hbm>>) target(%dma_start3A_8 : memref<632x128xf32, #tpu.memory_space<vmem_shared>>) target_semaphore(%arg16 : memref<!tpu.dma_semaphore, #tpu.memory_space<semaphore_mem>>)
      %mul3A_11 = arith.constant 80 : i32
      %mul3A_12 = arith.muli %arg1, %mul3A_11 : i32
      %add3A = arith.constant 0 : i32
      %add3A_13 = arith.addi %mul3A_12, %add3A : i32
      "tpu.region"() ({
        %run_scoped3A = tpu.sem_alloc : memref<!tpu.dma_semaphore, #tpu.memory_space<semaphore_mem>>
        %dma_start3A_61 = arith.constant 0 : i32
        %dma_start3A_62 = tpu.memref_slice %arg4[%add3A_13, %dma_start3A_61] : memref<1280x128xi32, #tpu.memory_space<hbm>> -> memref<40x128xi32, #tpu.memory_space<hbm>>
        %dma_start3A_63 = arith.constant 0 : i32
        %dma_start3A_64 = tpu.memref_slice %arg4[%add3A_13, %dma_start3A_63] : memref<1280x128xi32, #tpu.memory_space<hbm>> -> memref<40x128xi32, #tpu.memory_space<hbm>>
        tpu.enqueue_dma source(%dma_start3A_64 : memref<40x128xi32, #tpu.memory_space<hbm>>) target(%arg9 : memref<40x128xi32, #tpu.memory_space<vmem>>) target_semaphore(%run_scoped3A : memref<!tpu.dma_semaphore, #tpu.memory_space<semaphore_mem>>)
        %dma_wait3A_65 = arith.constant 0 : i32
        %dma_wait3A_66 = tpu.memref_slice %arg4[%add3A_13, %dma_wait3A_65] : memref<1280x128xi32, #tpu.memory_space<hbm>> -> memref<40x128xi32, #tpu.memory_space<hbm>>
        %dma_wait3A_67 = arith.constant 0 : i32
        %dma_wait3A_68 = tpu.memref_slice %arg4[%add3A_13, %dma_wait3A_67] : memref<1280x128xi32, #tpu.memory_space<hbm>> -> memref<40x128xi32, #tpu.memory_space<hbm>>
        tpu.wait_dma2 semaphore(%run_scoped3A : memref<!tpu.dma_semaphore, #tpu.memory_space<semaphore_mem>>) src(%dma_wait3A_68 : memref<40x128xi32, #tpu.memory_space<hbm>>) dst(%arg9 : memref<40x128xi32, #tpu.memory_space<vmem>>)
        tpu.yield
      }) : () -> ()
      "tpu.region"() ({
        %run_scoped3A = tpu.sem_alloc : memref<!tpu.dma_semaphore, #tpu.memory_space<semaphore_mem>>
        %dma_start3A_61 = arith.constant 0 : i32
        %dma_start3A_62 = tpu.memref_slice %arg5[%add3A_13, %dma_start3A_61] : memref<1280x128xi32, #tpu.memory_space<hbm>> -> memref<40x128xi32, #tpu.memory_space<hbm>>
        %dma_start3A_63 = arith.constant 0 : i32
        %dma_start3A_64 = tpu.memref_slice %arg5[%add3A_13, %dma_start3A_63] : memref<1280x128xi32, #tpu.memory_space<hbm>> -> memref<40x128xi32, #tpu.memory_space<hbm>>
        tpu.enqueue_dma source(%dma_start3A_64 : memref<40x128xi32, #tpu.memory_space<hbm>>) target(%arg10 : memref<40x128xi32, #tpu.memory_space<vmem>>) target_semaphore(%run_scoped3A : memref<!tpu.dma_semaphore, #tpu.memory_space<semaphore_mem>>)
        %dma_wait3A_65 = arith.constant 0 : i32
        %dma_wait3A_66 = tpu.memref_slice %arg5[%add3A_13, %dma_wait3A_65] : memref<1280x128xi32, #tpu.memory_space<hbm>> -> memref<40x128xi32, #tpu.memory_space<hbm>>
        %dma_wait3A_67 = arith.constant 0 : i32
        %dma_wait3A_68 = tpu.memref_slice %arg5[%add3A_13, %dma_wait3A_67] : memref<1280x128xi32, #tpu.memory_space<hbm>> -> memref<40x128xi32, #tpu.memory_space<hbm>>
        tpu.wait_dma2 semaphore(%run_scoped3A : memref<!tpu.dma_semaphore, #tpu.memory_space<semaphore_mem>>) src(%dma_wait3A_68 : memref<40x128xi32, #tpu.memory_space<hbm>>) dst(%arg10 : memref<40x128xi32, #tpu.memory_space<vmem>>)
        tpu.yield
      }) : () -> ()
      %dma_start3A_14 = arith.constant 0 : i32
      %dma_start3A_15 = arith.constant 0 : i32
      %dma_start3A_16 = tpu.memref_slice %arg9[%dma_start3A_14, %dma_start3A_15] : memref<40x128xi32, #tpu.memory_space<vmem>> -> memref<1x128xi32, #tpu.memory_space<vmem>>
      %dma_start3A_17 = tpu.memref_squeeze %dma_start3A_16 : memref<1x128xi32, #tpu.memory_space<vmem>> -> memref<128xi32, #tpu.memory_space<vmem>>
      %dma_start3A_18 = arith.constant 0 : i32
      %dma_start3A_19 = arith.constant 0 : i32
      %dma_start3A_20 = tpu.memref_slice %arg3[%dma_start3A_18, %dma_start3A_19] : memref<10000x128xf32, #tpu.memory_space<hbm>> -> memref<10000x128xf32, #tpu.memory_space<hbm>>
      tpu.enqueue_indirect_dma source(%dma_start3A_20 : memref<10000x128xf32, #tpu.memory_space<hbm>>) target(%arg11 : memref<128x128xf32, #tpu.memory_space<vmem>>) offsets(%dma_start3A_17 : memref<128xi32, #tpu.memory_space<vmem>>) semaphore(%arg14 : memref<!tpu.dma_semaphore, #tpu.memory_space<semaphore_mem>>)
      %dma_wait3A = arith.constant 0 : i32
      %dma_wait3A_21 = tpu.memref_slice %arg13[%mul3A_0, %dma_wait3A] : memref<10112x128xf32, #tpu.memory_space<vmem_shared>> -> memref<632x128xf32, #tpu.memory_space<vmem_shared>>
      %dma_wait3A_22 = arith.constant 0 : i32
      %dma_wait3A_23 = tpu.memref_slice %arg6[%mul3A_0, %dma_wait3A_22] : memref<10112x128xf32, #tpu.memory_space<hbm>> -> memref<632x128xf32, #tpu.memory_space<hbm>>
      tpu.wait_dma2 semaphore(%arg16 : memref<!tpu.dma_semaphore, #tpu.memory_space<semaphore_mem>>) src(%dma_wait3A_23 : memref<632x128xf32, #tpu.memory_space<hbm>>) dst(%dma_wait3A_21 : memref<632x128xf32, #tpu.memory_space<vmem_shared>>)
      %barrier3A = arith.constant 0 : index
      tpu.barrier barrier_id(%barrier3A)
      %scan3A = arith.constant 0 : i32
      %scan3A_24 = arith.constant 0 : i32
      %scan3A_25 = arith.constant 20 : i32
      %scan3A_26 = arith.addi %scan3A_24, %scan3A_25 : i32
      %scan3A_27 = arith.constant 1 : i32
      scf.for %scan3A_61 = %scan3A_24 to %scan3A_26 step %scan3A_27  : i32 {
        %mul3A_62 = arith.constant 2 : i32
        %mul3A_63 = arith.muli %scan3A_61, %mul3A_62 : i32
        %dma_wait3A_64 = arith.constant 0 : i32
        %dma_wait3A_65 = tpu.memref_slice %arg9[%mul3A_63, %dma_wait3A_64] : memref<40x128xi32, #tpu.memory_space<vmem>> -> memref<1x128xi32, #tpu.memory_space<vmem>>
        %dma_wait3A_66 = tpu.memref_squeeze %dma_wait3A_65 : memref<1x128xi32, #tpu.memory_space<vmem>> -> memref<128xi32, #tpu.memory_space<vmem>>
        %dma_wait3A_67 = arith.constant 0 : i32
        %dma_wait3A_68 = arith.constant 0 : i32
        %dma_wait3A_69 = tpu.memref_slice %arg3[%dma_wait3A_67, %dma_wait3A_68] : memref<10000x128xf32, #tpu.memory_space<hbm>> -> memref<10000x128xf32, #tpu.memory_space<hbm>>
        tpu.wait_indirect_dma semaphore(%arg14 : memref<!tpu.dma_semaphore, #tpu.memory_space<semaphore_mem>>) src(%dma_wait3A_69 : memref<10000x128xf32, #tpu.memory_space<hbm>>) dst(%arg11 : memref<128x128xf32, #tpu.memory_space<vmem>>)
        %dma_start3A_70 = arith.constant 0 : i32
        %dma_start3A_71 = tpu.memref_slice %arg10[%mul3A_63, %dma_start3A_70] : memref<40x128xi32, #tpu.memory_space<vmem>> -> memref<1x128xi32, #tpu.memory_space<vmem>>
        %dma_start3A_72 = tpu.memref_squeeze %dma_start3A_71 : memref<1x128xi32, #tpu.memory_space<vmem>> -> memref<128xi32, #tpu.memory_space<vmem>>
        %dma_start3A_73 = arith.constant 0 : i32
        %dma_start3A_74 = arith.constant 0 : i32
        %dma_start3A_75 = tpu.memref_slice %arg13[%dma_start3A_73, %dma_start3A_74] : memref<10112x128xf32, #tpu.memory_space<vmem_shared>> -> memref<10112x128xf32, #tpu.memory_space<vmem_shared>>
        tpu.enqueue_indirect_dma source(%arg11 : memref<128x128xf32, #tpu.memory_space<vmem>>) target(%dma_start3A_75 : memref<10112x128xf32, #tpu.memory_space<vmem_shared>>) offsets(%dma_start3A_72 : memref<128xi32, #tpu.memory_space<vmem>>) semaphore(%arg16 : memref<!tpu.dma_semaphore, #tpu.memory_space<semaphore_mem>>) {add = true}
        %gt3A = arith.constant 0 : i32
        %gt3A_76 = arith.cmpi sgt, %mul3A_63, %gt3A : i32
        %convert_element_type3A_77 = arith.extui %gt3A_76 : i1 to i32
        %cond3A_78 = arith.constant 0 : i32
        %cond3A_79 = arith.cmpi ne, %convert_element_type3A_77, %cond3A_78 : i32
        scf.if %cond3A_79 {
          %dma_wait3A_117 = arith.constant 0 : i32
          %dma_wait3A_118 = arith.constant 0 : i32
          %dma_wait3A_119 = tpu.memref_slice %arg10[%dma_wait3A_117, %dma_wait3A_118] : memref<40x128xi32, #tpu.memory_space<vmem>> -> memref<1x128xi32, #tpu.memory_space<vmem>>
          %dma_wait3A_120 = tpu.memref_squeeze %dma_wait3A_119 : memref<1x128xi32, #tpu.memory_space<vmem>> -> memref<128xi32, #tpu.memory_space<vmem>>
          %dma_wait3A_121 = arith.constant 0 : i32
          %dma_wait3A_122 = arith.constant 0 : i32
          %dma_wait3A_123 = tpu.memref_slice %arg13[%dma_wait3A_121, %dma_wait3A_122] : memref<10112x128xf32, #tpu.memory_space<vmem_shared>> -> memref<10112x128xf32, #tpu.memory_space<vmem_shared>>
          tpu.wait_indirect_dma semaphore(%arg17 : memref<!tpu.dma_semaphore, #tpu.memory_space<semaphore_mem>>) src(%arg12 : memref<128x128xf32, #tpu.memory_space<vmem>>) dst(%dma_wait3A_123 : memref<10112x128xf32, #tpu.memory_space<vmem_shared>>)
        } else {
        }
        %add3A_80 = arith.constant 1 : i32
        %add3A_81 = arith.addi %mul3A_63, %add3A_80 : i32
        %dma_start3A_82 = arith.constant 0 : i32
        %dma_start3A_83 = tpu.memref_slice %arg9[%add3A_81, %dma_start3A_82] : memref<40x128xi32, #tpu.memory_space<vmem>> -> memref<1x128xi32, #tpu.memory_space<vmem>>
        %dma_start3A_84 = tpu.memref_squeeze %dma_start3A_83 : memref<1x128xi32, #tpu.memory_space<vmem>> -> memref<128xi32, #tpu.memory_space<vmem>>
        %dma_start3A_85 = arith.constant 0 : i32
        %dma_start3A_86 = arith.constant 0 : i32
        %dma_start3A_87 = tpu.memref_slice %arg3[%dma_start3A_85, %dma_start3A_86] : memref<10000x128xf32, #tpu.memory_space<hbm>> -> memref<10000x128xf32, #tpu.memory_space<hbm>>
        tpu.enqueue_indirect_dma source(%dma_start3A_87 : memref<10000x128xf32, #tpu.memory_space<hbm>>) target(%arg12 : memref<128x128xf32, #tpu.memory_space<vmem>>) offsets(%dma_start3A_84 : memref<128xi32, #tpu.memory_space<vmem>>) semaphore(%arg15 : memref<!tpu.dma_semaphore, #tpu.memory_space<semaphore_mem>>)
        %add3A_88 = arith.constant 1 : i32
        %add3A_89 = arith.addi %mul3A_63, %add3A_88 : i32
        %dma_wait3A_90 = arith.constant 0 : i32
        %dma_wait3A_91 = tpu.memref_slice %arg9[%add3A_89, %dma_wait3A_90] : memref<40x128xi32, #tpu.memory_space<vmem>> -> memref<1x128xi32, #tpu.memory_space<vmem>>
        %dma_wait3A_92 = tpu.memref_squeeze %dma_wait3A_91 : memref<1x128xi32, #tpu.memory_space<vmem>> -> memref<128xi32, #tpu.memory_space<vmem>>
        %dma_wait3A_93 = arith.constant 0 : i32
        %dma_wait3A_94 = arith.constant 0 : i32
        %dma_wait3A_95 = tpu.memref_slice %arg3[%dma_wait3A_93, %dma_wait3A_94] : memref<10000x128xf32, #tpu.memory_space<hbm>> -> memref<10000x128xf32, #tpu.memory_space<hbm>>
        tpu.wait_indirect_dma semaphore(%arg15 : memref<!tpu.dma_semaphore, #tpu.memory_space<semaphore_mem>>) src(%dma_wait3A_95 : memref<10000x128xf32, #tpu.memory_space<hbm>>) dst(%arg12 : memref<128x128xf32, #tpu.memory_space<vmem>>)
        %add3A_96 = arith.constant 1 : i32
        %add3A_97 = arith.addi %mul3A_63, %add3A_96 : i32
        %dma_start3A_98 = arith.constant 0 : i32
        %dma_start3A_99 = tpu.memref_slice %arg10[%add3A_97, %dma_start3A_98] : memref<40x128xi32, #tpu.memory_space<vmem>> -> memref<1x128xi32, #tpu.memory_space<vmem>>
        %dma_start3A_100 = tpu.memref_squeeze %dma_start3A_99 : memref<1x128xi32, #tpu.memory_space<vmem>> -> memref<128xi32, #tpu.memory_space<vmem>>
        %dma_start3A_101 = arith.constant 0 : i32
        %dma_start3A_102 = arith.constant 0 : i32
        %dma_start3A_103 = tpu.memref_slice %arg13[%dma_start3A_101, %dma_start3A_102] : memref<10112x128xf32, #tpu.memory_space<vmem_shared>> -> memref<10112x128xf32, #tpu.memory_space<vmem_shared>>
        tpu.enqueue_indirect_dma source(%arg12 : memref<128x128xf32, #tpu.memory_space<vmem>>) target(%dma_start3A_103 : memref<10112x128xf32, #tpu.memory_space<vmem_shared>>) offsets(%dma_start3A_100 : memref<128xi32, #tpu.memory_space<vmem>>) semaphore(%arg17 : memref<!tpu.dma_semaphore, #tpu.memory_space<semaphore_mem>>) {add = true}
        %dma_wait3A_104 = arith.constant 0 : i32
        %dma_wait3A_105 = arith.constant 0 : i32
        %dma_wait3A_106 = tpu.memref_slice %arg10[%dma_wait3A_104, %dma_wait3A_105] : memref<40x128xi32, #tpu.memory_space<vmem>> -> memref<1x128xi32, #tpu.memory_space<vmem>>
        %dma_wait3A_107 = tpu.memref_squeeze %dma_wait3A_106 : memref<1x128xi32, #tpu.memory_space<vmem>> -> memref<128xi32, #tpu.memory_space<vmem>>
        %dma_wait3A_108 = arith.constant 0 : i32
        %dma_wait3A_109 = arith.constant 0 : i32
        %dma_wait3A_110 = tpu.memref_slice %arg13[%dma_wait3A_108, %dma_wait3A_109] : memref<10112x128xf32, #tpu.memory_space<vmem_shared>> -> memref<10112x128xf32, #tpu.memory_space<vmem_shared>>
        tpu.wait_indirect_dma semaphore(%arg16 : memref<!tpu.dma_semaphore, #tpu.memory_space<semaphore_mem>>) src(%arg11 : memref<128x128xf32, #tpu.memory_space<vmem>>) dst(%dma_wait3A_110 : memref<10112x128xf32, #tpu.memory_space<vmem_shared>>)
        %add3A_111 = arith.constant 2 : i32
        %add3A_112 = arith.addi %mul3A_63, %add3A_111 : i32
        %lt3A = arith.constant 40 : i32
        %lt3A_113 = arith.cmpi slt, %add3A_112, %lt3A : i32
        %convert_element_type3A_114 = arith.extui %lt3A_113 : i1 to i32
        %cond3A_115 = arith.constant 0 : i32
        %cond3A_116 = arith.cmpi ne, %convert_element_type3A_114, %cond3A_115 : i32
        scf.if %cond3A_116 {
          %add3A_117 = arith.constant 2 : i32
          %add3A_118 = arith.addi %mul3A_63, %add3A_117 : i32
          %dma_start3A_119 = arith.constant 0 : i32
          %dma_start3A_120 = tpu.memref_slice %arg9[%add3A_118, %dma_start3A_119] : memref<40x128xi32, #tpu.memory_space<vmem>> -> memref<1x128xi32, #tpu.memory_space<vmem>>
          %dma_start3A_121 = tpu.memref_squeeze %dma_start3A_120 : memref<1x128xi32, #tpu.memory_space<vmem>> -> memref<128xi32, #tpu.memory_space<vmem>>
          %dma_start3A_122 = arith.constant 0 : i32
          %dma_start3A_123 = arith.constant 0 : i32
          %dma_start3A_124 = tpu.memref_slice %arg3[%dma_start3A_122, %dma_start3A_123] : memref<10000x128xf32, #tpu.memory_space<hbm>> -> memref<10000x128xf32, #tpu.memory_space<hbm>>
          tpu.enqueue_indirect_dma source(%dma_start3A_124 : memref<10000x128xf32, #tpu.memory_space<hbm>>) target(%arg11 : memref<128x128xf32, #tpu.memory_space<vmem>>) offsets(%dma_start3A_121 : memref<128xi32, #tpu.memory_space<vmem>>) semaphore(%arg14 : memref<!tpu.dma_semaphore, #tpu.memory_space<semaphore_mem>>)
        } else {
        }
      }
      %scan3A_28 = arith.constant 20 : i32
      %dma_wait3A_29 = arith.constant 0 : i32
      %dma_wait3A_30 = arith.constant 0 : i32
      %dma_wait3A_31 = tpu.memref_slice %arg10[%dma_wait3A_29, %dma_wait3A_30] : memref<40x128xi32, #tpu.memory_space<vmem>> -> memref<1x128xi32, #tpu.memory_space<vmem>>
      %dma_wait3A_32 = tpu.memref_squeeze %dma_wait3A_31 : memref<1x128xi32, #tpu.memory_space<vmem>> -> memref<128xi32, #tpu.memory_space<vmem>>
      %dma_wait3A_33 = arith.constant 0 : i32
      %dma_wait3A_34 = arith.constant 0 : i32
      %dma_wait3A_35 = tpu.memref_slice %arg13[%dma_wait3A_33, %dma_wait3A_34] : memref<10112x128xf32, #tpu.memory_space<vmem_shared>> -> memref<10112x128xf32, #tpu.memory_space<vmem_shared>>
      tpu.wait_indirect_dma semaphore(%arg17 : memref<!tpu.dma_semaphore, #tpu.memory_space<semaphore_mem>>) src(%arg12 : memref<128x128xf32, #tpu.memory_space<vmem>>) dst(%dma_wait3A_35 : memref<10112x128xf32, #tpu.memory_space<vmem_shared>>)
      %mul3A_36 = arith.constant 80 : i32
      %mul3A_37 = arith.muli %arg1, %mul3A_36 : i32
      %add3A_38 = arith.constant 40 : i32
      %add3A_39 = arith.addi %mul3A_37, %add3A_38 : i32
      "tpu.region"() ({
        %run_scoped3A = tpu.sem_alloc : memref<!tpu.dma_semaphore, #tpu.memory_space<semaphore_mem>>
        %dma_start3A_61 = arith.constant 0 : i32
        %dma_start3A_62 = tpu.memref_slice %arg4[%add3A_39, %dma_start3A_61] : memref<1280x128xi32, #tpu.memory_space<hbm>> -> memref<40x128xi32, #tpu.memory_space<hbm>>
        %dma_start3A_63 = arith.constant 0 : i32
        %dma_start3A_64 = tpu.memref_slice %arg4[%add3A_39, %dma_start3A_63] : memref<1280x128xi32, #tpu.memory_space<hbm>> -> memref<40x128xi32, #tpu.memory_space<hbm>>
        tpu.enqueue_dma source(%dma_start3A_64 : memref<40x128xi32, #tpu.memory_space<hbm>>) target(%arg9 : memref<40x128xi32, #tpu.memory_space<vmem>>) target_semaphore(%run_scoped3A : memref<!tpu.dma_semaphore, #tpu.memory_space<semaphore_mem>>)
        %dma_wait3A_65 = arith.constant 0 : i32
        %dma_wait3A_66 = tpu.memref_slice %arg4[%add3A_39, %dma_wait3A_65] : memref<1280x128xi32, #tpu.memory_space<hbm>> -> memref<40x128xi32, #tpu.memory_space<hbm>>
        %dma_wait3A_67 = arith.constant 0 : i32
        %dma_wait3A_68 = tpu.memref_slice %arg4[%add3A_39, %dma_wait3A_67] : memref<1280x128xi32, #tpu.memory_space<hbm>> -> memref<40x128xi32, #tpu.memory_space<hbm>>
        tpu.wait_dma2 semaphore(%run_scoped3A : memref<!tpu.dma_semaphore, #tpu.memory_space<semaphore_mem>>) src(%dma_wait3A_68 : memref<40x128xi32, #tpu.memory_space<hbm>>) dst(%arg9 : memref<40x128xi32, #tpu.memory_space<vmem>>)
        tpu.yield
      }) : () -> ()
      "tpu.region"() ({
        %run_scoped3A = tpu.sem_alloc : memref<!tpu.dma_semaphore, #tpu.memory_space<semaphore_mem>>
        %dma_start3A_61 = arith.constant 0 : i32
        %dma_start3A_62 = tpu.memref_slice %arg5[%add3A_39, %dma_start3A_61] : memref<1280x128xi32, #tpu.memory_space<hbm>> -> memref<40x128xi32, #tpu.memory_space<hbm>>
        %dma_start3A_63 = arith.constant 0 : i32
        %dma_start3A_64 = tpu.memref_slice %arg5[%add3A_39, %dma_start3A_63] : memref<1280x128xi32, #tpu.memory_space<hbm>> -> memref<40x128xi32, #tpu.memory_space<hbm>>
        tpu.enqueue_dma source(%dma_start3A_64 : memref<40x128xi32, #tpu.memory_space<hbm>>) target(%arg10 : memref<40x128xi32, #tpu.memory_space<vmem>>) target_semaphore(%run_scoped3A : memref<!tpu.dma_semaphore, #tpu.memory_space<semaphore_mem>>)
        %dma_wait3A_65 = arith.constant 0 : i32
        %dma_wait3A_66 = tpu.memref_slice %arg5[%add3A_39, %dma_wait3A_65] : memref<1280x128xi32, #tpu.memory_space<hbm>> -> memref<40x128xi32, #tpu.memory_space<hbm>>
        %dma_wait3A_67 = arith.constant 0 : i32
        %dma_wait3A_68 = tpu.memref_slice %arg5[%add3A_39, %dma_wait3A_67] : memref<1280x128xi32, #tpu.memory_space<hbm>> -> memref<40x128xi32, #tpu.memory_space<hbm>>
        tpu.wait_dma2 semaphore(%run_scoped3A : memref<!tpu.dma_semaphore, #tpu.memory_space<semaphore_mem>>) src(%dma_wait3A_68 : memref<40x128xi32, #tpu.memory_space<hbm>>) dst(%arg10 : memref<40x128xi32, #tpu.memory_space<vmem>>)
        tpu.yield
      }) : () -> ()
      %dma_start3A_40 = arith.constant 0 : i32
      %dma_start3A_41 = arith.constant 0 : i32
      %dma_start3A_42 = tpu.memref_slice %arg9[%dma_start3A_40, %dma_start3A_41] : memref<40x128xi32, #tpu.memory_space<vmem>> -> memref<1x128xi32, #tpu.memory_space<vmem>>
      %dma_start3A_43 = tpu.memref_squeeze %dma_start3A_42 : memref<1x128xi32, #tpu.memory_space<vmem>> -> memref<128xi32, #tpu.memory_space<vmem>>
      %dma_start3A_44 = arith.constant 0 : i32
      %dma_start3A_45 = arith.constant 0 : i32
      %dma_start3A_46 = tpu.memref_slice %arg3[%dma_start3A_44, %dma_start3A_45] : memref<10000x128xf32, #tpu.memory_space<hbm>> -> memref<10000x128xf32, #tpu.memory_space<hbm>>
      tpu.enqueue_indirect_dma source(%dma_start3A_46 : memref<10000x128xf32, #tpu.memory_space<hbm>>) target(%arg11 : memref<128x128xf32, #tpu.memory_space<vmem>>) offsets(%dma_start3A_43 : memref<128xi32, #tpu.memory_space<vmem>>) semaphore(%arg14 : memref<!tpu.dma_semaphore, #tpu.memory_space<semaphore_mem>>)
      %scan3A_47 = arith.constant 0 : i32
      %scan3A_48 = arith.constant 0 : i32
      %scan3A_49 = arith.constant 20 : i32
      %scan3A_50 = arith.addi %scan3A_48, %scan3A_49 : i32
      %scan3A_51 = arith.constant 1 : i32
      scf.for %scan3A_61 = %scan3A_48 to %scan3A_50 step %scan3A_51  : i32 {
        %mul3A_62 = arith.constant 2 : i32
        %mul3A_63 = arith.muli %scan3A_61, %mul3A_62 : i32
        %dma_wait3A_64 = arith.constant 0 : i32
        %dma_wait3A_65 = tpu.memref_slice %arg9[%mul3A_63, %dma_wait3A_64] : memref<40x128xi32, #tpu.memory_space<vmem>> -> memref<1x128xi32, #tpu.memory_space<vmem>>
        %dma_wait3A_66 = tpu.memref_squeeze %dma_wait3A_65 : memref<1x128xi32, #tpu.memory_space<vmem>> -> memref<128xi32, #tpu.memory_space<vmem>>
        %dma_wait3A_67 = arith.constant 0 : i32
        %dma_wait3A_68 = arith.constant 0 : i32
        %dma_wait3A_69 = tpu.memref_slice %arg3[%dma_wait3A_67, %dma_wait3A_68] : memref<10000x128xf32, #tpu.memory_space<hbm>> -> memref<10000x128xf32, #tpu.memory_space<hbm>>
        tpu.wait_indirect_dma semaphore(%arg14 : memref<!tpu.dma_semaphore, #tpu.memory_space<semaphore_mem>>) src(%dma_wait3A_69 : memref<10000x128xf32, #tpu.memory_space<hbm>>) dst(%arg11 : memref<128x128xf32, #tpu.memory_space<vmem>>)
        %dma_start3A_70 = arith.constant 0 : i32
        %dma_start3A_71 = tpu.memref_slice %arg10[%mul3A_63, %dma_start3A_70] : memref<40x128xi32, #tpu.memory_space<vmem>> -> memref<1x128xi32, #tpu.memory_space<vmem>>
        %dma_start3A_72 = tpu.memref_squeeze %dma_start3A_71 : memref<1x128xi32, #tpu.memory_space<vmem>> -> memref<128xi32, #tpu.memory_space<vmem>>
        %dma_start3A_73 = arith.constant 0 : i32
        %dma_start3A_74 = arith.constant 0 : i32
        %dma_start3A_75 = tpu.memref_slice %arg13[%dma_start3A_73, %dma_start3A_74] : memref<10112x128xf32, #tpu.memory_space<vmem_shared>> -> memref<10112x128xf32, #tpu.memory_space<vmem_shared>>
        tpu.enqueue_indirect_dma source(%arg11 : memref<128x128xf32, #tpu.memory_space<vmem>>) target(%dma_start3A_75 : memref<10112x128xf32, #tpu.memory_space<vmem_shared>>) offsets(%dma_start3A_72 : memref<128xi32, #tpu.memory_space<vmem>>) semaphore(%arg16 : memref<!tpu.dma_semaphore, #tpu.memory_space<semaphore_mem>>) {add = true}
        %gt3A = arith.constant 0 : i32
        %gt3A_76 = arith.cmpi sgt, %mul3A_63, %gt3A : i32
        %convert_element_type3A_77 = arith.extui %gt3A_76 : i1 to i32
        %cond3A_78 = arith.constant 0 : i32
        %cond3A_79 = arith.cmpi ne, %convert_element_type3A_77, %cond3A_78 : i32
        scf.if %cond3A_79 {
          %dma_wait3A_117 = arith.constant 0 : i32
          %dma_wait3A_118 = arith.constant 0 : i32
          %dma_wait3A_119 = tpu.memref_slice %arg10[%dma_wait3A_117, %dma_wait3A_118] : memref<40x128xi32, #tpu.memory_space<vmem>> -> memref<1x128xi32, #tpu.memory_space<vmem>>
          %dma_wait3A_120 = tpu.memref_squeeze %dma_wait3A_119 : memref<1x128xi32, #tpu.memory_space<vmem>> -> memref<128xi32, #tpu.memory_space<vmem>>
          %dma_wait3A_121 = arith.constant 0 : i32
          %dma_wait3A_122 = arith.constant 0 : i32
          %dma_wait3A_123 = tpu.memref_slice %arg13[%dma_wait3A_121, %dma_wait3A_122] : memref<10112x128xf32, #tpu.memory_space<vmem_shared>> -> memref<10112x128xf32, #tpu.memory_space<vmem_shared>>
          tpu.wait_indirect_dma semaphore(%arg17 : memref<!tpu.dma_semaphore, #tpu.memory_space<semaphore_mem>>) src(%arg12 : memref<128x128xf32, #tpu.memory_space<vmem>>) dst(%dma_wait3A_123 : memref<10112x128xf32, #tpu.memory_space<vmem_shared>>)
        } else {
        }
        %add3A_80 = arith.constant 1 : i32
        %add3A_81 = arith.addi %mul3A_63, %add3A_80 : i32
        %dma_start3A_82 = arith.constant 0 : i32
        %dma_start3A_83 = tpu.memref_slice %arg9[%add3A_81, %dma_start3A_82] : memref<40x128xi32, #tpu.memory_space<vmem>> -> memref<1x128xi32, #tpu.memory_space<vmem>>
        %dma_start3A_84 = tpu.memref_squeeze %dma_start3A_83 : memref<1x128xi32, #tpu.memory_space<vmem>> -> memref<128xi32, #tpu.memory_space<vmem>>
        %dma_start3A_85 = arith.constant 0 : i32
        %dma_start3A_86 = arith.constant 0 : i32
        %dma_start3A_87 = tpu.memref_slice %arg3[%dma_start3A_85, %dma_start3A_86] : memref<10000x128xf32, #tpu.memory_space<hbm>> -> memref<10000x128xf32, #tpu.memory_space<hbm>>
        tpu.enqueue_indirect_dma source(%dma_start3A_87 : memref<10000x128xf32, #tpu.memory_space<hbm>>) target(%arg12 : memref<128x128xf32, #tpu.memory_space<vmem>>) offsets(%dma_start3A_84 : memref<128xi32, #tpu.memory_space<vmem>>) semaphore(%arg15 : memref<!tpu.dma_semaphore, #tpu.memory_space<semaphore_mem>>)
        %add3A_88 = arith.constant 1 : i32
        %add3A_89 = arith.addi %mul3A_63, %add3A_88 : i32
        %dma_wait3A_90 = arith.constant 0 : i32
        %dma_wait3A_91 = tpu.memref_slice %arg9[%add3A_89, %dma_wait3A_90] : memref<40x128xi32, #tpu.memory_space<vmem>> -> memref<1x128xi32, #tpu.memory_space<vmem>>
        %dma_wait3A_92 = tpu.memref_squeeze %dma_wait3A_91 : memref<1x128xi32, #tpu.memory_space<vmem>> -> memref<128xi32, #tpu.memory_space<vmem>>
        %dma_wait3A_93 = arith.constant 0 : i32
        %dma_wait3A_94 = arith.constant 0 : i32
        %dma_wait3A_95 = tpu.memref_slice %arg3[%dma_wait3A_93, %dma_wait3A_94] : memref<10000x128xf32, #tpu.memory_space<hbm>> -> memref<10000x128xf32, #tpu.memory_space<hbm>>
        tpu.wait_indirect_dma semaphore(%arg15 : memref<!tpu.dma_semaphore, #tpu.memory_space<semaphore_mem>>) src(%dma_wait3A_95 : memref<10000x128xf32, #tpu.memory_space<hbm>>) dst(%arg12 : memref<128x128xf32, #tpu.memory_space<vmem>>)
        %add3A_96 = arith.constant 1 : i32
        %add3A_97 = arith.addi %mul3A_63, %add3A_96 : i32
        %dma_start3A_98 = arith.constant 0 : i32
        %dma_start3A_99 = tpu.memref_slice %arg10[%add3A_97, %dma_start3A_98] : memref<40x128xi32, #tpu.memory_space<vmem>> -> memref<1x128xi32, #tpu.memory_space<vmem>>
        %dma_start3A_100 = tpu.memref_squeeze %dma_start3A_99 : memref<1x128xi32, #tpu.memory_space<vmem>> -> memref<128xi32, #tpu.memory_space<vmem>>
        %dma_start3A_101 = arith.constant 0 : i32
        %dma_start3A_102 = arith.constant 0 : i32
        %dma_start3A_103 = tpu.memref_slice %arg13[%dma_start3A_101, %dma_start3A_102] : memref<10112x128xf32, #tpu.memory_space<vmem_shared>> -> memref<10112x128xf32, #tpu.memory_space<vmem_shared>>
        tpu.enqueue_indirect_dma source(%arg12 : memref<128x128xf32, #tpu.memory_space<vmem>>) target(%dma_start3A_103 : memref<10112x128xf32, #tpu.memory_space<vmem_shared>>) offsets(%dma_start3A_100 : memref<128xi32, #tpu.memory_space<vmem>>) semaphore(%arg17 : memref<!tpu.dma_semaphore, #tpu.memory_space<semaphore_mem>>) {add = true}
        %dma_wait3A_104 = arith.constant 0 : i32
        %dma_wait3A_105 = arith.constant 0 : i32
        %dma_wait3A_106 = tpu.memref_slice %arg10[%dma_wait3A_104, %dma_wait3A_105] : memref<40x128xi32, #tpu.memory_space<vmem>> -> memref<1x128xi32, #tpu.memory_space<vmem>>
        %dma_wait3A_107 = tpu.memref_squeeze %dma_wait3A_106 : memref<1x128xi32, #tpu.memory_space<vmem>> -> memref<128xi32, #tpu.memory_space<vmem>>
        %dma_wait3A_108 = arith.constant 0 : i32
        %dma_wait3A_109 = arith.constant 0 : i32
        %dma_wait3A_110 = tpu.memref_slice %arg13[%dma_wait3A_108, %dma_wait3A_109] : memref<10112x128xf32, #tpu.memory_space<vmem_shared>> -> memref<10112x128xf32, #tpu.memory_space<vmem_shared>>
        tpu.wait_indirect_dma semaphore(%arg16 : memref<!tpu.dma_semaphore, #tpu.memory_space<semaphore_mem>>) src(%arg11 : memref<128x128xf32, #tpu.memory_space<vmem>>) dst(%dma_wait3A_110 : memref<10112x128xf32, #tpu.memory_space<vmem_shared>>)
        %add3A_111 = arith.constant 2 : i32
        %add3A_112 = arith.addi %mul3A_63, %add3A_111 : i32
        %lt3A = arith.constant 40 : i32
        %lt3A_113 = arith.cmpi slt, %add3A_112, %lt3A : i32
        %convert_element_type3A_114 = arith.extui %lt3A_113 : i1 to i32
        %cond3A_115 = arith.constant 0 : i32
        %cond3A_116 = arith.cmpi ne, %convert_element_type3A_114, %cond3A_115 : i32
        scf.if %cond3A_116 {
          %add3A_117 = arith.constant 2 : i32
          %add3A_118 = arith.addi %mul3A_63, %add3A_117 : i32
          %dma_start3A_119 = arith.constant 0 : i32
          %dma_start3A_120 = tpu.memref_slice %arg9[%add3A_118, %dma_start3A_119] : memref<40x128xi32, #tpu.memory_space<vmem>> -> memref<1x128xi32, #tpu.memory_space<vmem>>
          %dma_start3A_121 = tpu.memref_squeeze %dma_start3A_120 : memref<1x128xi32, #tpu.memory_space<vmem>> -> memref<128xi32, #tpu.memory_space<vmem>>
          %dma_start3A_122 = arith.constant 0 : i32
          %dma_start3A_123 = arith.constant 0 : i32
          %dma_start3A_124 = tpu.memref_slice %arg3[%dma_start3A_122, %dma_start3A_123] : memref<10000x128xf32, #tpu.memory_space<hbm>> -> memref<10000x128xf32, #tpu.memory_space<hbm>>
          tpu.enqueue_indirect_dma source(%dma_start3A_124 : memref<10000x128xf32, #tpu.memory_space<hbm>>) target(%arg11 : memref<128x128xf32, #tpu.memory_space<vmem>>) offsets(%dma_start3A_121 : memref<128xi32, #tpu.memory_space<vmem>>) semaphore(%arg14 : memref<!tpu.dma_semaphore, #tpu.memory_space<semaphore_mem>>)
        } else {
        }
      }
      %scan3A_52 = arith.constant 20 : i32
      %dma_wait3A_53 = arith.constant 0 : i32
      %dma_wait3A_54 = arith.constant 0 : i32
      %dma_wait3A_55 = tpu.memref_slice %arg10[%dma_wait3A_53, %dma_wait3A_54] : memref<40x128xi32, #tpu.memory_space<vmem>> -> memref<1x128xi32, #tpu.memory_space<vmem>>
      %dma_wait3A_56 = tpu.memref_squeeze %dma_wait3A_55 : memref<1x128xi32, #tpu.memory_space<vmem>> -> memref<128xi32, #tpu.memory_space<vmem>>
      %dma_wait3A_57 = arith.constant 0 : i32
      %dma_wait3A_58 = arith.constant 0 : i32
      %dma_wait3A_59 = tpu.memref_slice %arg13[%dma_wait3A_57, %dma_wait3A_58] : memref<10112x128xf32, #tpu.memory_space<vmem_shared>> -> memref<10112x128xf32, #tpu.memory_space<vmem_shared>>
      tpu.wait_indirect_dma semaphore(%arg17 : memref<!tpu.dma_semaphore, #tpu.memory_space<semaphore_mem>>) src(%arg12 : memref<128x128xf32, #tpu.memory_space<vmem>>) dst(%dma_wait3A_59 : memref<10112x128xf32, #tpu.memory_space<vmem_shared>>)
      %barrier3A_60 = arith.constant 0 : index
      tpu.barrier barrier_id(%barrier3A_60)
      "tpu.region"() ({
        %run_scoped3A = tpu.sem_alloc : memref<!tpu.dma_semaphore, #tpu.memory_space<semaphore_mem>>
        %dma_start3A_61 = arith.constant 0 : i32
        %dma_start3A_62 = tpu.memref_slice %arg8[%mul3A_0, %dma_start3A_61] : memref<10112x128xf32, #tpu.memory_space<hbm>> -> memref<632x128xf32, #tpu.memory_space<hbm>>
        %dma_start3A_63 = arith.constant 0 : i32
        %dma_start3A_64 = tpu.memref_slice %arg13[%mul3A_0, %dma_start3A_63] : memref<10112x128xf32, #tpu.memory_space<vmem_shared>> -> memref<632x128xf32, #tpu.memory_space<vmem_shared>>
        tpu.enqueue_dma source(%dma_start3A_64 : memref<632x128xf32, #tpu.memory_space<vmem_shared>>) target(%dma_start3A_62 : memref<632x128xf32, #tpu.memory_space<hbm>>) target_semaphore(%run_scoped3A : memref<!tpu.dma_semaphore, #tpu.memory_space<semaphore_mem>>)
        %dma_wait3A_65 = arith.constant 0 : i32
        %dma_wait3A_66 = tpu.memref_slice %arg8[%mul3A_0, %dma_wait3A_65] : memref<10112x128xf32, #tpu.memory_space<hbm>> -> memref<632x128xf32, #tpu.memory_space<hbm>>
        %dma_wait3A_67 = arith.constant 0 : i32
        %dma_wait3A_68 = tpu.memref_slice %arg13[%mul3A_0, %dma_wait3A_67] : memref<10112x128xf32, #tpu.memory_space<vmem_shared>> -> memref<632x128xf32, #tpu.memory_space<vmem_shared>>
        tpu.wait_dma2 semaphore(%run_scoped3A : memref<!tpu.dma_semaphore, #tpu.memory_space<semaphore_mem>>) src(%dma_wait3A_68 : memref<632x128xf32, #tpu.memory_space<vmem_shared>>) dst(%dma_wait3A_66 : memref<632x128xf32, #tpu.memory_space<hbm>>)
        tpu.yield
      }) : () -> ()
    } else {
    }
    return
  }
}

module attributes {stable_mosaic.version = 14 : i64} {
  func.func @_tc_scale0(%arg0: i32, %arg1: memref<2x2000x16xf32, #tpu.memory_space<vmem>>, %arg2: memref<2000x256xf32, #tpu.memory_space<vmem>>, %arg3: memref<2000x128xf32, #tpu.memory_space<vmem>>, %arg4: memref<2000x128xf32, #tpu.memory_space<vmem>>) attributes {dimension_semantics = [#tpu.dimension_semantics<arbitrary>], iteration_bounds = array<i64: 5>, scalar_prefetch = 0 : i64, scratch_operands = 0 : i64, tpu.core_type = #tpu.core_type<tc>, window_params = [{transform_indices = @transform_0, window_bounds = array<i64: 2, 2000, 16>}, {transform_indices = @transform_1, window_bounds = array<i64: 2000, 256>}, {transform_indices = @transform_2, window_bounds = array<i64: 2000, 128>}, {transform_indices = @transform_3, window_bounds = array<i64: 2000, 128>}]} {
    %get3A = arith.constant 0 : index
    %get3A_0 = arith.constant 0 : index
    %get3A_1 = arith.constant 0 : index
    %get3A_2 = vector.load %arg1[%get3A, %get3A_0, %get3A_1] : memref<2x2000x16xf32, #tpu.memory_space<vmem>>, vector<1x2000x1xf32>
    %get3A_3 = vector.shape_cast %get3A_2 : vector<1x2000x1xf32> to vector<2000x1xf32>
    %get3A_4 = arith.constant 1 : index
    %get3A_5 = arith.constant 0 : index
    %get3A_6 = arith.constant 0 : index
    %get3A_7 = vector.load %arg1[%get3A_4, %get3A_5, %get3A_6] : memref<2x2000x16xf32, #tpu.memory_space<vmem>>, vector<1x2000x1xf32>
    %get3A_8 = vector.shape_cast %get3A_7 : vector<1x2000x1xf32> to vector<2000x1xf32>
    %add3A = arith.addf %get3A_3, %get3A_8 : vector<2000x1xf32>
    %add3A_9 = arith.constant 1.000000e+00 : f32
    %add3A_10 = vector.broadcast %add3A_9 : f32 to vector<2000x1xf32>
    %add3A_11 = arith.addf %add3A, %add3A_10 : vector<2000x1xf32>
    %rsqrt3A = math.rsqrt %add3A_11 : vector<2000x1xf32>
    %get3A_12 = arith.constant 0 : index
    %get3A_13 = arith.constant 0 : index
    %get3A_14 = vector.load %arg2[%get3A_12, %get3A_13] : memref<2000x256xf32, #tpu.memory_space<vmem>>, vector<2000x128xf32>
    %mul3A = vector.broadcast %rsqrt3A : vector<2000x1xf32> to vector<2000x128xf32>
    %mul3A_15 = arith.mulf %mul3A, %get3A_14 : vector<2000x128xf32>
    %swap3A = arith.constant 0 : index
    %swap3A_16 = arith.constant 0 : index
    %swap3A_17 = vector.load %arg3[%swap3A, %swap3A_16] : memref<2000x128xf32, #tpu.memory_space<vmem>>, vector<2000x128xf32>
    tpu.vector_store %arg3[%swap3A, %swap3A_16], %mul3A_15 {strides = array<i32>} : memref<2000x128xf32, #tpu.memory_space<vmem>>, vector<2000x128xf32>,
    %get3A_18 = arith.constant 0 : index
    %get3A_19 = arith.constant 128 : index
    %get3A_20 = vector.load %arg2[%get3A_18, %get3A_19] : memref<2000x256xf32, #tpu.memory_space<vmem>>, vector<2000x128xf32>
    %mul3A_21 = vector.broadcast %rsqrt3A : vector<2000x1xf32> to vector<2000x128xf32>
    %mul3A_22 = arith.mulf %mul3A_21, %get3A_20 : vector<2000x128xf32>
    %swap3A_23 = arith.constant 0 : index
    %swap3A_24 = arith.constant 0 : index
    %swap3A_25 = vector.load %arg4[%swap3A_23, %swap3A_24] : memref<2000x128xf32, #tpu.memory_space<vmem>>, vector<2000x128xf32>
    tpu.vector_store %arg4[%swap3A_23, %swap3A_24], %mul3A_22 {strides = array<i32>} : memref<2000x128xf32, #tpu.memory_space<vmem>>, vector<2000x128xf32>,
    return
  }
  func.func @transform_0(%arg0: i32) -> (i32, i32, i32) {
    %c0_i32 = arith.constant 0 : i32
    %c0_i32_0 = arith.constant 0 : i32
    %c0_i32_1 = arith.constant 0 : i32
    return %c0_i32, %arg0, %c0_i32_0 : i32, i32, i32
  }
  func.func @transform_1(%arg0: i32) -> (i32, i32) {
    %c0_i32 = arith.constant 0 : i32
    %c0_i32_0 = arith.constant 0 : i32
    return %arg0, %c0_i32 : i32, i32
  }
  func.func @transform_2(%arg0: i32) -> (i32, i32) {
    %c0_i32 = arith.constant 0 : i32
    %c0_i32_0 = arith.constant 0 : i32
    return %arg0, %c0_i32 : i32, i32
  }
  func.func @transform_3(%arg0: i32) -> (i32, i32) {
    %c0_i32 = arith.constant 0 : i32
    %c0_i32_0 = arith.constant 0 : i32
    return %arg0, %c0_i32 : i32, i32
  }
}

module attributes {stable_mosaic.version = 14 : i64} {
  func.func @_tc_scale1(%arg0: i32, %arg1: memref<2x2000x16xf32, #tpu.memory_space<vmem>>, %arg2: memref<2000x128xf32, #tpu.memory_space<vmem>>, %arg3: memref<2000x128xf32, #tpu.memory_space<vmem>>, %arg4: memref<2000x128xf32, #tpu.memory_space<vmem>>, %arg5: memref<2000x128xf32, #tpu.memory_space<vmem>>, %arg6: memref<2000x128xf32, #tpu.memory_space<vmem>>, %arg7: memref<2000x128xf32, #tpu.memory_space<vmem>>) attributes {dimension_semantics = [#tpu.dimension_semantics<arbitrary>], iteration_bounds = array<i64: 5>, scalar_prefetch = 0 : i64, scratch_operands = 0 : i64, tpu.core_type = #tpu.core_type<tc>, window_params = [{transform_indices = @transform_0, window_bounds = array<i64: 2, 2000, 16>}, {transform_indices = @transform_1, window_bounds = array<i64: 2000, 128>}, {transform_indices = @transform_2, window_bounds = array<i64: 2000, 128>}, {transform_indices = @transform_3, window_bounds = array<i64: 2000, 128>}, {transform_indices = @transform_4, window_bounds = array<i64: 2000, 128>}, {transform_indices = @transform_5, window_bounds = array<i64: 2000, 128>}, {transform_indices = @transform_6, window_bounds = array<i64: 2000, 128>}]} {
    %get3A = arith.constant 0 : index
    %get3A_0 = arith.constant 0 : index
    %get3A_1 = arith.constant 0 : index
    %get3A_2 = vector.load %arg1[%get3A, %get3A_0, %get3A_1] : memref<2x2000x16xf32, #tpu.memory_space<vmem>>, vector<1x2000x1xf32>
    %get3A_3 = vector.shape_cast %get3A_2 : vector<1x2000x1xf32> to vector<2000x1xf32>
    %get3A_4 = arith.constant 1 : index
    %get3A_5 = arith.constant 0 : index
    %get3A_6 = arith.constant 0 : index
    %get3A_7 = vector.load %arg1[%get3A_4, %get3A_5, %get3A_6] : memref<2x2000x16xf32, #tpu.memory_space<vmem>>, vector<1x2000x1xf32>
    %get3A_8 = vector.shape_cast %get3A_7 : vector<1x2000x1xf32> to vector<2000x1xf32>
    %add3A = arith.addf %get3A_3, %get3A_8 : vector<2000x1xf32>
    %add3A_9 = arith.constant 1.000000e+00 : f32
    %add3A_10 = vector.broadcast %add3A_9 : f32 to vector<2000x1xf32>
    %add3A_11 = arith.addf %add3A, %add3A_10 : vector<2000x1xf32>
    %rsqrt3A = math.rsqrt %add3A_11 : vector<2000x1xf32>
    %mul3A = arith.mulf %rsqrt3A, %rsqrt3A : vector<2000x1xf32>
    %get3A_12 = arith.constant 0 : index
    %get3A_13 = arith.constant 0 : index
    %get3A_14 = vector.load %arg2[%get3A_12, %get3A_13] : memref<2000x128xf32, #tpu.memory_space<vmem>>, vector<2000x128xf32>
    %get3A_15 = arith.constant 0 : index
    %get3A_16 = arith.constant 0 : index
    %get3A_17 = vector.load %arg4[%get3A_15, %get3A_16] : memref<2000x128xf32, #tpu.memory_space<vmem>>, vector<2000x128xf32>
    %add3A_18 = arith.addf %get3A_14, %get3A_17 : vector<2000x128xf32>
    %mul3A_19 = vector.broadcast %mul3A : vector<2000x1xf32> to vector<2000x128xf32>
    %mul3A_20 = arith.mulf %mul3A_19, %add3A_18 : vector<2000x128xf32>
    %swap3A = arith.constant 0 : index
    %swap3A_21 = arith.constant 0 : index
    %swap3A_22 = vector.load %arg6[%swap3A, %swap3A_21] : memref<2000x128xf32, #tpu.memory_space<vmem>>, vector<2000x128xf32>
    tpu.vector_store %arg6[%swap3A, %swap3A_21], %mul3A_20 {strides = array<i32>} : memref<2000x128xf32, #tpu.memory_space<vmem>>, vector<2000x128xf32>,
    %get3A_23 = arith.constant 0 : index
    %get3A_24 = arith.constant 0 : index
    %get3A_25 = vector.load %arg3[%get3A_23, %get3A_24] : memref<2000x128xf32, #tpu.memory_space<vmem>>, vector<2000x128xf32>
    %get3A_26 = arith.constant 0 : index
    %get3A_27 = arith.constant 0 : index
    %get3A_28 = vector.load %arg5[%get3A_26, %get3A_27] : memref<2000x128xf32, #tpu.memory_space<vmem>>, vector<2000x128xf32>
    %add3A_29 = arith.addf %get3A_25, %get3A_28 : vector<2000x128xf32>
    %mul3A_30 = vector.broadcast %mul3A : vector<2000x1xf32> to vector<2000x128xf32>
    %mul3A_31 = arith.mulf %mul3A_30, %add3A_29 : vector<2000x128xf32>
    %swap3A_32 = arith.constant 0 : index
    %swap3A_33 = arith.constant 0 : index
    %swap3A_34 = vector.load %arg7[%swap3A_32, %swap3A_33] : memref<2000x128xf32, #tpu.memory_space<vmem>>, vector<2000x128xf32>
    tpu.vector_store %arg7[%swap3A_32, %swap3A_33], %mul3A_31 {strides = array<i32>} : memref<2000x128xf32, #tpu.memory_space<vmem>>, vector<2000x128xf32>,
    return
  }
  func.func @transform_0(%arg0: i32) -> (i32, i32, i32) {
    %c0_i32 = arith.constant 0 : i32
    %c0_i32_0 = arith.constant 0 : i32
    %c0_i32_1 = arith.constant 0 : i32
    return %c0_i32, %arg0, %c0_i32_0 : i32, i32, i32
  }
  func.func @transform_1(%arg0: i32) -> (i32, i32) {
    %c0_i32 = arith.constant 0 : i32
    %c0_i32_0 = arith.constant 0 : i32
    return %arg0, %c0_i32 : i32, i32
  }
  func.func @transform_2(%arg0: i32) -> (i32, i32) {
    %c0_i32 = arith.constant 0 : i32
    %c0_i32_0 = arith.constant 0 : i32
    return %arg0, %c0_i32 : i32, i32
  }
  func.func @transform_3(%arg0: i32) -> (i32, i32) {
    %c0_i32 = arith.constant 0 : i32
    %c0_i32_0 = arith.constant 0 : i32
    return %arg0, %c0_i32 : i32, i32
  }
  func.func @transform_4(%arg0: i32) -> (i32, i32) {
    %c0_i32 = arith.constant 0 : i32
    %c0_i32_0 = arith.constant 0 : i32
    return %arg0, %c0_i32 : i32, i32
  }
  func.func @transform_5(%arg0: i32) -> (i32, i32) {
    %c0_i32 = arith.constant 0 : i32
    %c0_i32_0 = arith.constant 0 : i32
    return %arg0, %c0_i32 : i32, i32
  }
  func.func @transform_6(%arg0: i32) -> (i32, i32) {
    %c0_i32 = arith.constant 0 : i32
    %c0_i32_0 = arith.constant 0 : i32
    return %arg0, %c0_i32 : i32, i32
  }
}

module attributes {stable_mosaic.version = 14 : i64} {
  func.func @_tc_final(%arg0: i32, %arg1: memref<2x2000x16xf32, #tpu.memory_space<vmem>>, %arg2: memref<2000x128xf32, #tpu.memory_space<vmem>>, %arg3: memref<2000x128xf32, #tpu.memory_space<vmem>>, %arg4: memref<2000x128xf32, #tpu.memory_space<vmem>>, %arg5: memref<2000x128xf32, #tpu.memory_space<vmem>>, %arg6: memref<256x256xf32, #tpu.memory_space<vmem>>, %arg7: memref<1x256xf32, #tpu.memory_space<vmem>>, %arg8: memref<2000x256xf32, #tpu.memory_space<vmem>>) attributes {dimension_semantics = [#tpu.dimension_semantics<arbitrary>], iteration_bounds = array<i64: 5>, scalar_prefetch = 0 : i64, scratch_operands = 0 : i64, tpu.core_type = #tpu.core_type<tc>, window_params = [{transform_indices = @transform_0, window_bounds = array<i64: 2, 2000, 16>}, {transform_indices = @transform_1, window_bounds = array<i64: 2000, 128>}, {transform_indices = @transform_2, window_bounds = array<i64: 2000, 128>}, {transform_indices = @transform_3, window_bounds = array<i64: 2000, 128>}, {transform_indices = @transform_4, window_bounds = array<i64: 2000, 128>}, {pipeline_mode = #tpu.pipeline_mode<synchronous>, transform_indices = @transform_5, window_bounds = array<i64: 256, 256>}, {pipeline_mode = #tpu.pipeline_mode<synchronous>, transform_indices = @transform_6, window_bounds = array<i64: 1, 256>}, {transform_indices = @transform_7, window_bounds = array<i64: 2000, 256>}]} {
    %get3A = arith.constant 0 : index
    %get3A_0 = arith.constant 0 : index
    %get3A_1 = arith.constant 0 : index
    %get3A_2 = vector.load %arg1[%get3A, %get3A_0, %get3A_1] : memref<2x2000x16xf32, #tpu.memory_space<vmem>>, vector<1x2000x1xf32>
    %get3A_3 = vector.shape_cast %get3A_2 : vector<1x2000x1xf32> to vector<2000x1xf32>
    %get3A_4 = arith.constant 1 : index
    %get3A_5 = arith.constant 0 : index
    %get3A_6 = arith.constant 0 : index
    %get3A_7 = vector.load %arg1[%get3A_4, %get3A_5, %get3A_6] : memref<2x2000x16xf32, #tpu.memory_space<vmem>>, vector<1x2000x1xf32>
    %get3A_8 = vector.shape_cast %get3A_7 : vector<1x2000x1xf32> to vector<2000x1xf32>
    %add3A = arith.addf %get3A_3, %get3A_8 : vector<2000x1xf32>
    %add3A_9 = arith.constant 1.000000e+00 : f32
    %add3A_10 = vector.broadcast %add3A_9 : f32 to vector<2000x1xf32>
    %add3A_11 = arith.addf %add3A, %add3A_10 : vector<2000x1xf32>
    %rsqrt3A = math.rsqrt %add3A_11 : vector<2000x1xf32>
    %get3A_12 = arith.constant 0 : index
    %get3A_13 = arith.constant 0 : index
    %get3A_14 = vector.load %arg2[%get3A_12, %get3A_13] : memref<2000x128xf32, #tpu.memory_space<vmem>>, vector<2000x128xf32>
    %get3A_15 = arith.constant 0 : index
    %get3A_16 = arith.constant 0 : index
    %get3A_17 = vector.load %arg4[%get3A_15, %get3A_16] : memref<2000x128xf32, #tpu.memory_space<vmem>>, vector<2000x128xf32>
    %add3A_18 = arith.addf %get3A_14, %get3A_17 : vector<2000x128xf32>
    %mul3A = vector.broadcast %rsqrt3A : vector<2000x1xf32> to vector<2000x128xf32>
    %mul3A_19 = arith.mulf %mul3A, %add3A_18 : vector<2000x128xf32>
    %get3A_20 = arith.constant 0 : index
    %get3A_21 = arith.constant 0 : index
    %get3A_22 = vector.load %arg3[%get3A_20, %get3A_21] : memref<2000x128xf32, #tpu.memory_space<vmem>>, vector<2000x128xf32>
    %get3A_23 = arith.constant 0 : index
    %get3A_24 = arith.constant 0 : index
    %get3A_25 = vector.load %arg5[%get3A_23, %get3A_24] : memref<2000x128xf32, #tpu.memory_space<vmem>>, vector<2000x128xf32>
    %add3A_26 = arith.addf %get3A_22, %get3A_25 : vector<2000x128xf32>
    %mul3A_27 = vector.broadcast %rsqrt3A : vector<2000x1xf32> to vector<2000x128xf32>
    %mul3A_28 = arith.mulf %mul3A_27, %add3A_26 : vector<2000x128xf32>
    %get3A_29 = arith.constant 0 : index
    %get3A_30 = arith.constant 0 : index
    %get3A_31 = vector.load %arg6[%get3A_29, %get3A_30] : memref<256x256xf32, #tpu.memory_space<vmem>>, vector<256x128xf32>
    %dot_general3A = arith.constant dense<0.000000e+00> : vector<2000x256xf32>
    %dot_general3A_32 = tpu.matmul %mul3A_19, %get3A_31, %dot_general3A {dimension_numbers = #tpu.dot_dimension_numbers<[1], [1], [0], [0], [0, 0, 1, 0], [], []>, transpose_lhs_hint = false} : vector<2000x128xf32>, vector<256x128xf32>, vector<2000x256xf32> -> vector<2000x256xf32>
    %get3A_33 = arith.constant 0 : index
    %get3A_34 = arith.constant 128 : index
    %get3A_35 = vector.load %arg6[%get3A_33, %get3A_34] : memref<256x256xf32, #tpu.memory_space<vmem>>, vector<256x128xf32>
    %dot_general3A_36 = arith.constant dense<0.000000e+00> : vector<2000x256xf32>
    %dot_general3A_37 = tpu.matmul %mul3A_28, %get3A_35, %dot_general3A_36 {dimension_numbers = #tpu.dot_dimension_numbers<[1], [1], [0], [0], [0, 0, 1, 0], [], []>, transpose_lhs_hint = false} : vector<2000x128xf32>, vector<256x128xf32>, vector<2000x256xf32> -> vector<2000x256xf32>
    %add3A_38 = arith.addf %dot_general3A_32, %dot_general3A_37 : vector<2000x256xf32>
    %get3A_39 = arith.constant 0 : index
    %get3A_40 = arith.constant 0 : index
    %get3A_41 = vector.load %arg7[%get3A_39, %get3A_40] : memref<1x256xf32, #tpu.memory_space<vmem>>, vector<1x256xf32>
    %add3A_42 = vector.broadcast %get3A_41 : vector<1x256xf32> to vector<2000x256xf32>
    %add3A_43 = arith.addf %add3A_38, %add3A_42 : vector<2000x256xf32>
    %swap3A = arith.constant 0 : index
    %swap3A_44 = arith.constant 0 : index
    %swap3A_45 = vector.load %arg8[%swap3A, %swap3A_44] : memref<2000x256xf32, #tpu.memory_space<vmem>>, vector<2000x256xf32>
    tpu.vector_store %arg8[%swap3A, %swap3A_44], %add3A_43 {strides = array<i32>} : memref<2000x256xf32, #tpu.memory_space<vmem>>, vector<2000x256xf32>,
    return
  }
  func.func @transform_0(%arg0: i32) -> (i32, i32, i32) {
    %c0_i32 = arith.constant 0 : i32
    %c0_i32_0 = arith.constant 0 : i32
    %c0_i32_1 = arith.constant 0 : i32
    return %c0_i32, %arg0, %c0_i32_0 : i32, i32, i32
  }
  func.func @transform_1(%arg0: i32) -> (i32, i32) {
    %c0_i32 = arith.constant 0 : i32
    %c0_i32_0 = arith.constant 0 : i32
    return %arg0, %c0_i32 : i32, i32
  }
  func.func @transform_2(%arg0: i32) -> (i32, i32) {
    %c0_i32 = arith.constant 0 : i32
    %c0_i32_0 = arith.constant 0 : i32
    return %arg0, %c0_i32 : i32, i32
  }
  func.func @transform_3(%arg0: i32) -> (i32, i32) {
    %c0_i32 = arith.constant 0 : i32
    %c0_i32_0 = arith.constant 0 : i32
    return %arg0, %c0_i32 : i32, i32
  }
  func.func @transform_4(%arg0: i32) -> (i32, i32) {
    %c0_i32 = arith.constant 0 : i32
    %c0_i32_0 = arith.constant 0 : i32
    return %arg0, %c0_i32 : i32, i32
  }
  func.func @transform_5(%arg0: i32) -> (i32, i32) {
    %c0_i32 = arith.constant 0 : i32
    %c0_i32_0 = arith.constant 0 : i32
    %c0_i32_1 = arith.constant 0 : i32
    return %c0_i32, %c0_i32_0 : i32, i32
  }
  func.func @transform_6(%arg0: i32) -> (i32, i32) {
    %c0_i32 = arith.constant 0 : i32
    %c0_i32_0 = arith.constant 0 : i32
    %c0_i32_1 = arith.constant 0 : i32
    return %c0_i32, %c0_i32_0 : i32, i32
  }
  func.func @transform_7(%arg0: i32) -> (i32, i32) {
    %c0_i32 = arith.constant 0 : i32
    %c0_i32_0 = arith.constant 0 : i32
    return %arg0, %c0_i32 : i32, i32
  }
}

</mosaic_0001>

<sc_bundles>
// kernel: kernel.11.cloned.1.call-start
scs
__scs_entry_jumppad:
0x0: {  	(pc) =	sbr.rel $0x88, $3  }
0x1: {  	(tag) =	ssettag $0x0;
	lr =	simm.s32 $0x1  }
0x2: {  	[smem:$0x3F9D] =	sst lr;
	_ =	strace $0xD0000000  }
0x3: {  	_ = 	snop  }
0x4: {  	_ = 	snop  }
0x5: {  	_ = 	snop  }
0x6: {  	_ = 	snop  }
0x7: {  	_ = 	snop  }
__scs_overlays_trampoline_lowered:
0x8: {  	[smem:$0x3FAC] =	sst s0  }
0x9: {  	[smem:$0x3FAD] =	sst s1  }
0xa: {  	[smem:$0x3FAE] =	sst s2  }
0xb: {  	[smem:$0x3FAF] =	sst s3  }
0xc: {  	[smem:$0x3FB0] =	sst s4  }
0xd: {  	[smem:$0x3FB1] =	sst s5  }
0xe: {  	[smem:$0x3FB2] =	sst s6  }
0xf: {  	[smem:$0x3FB3] =	sst s7  }
0x10: {  	[smem:$0x3FB4] =	sst s8  }
0x11: {  	[smem:$0x3FB5] =	sst s9;
	s0 =	simm.s32 @!p0 $0x0  }
0x12: {  	s1 =	sld [smem:$0x3F9B];
	s0 =	simm.s32 @p0 $0x1  }
0x13: {  	[smem:$0x3FB6] =	sst s0;
	s0 =	simm.s32 @!p1 $0x0  }
0x14: {  	s2 =	sld [smem:$0x3F9A];
	s0 =	simm.s32 @p1 $0x1  }
0x15: {  	[smem:$0x3FB7] =	sst s0;
	s0 =	simm.s32 @!p2 $0x0  }
0x16: {  	s3 =	sld [smem:$0x3FDB];
	s0 =	simm.s32 @p2 $0x1  }
0x17: {  	s4 =	simm.s32 $0x1BF5;
	[smem:$0x3FB9] =	sst s0  }
0x18: {  	s0 =	sld [smem:$0x3F9C];
	_ =	swait.ge [sflag:s4], $0x0  }
0x19: {  	s7 =	sld [smem:$0x3F9D]  }
0x1a: {  	s8 =	sadd.s32 $0xFFFFE003, lr  }
0x1b: {  	s9 =	sadd.s32 $0xFFFFFEF7, lr;
	s5 =	simm.s32 $0xFFFFFFFF;
	p2 =	slt.u32 s8, $0xFFFFF086  }
0x1c: {  	p1 =	slt.u32 s9, $0xF7A;
	s5 =	simm.s32 @!p2 $0x0  }
0x1d: {  	s5 =	simm.s32 @p1 $0x1;
	p0 =	seq.s32 s7, s2  }
0x1e: {  	s7 =	smul.u32 @!p0 $0xF7A, s2;
	p2 =	seq.s32 @!p0 s5, $0x0  }
0x1f: {  	s9 =	smul.u32 $0xF7A, s1;
	s8 =	simm.s32 @!p0 $0x1BF5;
	p2 =	por !p2, p0  }
0x20: {  	[sflag:s8] =	ssyncset.s32 @!p0 $0xFFFFF086;
	s6 =	sadd.s32 @!p0 s3, s7;
	s7 =	simm.s32 @!p0 $0x108  }
0x21: {  	s3 =	sadd.s32 s3, s9;
	s6 =	sadd.s32 @!p0 $0x88, s6;
	s7 =	simm.s32 @p2 $0x1082  }
0x22: {  	[simem:s7], [sflag:s8] =	dma.local @!p0 [hbm:s6], $0xF7A  }
0x23: {  	s9 =	sor.u32 $0xD0000000, s2;
	s6 =	simm.s32 $0x108;
	_ =	swait.ge @!p0 [sflag:s8], $0x0  }
0x24: {  	s3 =	sadd.s32 $0x88, s3;
	s6 =	simm.s32 @!p1 $0x1082;
	[sflag:s4] =	ssyncset.s32 $0xFFFFF086  }
0x25: {  	[simem:s6], [sflag:s4] =	dma.local [hbm:s3], $0xF7A  }
0x26: {  	[smem:$0x3F9D] =	sst s1;
	(tag) =	ssettag s2;
	_ =	strace s9  }
0x27: {  	s1 =	sld [smem:$0x3FAD]  }
0x28: {  	s2 =	sld [smem:$0x3FAE]  }
0x29: {  	s4 =	sld [smem:$0x3FB0]  }
0x2a: {  	p0 =	seq.s32 s5, $0x0;
	s5 =	sld [smem:$0x3FB1]  }
0x2b: {  	s6 =	sld [smem:$0x3FB2]  }
0x2c: {  	s7 =	sld [smem:$0x3FB3]  }
0x2d: {  	s3 =	simm.s32 $0x108;
	s8 =	sld [smem:$0x3FB4]  }
0x2e: {  	s3 =	simm.s32 @!p0 $0x1082;
	s9 =	sld [smem:$0x3FB5]  }
0x2f: {  	lr =	sadd.s32 s0, s3;
	s0 =	sld [smem:$0x3FAC]  }
0x30: {  	s3 =	sld [smem:$0x3FAF]  }
0x31: {  	[smem:$0x3FB8] =	sst s10  }
0x32: {  	s10 =	sld [smem:$0x3FB6];
	_ =	sdelay $0x3  }
0x33: {  	p0 =	seq.s32 s10, $0x1;
	s10 =	sld [smem:$0x3FB8];
	_ =	sdelay $0x3  }
0x34: {  	[smem:$0x3FB8] =	sst s10  }
0x35: {  	s10 =	sld [smem:$0x3FB7];
	_ =	sdelay $0x3  }
0x36: {  	p1 =	seq.s32 s10, $0x1;
	s10 =	sld [smem:$0x3FB8];
	_ =	sdelay $0x3  }
0x37: {  	[smem:$0x3FB8] =	sst s10  }
0x38: {  	s10 =	sld [smem:$0x3FB9]  }
0x39: {  	_ = 	snop;
	(pc) =	sbr.ind lr, $3  }
0x3a: {  	_ = 	snop  }
0x3b: {  	_ = 	snop  }
0x3c: {  	p2 =	seq.s32 s10, $0x1;
	s10 =	sld [smem:$0x3FB8]  }
0x3d: {  	_ =	shalt  }
0x3e: {  	_ =	shalt  }
0x3f: {  	_ =	shalt  }
0x40: {  	_ =	shalt  }
0x41: {  	_ =	shalt  }
0x42: {  	_ =	shalt  }
0x43: {  	_ =	shalt  }
0x44: {  	_ =	shalt  }
0x45: {  	_ =	shalt  }
0x46: {  	_ =	shalt  }
0x47: {  	_ =	shalt  }
0x48: {  	_ =	shalt  }
0x49: {  	_ =	shalt  }
0x4a: {  	_ =	shalt  }
0x4b: {  	_ =	shalt  }
0x4c: {  	_ =	shalt  }
0x4d: {  	_ =	shalt  }
0x4e: {  	_ =	shalt  }
0x4f: {  	_ =	shalt  }
0x50: {  	_ =	shalt  }
0x51: {  	_ =	shalt  }
0x52: {  	_ =	shalt  }
0x53: {  	_ =	shalt  }
0x54: {  	_ =	shalt  }
0x55: {  	_ =	shalt  }
0x56: {  	_ =	shalt  }
0x57: {  	_ =	shalt  }
0x58: {  	_ =	shalt  }
0x59: {  	_ =	shalt  }
0x5a: {  	_ =	shalt  }
0x5b: {  	_ =	shalt  }
0x5c: {  	_ =	shalt  }
0x5d: {  	_ =	shalt  }
0x5e: {  	_ =	shalt  }
0x5f: {  	_ =	shalt  }
0x60: {  	_ =	shalt  }
0x61: {  	_ =	shalt  }
0x62: {  	_ =	shalt  }
0x63: {  	_ =	shalt  }
0x64: {  	_ =	shalt  }
0x65: {  	_ =	shalt  }
0x66: {  	_ =	shalt  }
0x67: {  	_ =	shalt  }
0x68: {  	_ =	shalt  }
0x69: {  	_ =	shalt  }
0x6a: {  	_ =	shalt  }
0x6b: {  	_ =	shalt  }
0x6c: {  	_ =	shalt  }
0x6d: {  	_ =	shalt  }
0x6e: {  	_ =	shalt  }
0x6f: {  	_ =	shalt  }
0x70: {  	_ =	shalt  }
0x71: {  	_ =	shalt  }
0x72: {  	_ =	shalt  }
0x73: {  	_ =	shalt  }
0x74: {  	_ =	shalt  }
0x75: {  	_ =	shalt  }
0x76: {  	_ =	shalt  }
0x77: {  	_ =	shalt  }
0x78: {  	_ =	shalt  }
0x79: {  	_ =	shalt  }
0x7a: {  	_ =	shalt  }
0x7b: {  	_ =	shalt  }
0x7c: {  	_ =	shalt  }
0x7d: {  	_ =	shalt  }
0x7e: {  	_ =	shalt  }
0x7f: {  	_ =	shalt  }
0x80: {  	_ =	shalt  }
0x81: {  	_ =	shalt  }
0x82: {  	_ =	shalt  }
0x83: {  	_ =	shalt  }
0x84: {  	_ =	shalt  }
0x85: {  	_ =	shalt  }
0x86: {  	_ =	shalt  }
0x87: {  	_ =	shalt  }
.Lfunc_end0:
.L_simem_size_0:
called_computation.1_lowered:
.L_overlay_start_0:
0x88: {  	s2 =	sld [smem:$0x3FD9]  }
0x89: {  	s3 =	sld [smem:$0x3FFE];
	_ =	sdelay $0x1  }
0x8a: {  	s1 =	srdreg.scid  }
0x8b: {  	s0 =	sand.u32 $0x1, s1  }
0x8c: {  	s17 =	sshll.u32 s0, $0xA;
	s2 =	sadd.s32 s3, s2  }
0x8d: {  	s2 =	sadd.s32 s2, s17  }
0x8e: {  	[smem:$0x3FC4] =	sst s2  }
0x8f: {  	_ = 	snop  }
0x90: {  	s2 =	sld [smem:$0x3FD0];
	(tm) =	ssettm $0x1  }
0x91: {  	s18 =	sld [smem:$0x3FFB];
	_ =	sdelay $0x3  }
0x92: {  	_ =	strace s18  }
0x93: {  	s3 =	sld [smem:$0x3FFC];
	_ =	sdelay $0x3  }
0x94: {  	_ =	strace s3  }
0x95: {  	s3 =	sld [smem:$0x3FFD];
	_ =	sdelay $0x3  }
0x96: {  	_ =	strace s3  }
0x97: {  	_ =	strace $0x8FFFFFFF  }
0x98: {  	s19 =	sld [smem:$0x3FDB];
	_ =	sdelay $0x1  }
0x99: {  	s4 =	simm.s32 $_scs_section_size  }
0x9a: {  	s5 =	simm.s32 $_size__tile_overlayer_lowered;
	s6 =	simm.s32 $_tile_overlayer_lowered  }
0x9b: {  	s22 =	simm.s32 $0x1BFF;
	s21 =	sshll.u32 s6, $0x1;
	s3 =	sadd.s32 s4, s19  }
0x9c: {  	s7 =	simm.s32 $0x0;
	s20 =	sshll.u32 s5, $0x1;
	s5 =	sadd.s32 s21, s3  }
0x9d: {  	[timem:s7], [sflag:s22] =	dma.local [hbm:s5], s20  }
0x9e: {  	_ =	swait.ge [sflag:s22], s20  }
0x9f: {  	s4 =	ssub.s32 $0x0, s20;
	[sflag:s22] =	ssyncset.done $0x0  }
0xa0: {  	[sflag:s22] =	ssyncadd.s32 s4;
	_ =	sdelay $0x1  }
0xa1: {  	s23 =	simm.s32 $0x1B8B  }
0xa2: {  	_ =	swait.ge [sflag:s23], $0x1  }
0xa3: {  	[sflag:s23] =	ssyncset.done $0x0  }
0xa4: {  	s25 =	simm.s32 $0x1B8E;
	s24 =	sld [smem:$0x3FFE];
	[sflag:s23] =	ssyncadd.s32 $0xFFFFFFFF  }
0xa5: {  	s26 =	simm.s32 $execute0_lowered;
	[smem:$0x3FD2] =	sst s25  }
0xa6: {  	s5 =	sshll.u32 s26, $0x1;
	_ =	strace $0x80000049;
	[dreg:$0x1] =	wrdreg $0xFFFFFFFF  }
0xa7: {  	s28 =	simm.s32 $_size_execute0_lowered;
	s3 =	sadd.s32 s3, s5;
	[dreg:$0x0] =	wrdreg $0x0  }
0xa8: {  	s5 =	sshll.u32 s28, $0x1;
	[dreg:$0x2] =	wrdreg s3  }
0xa9: {  	[dreg:$0x3] =	wrdreg s5  }
0xaa: {  	[dreg:$0x4] =	wrdreg $0xC0  }
0xab: {  	_ =	task [dreg:s7], $0x5FFFF  }
0xac: {  	[dreg:$0x1] =	wrdreg $0xFFFFFFFF  }
0xad: {  	[dreg:$0x0] =	wrdreg $0x60  }
0xae: {  	[dreg:$0x2] =	wrdreg s24  }
0xaf: {  	[dreg:$0x3] =	wrdreg s2  }
0xb0: {  	[dreg:$0x4] =	wrdreg $0xA8000  }
0xb1: {  	[dreg:$0x5] =	wrdreg $0x9  }
0xb2: {  	_ =	task.clear_ibuf [dreg:s7], $0x6FFFF;
	_ =	strace $0x90000049  }
0xb3: {  	s29 =	simm.s32 $0x9;
	_ =	strace $0x8000004B  }
0xb4: {  	_ =	swait.ge [sflag:s29], $0x1  }
0xb5: {  	[sflag:s29] =	ssyncadd.s32 $0xFFFFFFFF  }
0xb6: {  	_ =	strace $0x9000004B  }
0xb7: {  	_ =	sfence  }
0xb8: {  	s30 =	sld [smem:$0x0];
	_ =	sdelay $0x2  }
0xb9: {  	s31 =	sshll.u32 s1, $0xD;
	s1 =	sshrl.u32 s1, $0x2  }
0xba: {  	s3 =	sand.u32 $0x4000, s31;
	s1 =	sadd.s32 s1, s30  }
0xbb: {  	s0 =	sor.u32 s3, s0;
	s1 =	sshll.u32 s1, $0x11  }
0xbc: {  	s0 =	sor.u32 s1, s0  }
0xbd: {  	s0 =	sadd.s32 $0x8F2B, s0  }
0xbe: {  	[sflag:s0] =	ssyncadd.remote.s32 $0x1  }
0xbf: {  	_ =	sfence.sel $0xFFFF  }
0xc0: {  	[dreg:$0x0] =	wrdreg $0xFFFFFFFF;
	(pc) =	sbr.abs _section_cstart, $3  }
0xc1: {  	[dreg:$0x1] =	wrdreg $0xFFFFFFFF  }
0xc2: {  	_ =	task.clear_ibuf [dreg:s7], $0x2FFFF;
	_ =	strace $0x9FFFFFFF  }
0xc3: {  	(tm) =	ssettm $0x7FFFFFFF  }
tec
execute0_lowered:
.L_overlay_start_1:
0x0: {  	(tag) =	ssettag $0x1  }
0x1: {  	s0 =	rddreg [dreg:$0x0]  }
0x2: {  	s9 =	rddreg [dreg:$0x1]  }
0x3: {  	s1 =	rddreg [dreg:$0x2];
	s2 =	simm.s32 $0x0  }
0x4: {  	s6 =	srdreg.scid;
	s3 =	stileid.u32;
	s18 =	simm.s32 $0x5  }
0x5: {  	s19 =	simm.s32 $0x1400;
	s20 =	simm.s32 $0x80;
	s21 =	simm.s32 $0x2800  }
0x6: {  	s28 =	simm.s32 $0x100;
	s29 =	simm.s32 $0x4;
	s30 =	simm.s32 $0x0  }
0x7: {  	[smem:$0x7FF] =	sst s2;
	s4 =	sadd.s32 $0x8DE00, s0;
	s14 =	smul.u32 $0x4F000, s3  }
0x8: {  	s5 =	sadd.s32 $0x66C00, s0;
	s12 =	sadd.s32 $0x12C00, s0;
	s7 =	smul.u32 $0x2780, s3  }
0x9: {  	s10 =	sand.u32 $0x1, s6;
	s13 =	sadd.s32 $0xDC00, s0;
	s23 =	smul.u32 $0x2800, s3  }
0xa: {  	s6 =	sadd.s32 $0xB5000, s0;
	s8 =	sadd.s32 $0xDC800, s0;
	s25 =	smul.u32 $0x500, s3  }
0xb: {  	_ =	strace $0x8000004A;
	s11 =	ssub.s32 $0x2, s10;
	p0 =	seq.s32 s10, $0x1  }
0xc: {  	s15 =	sshrl.u32 s11, $0x1;
	s24 =	sshrl.u32 s14, $0x2;
	s9 =	sadd.s32 s9, s7  }
0xd: {  	s26 =	sshrl.u32 s23, $0x3;
	s10 =	sadd.s32 s12, s25;
	s14 =	sshll.u32 s3, $0x6  }
.Ltmp0:
0xe: {  	s23 =	simm.s32 $0x1;
	s22 =	ssub.s32 s11, s15;
	(pc) =	sbr.rel .LBB2_1-.Ltmp0, $4  }
0xf: {  	s17 =	sadd.s32 s24, s1;
	s11 =	sadd.s32 s13, s25;
	s31 =	sadd.s32 $0x280, s26  }
0x10: {  	s16 =	sor.u32 $0x1C03, s14;
	s24 =	simm.s32 $0x6800;
	s25 =	simm.s32 $0x2  }
0x11: {  	s26 =	simm.s32 $0x1480;
	s12 =	sadd.s32 s12, s31;
	s13 =	sadd.s32 s13, s31  }
0x12: {  	s15 =	smax.u32 s22, $0x1;
	s17 =	sshrl.u32 s17, $0x3;
	s22 =	simm.s32 $0x3  }
.LBB2_14:
0x13: {  	s0 =	smov.u32 s8  }
.LBB2_15:
0x14: {  	_ =	swait.ge [sflag:s29], $0x4000  }
0x15: {  	s30 =	sadd.s32 $0x1, s30;
	[sflag:s29] =	ssyncset.done $0x0  }
0x16: {  	s0 =	sadd.s32 s0, s7;
	p1 =	sne.s32 s30, s15;
	[sflag:s29] =	ssyncadd.s32 $0xFFFFC000  }
.Ltmp1:
0x17: {  	s3 =	sor.u32 $0x1C05, s14;
	[bflag:$0x0] =	sbarrier.arrive $0xFFFF;
	(pc) =	sbr.rel @!p1 .LBB2_16-.Ltmp1, $4  }
0x18: {  	[hbm:s0], [sflag:s3] =	dma.local [spmem:s17], $0x2780  }
0x19: {  	_ =	swait.ge [sflag:s18], $0x2780  }
0x1a: {  	[sflag:s18] =	ssyncset.done $0x0  }
0x1b: {  	[sflag:s18] =	ssyncadd.s32 $0xFFFFD880  }
.LBB2_1:
0x1c: {  	[spmem:s17], [sflag:s16] =	dma.local [hbm:s9], $0x2780  }
0x1d: {  	[tilespmem:s2], [sflag:$0x5] =	stream.linear.gather [hbm4b:s10+s2], $0x1400, $0x38;
	[tilespmem:$0x1E400] =	vst v63  }
0x1e: {  	_ =	swait.ge [sflag:s18], $0x1400  }
0x1f: {  	[sflag:s18] =	ssyncset.done $0x0  }
.Ltmp2:
0x20: {  	[sflag:s18] =	ssyncadd.s32 $0xFFFFEC00;
	(pc) =	sbr.rel @!p0 .LBB2_2-.Ltmp2, $4  }
0x21: {  	[tilespmem:s19], [sflag:$0x5] =	stream.linear.gather [hbm4b:s11+s2], $0x1400, $0x38;
	[tilespmem:$0x1E400] =	vst v63  }
0x22: {  	_ =	swait.ge [sflag:s18], $0x1400  }
0x23: {  	[sflag:s18] =	ssyncset.done $0x0  }
0x24: {  	[sflag:s18] =	ssyncadd.s32 $0xFFFFEC00  }
0x25: {  	[tilespmem:s21], [sflag:$0x1] =	stream.indirect.gather [hbm4b:s5+s20], $0x80, s2, s20, $0xb8;
	[tilespmem:$0x1E400] =	vst v63  }
0x26: {  	_ =	swait.ge [sflag:s22], $0x2780  }
0x27: {  	[sflag:s22] =	ssyncset.done $0x0  }
0x28: {  	[sflag:s22] =	ssyncadd.s32 $0xFFFFD880  }
0x29: {  	[bflag:$0x0] =	sbarrier.arrive $0xFFFF  }
0x2a: {  	_ =	swait.ge [sflag:s23], $0x4000  }
0x2b: {  	[sflag:s23] =	ssyncset.done $0x0  }
0x2c: {  	[sflag:s23] =	ssyncadd.s32 $0xFFFFC000  }
0x2d: {  	[spmem:s1] =	stream.indirect.scatter.add.f32 [tilespmem:s21], [sflag:$0x3], $0x80, s19, s20, $0xb8;
	[tilespmem:$0x1E400] =	vst v63  }
0x2e: {  	_ = 	snop  }
0x2f: {  	[tilespmem:s24], [sflag:$0x2] =	stream.indirect.gather [hbm4b:s5+s20], $0x80, s20, s20, $0xb8;
	[tilespmem:$0x1E400] =	vst v63  }
0x30: {  	_ =	swait.ge [sflag:s25], $0x4000  }
0x31: {  	[sflag:s25] =	ssyncset.done $0x0  }
0x32: {  	[sflag:s25] =	ssyncadd.s32 $0xFFFFC000  }
0x33: {  	[spmem:s1] =	stream.indirect.scatter.add.f32 [tilespmem:s24], [sflag:$0x4], $0x80, s26, s20, $0xb8;
	[tilespmem:$0x1E400] =	vst v63  }
0x34: {  	_ =	swait.ge [sflag:s22], $0x4000  }
0x35: {  	[sflag:s22] =	ssyncset.done $0x0  }
0x36: {  	s31 =	simm.s32 $0xFFFFB800;
	[sflag:s22] =	ssyncadd.s32 $0xFFFFC000  }
0x37: {  	[tilespmem:s21], [sflag:$0x1] =	stream.indirect.gather [hbm4b:s5+s20], $0x80, s28, s20, $0xb8;
	[tilespmem:$0x1E400] =	vst v63  }
.LBB2_10:
0x38: {  	_ =	swait.ge [sflag:s23], $0x4000  }
0x39: {  	s0 =	sshra.s32 s31, $0x2;
	[sflag:s23] =	ssyncset.done $0x0  }
0x3a: {  	s3 =	sadd.s32 $0x2700, s0;
	[sflag:s23] =	ssyncadd.s32 $0xFFFFC000  }
0x3b: {  	[spmem:s1] =	stream.indirect.scatter.add.f32 [tilespmem:s21], [sflag:$0x3], $0x80, s3, s20, $0xb8;
	[tilespmem:$0x1E400] =	vst v63  }
0x3c: {  	_ =	swait.ge [sflag:s29], $0x4000  }
0x3d: {  	[sflag:s29] =	ssyncset.done $0x0  }
0x3e: {  	s3 =	sadd.s32 $0x1380, s0;
	[sflag:s29] =	ssyncadd.s32 $0xFFFFC000  }
0x3f: {  	[tilespmem:s24], [sflag:$0x2] =	stream.indirect.gather [hbm4b:s5+s20], $0x80, s3, s20, $0xb8;
	[tilespmem:$0x1E400] =	vst v63  }
0x40: {  	_ =	swait.ge [sflag:s25], $0x4000  }
0x41: {  	p1 =	seq.s32 s31, $0x0;
	[sflag:s25] =	ssyncset.done $0x0  }
.Ltmp3:
0x42: {  	s3 =	sadd.s32 $0x2780, s0;
	[sflag:s25] =	ssyncadd.s32 $0xFFFFC000;
	(pc) =	sbr.rel @p1 .LBB2_12-.Ltmp3, $4  }
0x43: {  	[spmem:s1] =	stream.indirect.scatter.add.f32 [tilespmem:s24], [sflag:$0x4], $0x80, s3, s20, $0xb8;
	[tilespmem:$0x1E400] =	vst v63  }
0x44: {  	_ =	swait.ge [sflag:s22], $0x4000  }
0x45: {  	[sflag:s22] =	ssyncset.done $0x0  }
0x46: {  	[sflag:s22] =	ssyncadd.s32 $0xFFFFC000  }
.Ltmp4:
0x47: {  	(pc) =	sbr.rel .LBB2_10-.Ltmp4, $3  }
0x48: {  	_ =	sdelay $0x1  }
0x49: {  	s0 =	sadd.s32 $0x1400, s0;
	s31 =	sadd.s32 $0x400, s31  }
0x4a: {  	[tilespmem:s21], [sflag:$0x1] =	stream.indirect.gather [hbm4b:s5+s20], $0x80, s0, s20, $0xb8;
	[tilespmem:$0x1E400] =	vst v63  }
.LBB2_2:
0x4b: {  	[tilespmem:s21], [sflag:$0x1] =	stream.indirect.gather [hbm4b:s4+s20], $0x80, s2, s20, $0xb8;
	[tilespmem:$0x1E400] =	vst v63  }
0x4c: {  	_ =	swait.ge [sflag:s22], $0x2780  }
0x4d: {  	[sflag:s22] =	ssyncset.done $0x0  }
0x4e: {  	[sflag:s22] =	ssyncadd.s32 $0xFFFFD880  }
0x4f: {  	[bflag:$0x0] =	sbarrier.arrive $0xFFFF  }
0x50: {  	_ =	swait.ge [sflag:s23], $0x4000  }
0x51: {  	[sflag:s23] =	ssyncset.done $0x0  }
0x52: {  	[sflag:s23] =	ssyncadd.s32 $0xFFFFC000  }
0x53: {  	[spmem:s1] =	stream.indirect.scatter.add.f32 [tilespmem:s21], [sflag:$0x3], $0x80, s19, s20, $0xb8;
	[tilespmem:$0x1E400] =	vst v63  }
0x54: {  	_ = 	snop  }
0x55: {  	[tilespmem:s24], [sflag:$0x2] =	stream.indirect.gather [hbm4b:s4+s20], $0x80, s20, s20, $0xb8;
	[tilespmem:$0x1E400] =	vst v63  }
0x56: {  	_ =	swait.ge [sflag:s25], $0x4000  }
0x57: {  	[sflag:s25] =	ssyncset.done $0x0  }
0x58: {  	[sflag:s25] =	ssyncadd.s32 $0xFFFFC000  }
0x59: {  	[spmem:s1] =	stream.indirect.scatter.add.f32 [tilespmem:s24], [sflag:$0x4], $0x80, s26, s20, $0xb8;
	[tilespmem:$0x1E400] =	vst v63  }
0x5a: {  	_ =	swait.ge [sflag:s22], $0x4000  }
0x5b: {  	[sflag:s22] =	ssyncset.done $0x0  }
0x5c: {  	s31 =	simm.s32 $0xFFFFB800;
	[sflag:s22] =	ssyncadd.s32 $0xFFFFC000  }
0x5d: {  	[tilespmem:s21], [sflag:$0x1] =	stream.indirect.gather [hbm4b:s4+s20], $0x80, s28, s20, $0xb8;
	[tilespmem:$0x1E400] =	vst v63  }
.LBB2_3:
0x5e: {  	_ =	swait.ge [sflag:s23], $0x4000  }
0x5f: {  	s0 =	sshra.s32 s31, $0x2;
	[sflag:s23] =	ssyncset.done $0x0  }
0x60: {  	s3 =	sadd.s32 $0x2700, s0;
	[sflag:s23] =	ssyncadd.s32 $0xFFFFC000  }
0x61: {  	[spmem:s1] =	stream.indirect.scatter.add.f32 [tilespmem:s21], [sflag:$0x3], $0x80, s3, s20, $0xb8;
	[tilespmem:$0x1E400] =	vst v63  }
0x62: {  	_ =	swait.ge [sflag:s29], $0x4000  }
0x63: {  	[sflag:s29] =	ssyncset.done $0x0  }
0x64: {  	s3 =	sadd.s32 $0x1380, s0;
	[sflag:s29] =	ssyncadd.s32 $0xFFFFC000  }
0x65: {  	[tilespmem:s24], [sflag:$0x2] =	stream.indirect.gather [hbm4b:s4+s20], $0x80, s3, s20, $0xb8;
	[tilespmem:$0x1E400] =	vst v63  }
0x66: {  	_ =	swait.ge [sflag:s25], $0x4000  }
0x67: {  	p1 =	seq.s32 s31, $0x0;
	[sflag:s25] =	ssyncset.done $0x0  }
.Ltmp5:
0x68: {  	s3 =	sadd.s32 $0x2780, s0;
	[sflag:s25] =	ssyncadd.s32 $0xFFFFC000;
	(pc) =	sbr.rel @p1 .LBB2_5-.Ltmp5, $4  }
0x69: {  	[spmem:s1] =	stream.indirect.scatter.add.f32 [tilespmem:s24], [sflag:$0x4], $0x80, s3, s20, $0xb8;
	[tilespmem:$0x1E400] =	vst v63  }
0x6a: {  	_ =	swait.ge [sflag:s22], $0x4000  }
0x6b: {  	[sflag:s22] =	ssyncset.done $0x0  }
0x6c: {  	[sflag:s22] =	ssyncadd.s32 $0xFFFFC000  }
.Ltmp6:
0x6d: {  	(pc) =	sbr.rel .LBB2_3-.Ltmp6, $3  }
0x6e: {  	_ =	sdelay $0x1  }
0x6f: {  	s0 =	sadd.s32 $0x1400, s0;
	s31 =	sadd.s32 $0x400, s31  }
0x70: {  	[tilespmem:s21], [sflag:$0x1] =	stream.indirect.gather [hbm4b:s4+s20], $0x80, s0, s20, $0xb8;
	[tilespmem:$0x1E400] =	vst v63  }
.LBB2_12:
0x71: {  	_ =	swait.ge [sflag:s29], $0x4000  }
0x72: {  	[sflag:s29] =	ssyncset.done $0x0  }
0x73: {  	[sflag:s29] =	ssyncadd.s32 $0xFFFFC000  }
0x74: {  	[tilespmem:s2], [sflag:$0x5] =	stream.linear.gather [hbm4b:s12+s2], $0x1400, $0x38;
	[tilespmem:$0x1E400] =	vst v63  }
0x75: {  	_ =	swait.ge [sflag:s18], $0x1400  }
0x76: {  	[sflag:s18] =	ssyncset.done $0x0  }
0x77: {  	[sflag:s18] =	ssyncadd.s32 $0xFFFFEC00  }
0x78: {  	[tilespmem:s19], [sflag:$0x5] =	stream.linear.gather [hbm4b:s13+s2], $0x1400, $0x38;
	[tilespmem:$0x1E400] =	vst v63  }
0x79: {  	_ =	swait.ge [sflag:s18], $0x1400  }
0x7a: {  	[sflag:s18] =	ssyncset.done $0x0  }
0x7b: {  	[sflag:s18] =	ssyncadd.s32 $0xFFFFEC00  }
0x7c: {  	[tilespmem:s21], [sflag:$0x1] =	stream.indirect.gather [hbm4b:s5+s20], $0x80, s2, s20, $0xb8;
	[tilespmem:$0x1E400] =	vst v63  }
0x7d: {  	_ =	swait.ge [sflag:s23], $0x4000  }
0x7e: {  	[sflag:s23] =	ssyncset.done $0x0  }
0x7f: {  	[sflag:s23] =	ssyncadd.s32 $0xFFFFC000  }
0x80: {  	[spmem:s1] =	stream.indirect.scatter.add.f32 [tilespmem:s21], [sflag:$0x3], $0x80, s19, s20, $0xb8;
	[tilespmem:$0x1E400] =	vst v63  }
0x81: {  	_ = 	snop  }
0x82: {  	[tilespmem:s24], [sflag:$0x2] =	stream.indirect.gather [hbm4b:s5+s20], $0x80, s20, s20, $0xb8;
	[tilespmem:$0x1E400] =	vst v63  }
0x83: {  	_ =	swait.ge [sflag:s25], $0x4000  }
0x84: {  	[sflag:s25] =	ssyncset.done $0x0  }
0x85: {  	[sflag:s25] =	ssyncadd.s32 $0xFFFFC000  }
0x86: {  	[spmem:s1] =	stream.indirect.scatter.add.f32 [tilespmem:s24], [sflag:$0x4], $0x80, s26, s20, $0xb8;
	[tilespmem:$0x1E400] =	vst v63  }
0x87: {  	_ =	swait.ge [sflag:s22], $0x4000  }
0x88: {  	[sflag:s22] =	ssyncset.done $0x0  }
0x89: {  	s31 =	simm.s32 $0xFFFFB800;
	[sflag:s22] =	ssyncadd.s32 $0xFFFFC000  }
0x8a: {  	[tilespmem:s21], [sflag:$0x1] =	stream.indirect.gather [hbm4b:s5+s20], $0x80, s28, s20, $0xb8;
	[tilespmem:$0x1E400] =	vst v63  }
.LBB2_13:
0x8b: {  	_ =	swait.ge [sflag:s23], $0x4000  }
0x8c: {  	s0 =	sshra.s32 s31, $0x2;
	[sflag:s23] =	ssyncset.done $0x0  }
0x8d: {  	s3 =	sadd.s32 $0x2700, s0;
	[sflag:s23] =	ssyncadd.s32 $0xFFFFC000  }
0x8e: {  	[spmem:s1] =	stream.indirect.scatter.add.f32 [tilespmem:s21], [sflag:$0x3], $0x80, s3, s20, $0xb8;
	[tilespmem:$0x1E400] =	vst v63  }
0x8f: {  	_ =	swait.ge [sflag:s29], $0x4000  }
0x90: {  	[sflag:s29] =	ssyncset.done $0x0  }
0x91: {  	s3 =	sadd.s32 $0x1380, s0;
	[sflag:s29] =	ssyncadd.s32 $0xFFFFC000  }
0x92: {  	[tilespmem:s24], [sflag:$0x2] =	stream.indirect.gather [hbm4b:s5+s20], $0x80, s3, s20, $0xb8;
	[tilespmem:$0x1E400] =	vst v63  }
0x93: {  	_ =	swait.ge [sflag:s25], $0x4000  }
0x94: {  	p1 =	seq.s32 s31, $0x0;
	[sflag:s25] =	ssyncset.done $0x0  }
.Ltmp7:
0x95: {  	s3 =	sadd.s32 $0x2780, s0;
	[sflag:s25] =	ssyncadd.s32 $0xFFFFC000;
	(pc) =	sbr.rel @p1 .LBB2_14-.Ltmp7, $4  }
0x96: {  	[spmem:s1] =	stream.indirect.scatter.add.f32 [tilespmem:s24], [sflag:$0x4], $0x80, s3, s20, $0xb8;
	[tilespmem:$0x1E400] =	vst v63  }
0x97: {  	_ =	swait.ge [sflag:s22], $0x4000  }
0x98: {  	[sflag:s22] =	ssyncset.done $0x0  }
0x99: {  	[sflag:s22] =	ssyncadd.s32 $0xFFFFC000  }
.Ltmp8:
0x9a: {  	(pc) =	sbr.rel .LBB2_13-.Ltmp8, $3  }
0x9b: {  	_ =	sdelay $0x1  }
0x9c: {  	s0 =	sadd.s32 $0x1400, s0;
	s31 =	sadd.s32 $0x400, s31  }
0x9d: {  	[tilespmem:s21], [sflag:$0x1] =	stream.indirect.gather [hbm4b:s5+s20], $0x80, s0, s20, $0xb8;
	[tilespmem:$0x1E400] =	vst v63  }
.LBB2_5:
0x9e: {  	_ =	swait.ge [sflag:s29], $0x4000  }
0x9f: {  	[sflag:s29] =	ssyncset.done $0x0  }
0xa0: {  	[sflag:s29] =	ssyncadd.s32 $0xFFFFC000  }
0xa1: {  	[tilespmem:s2], [sflag:$0x5] =	stream.linear.gather [hbm4b:s12+s2], $0x1400, $0x38;
	[tilespmem:$0x1E400] =	vst v63  }
0xa2: {  	_ =	swait.ge [sflag:s18], $0x1400  }
0xa3: {  	[sflag:s18] =	ssyncset.done $0x0  }
0xa4: {  	[sflag:s18] =	ssyncadd.s32 $0xFFFFEC00  }
0xa5: {  	[tilespmem:s19], [sflag:$0x5] =	stream.linear.gather [hbm4b:s13+s2], $0x1400, $0x38;
	[tilespmem:$0x1E400] =	vst v63  }
0xa6: {  	_ =	swait.ge [sflag:s18], $0x1400  }
0xa7: {  	[sflag:s18] =	ssyncset.done $0x0  }
0xa8: {  	[sflag:s18] =	ssyncadd.s32 $0xFFFFEC00  }
0xa9: {  	[tilespmem:s21], [sflag:$0x1] =	stream.indirect.gather [hbm4b:s4+s20], $0x80, s2, s20, $0xb8;
	[tilespmem:$0x1E400] =	vst v63  }
0xaa: {  	_ =	swait.ge [sflag:s23], $0x4000  }
0xab: {  	[sflag:s23] =	ssyncset.done $0x0  }
0xac: {  	[sflag:s23] =	ssyncadd.s32 $0xFFFFC000  }
0xad: {  	[spmem:s1] =	stream.indirect.scatter.add.f32 [tilespmem:s21], [sflag:$0x3], $0x80, s19, s20, $0xb8;
	[tilespmem:$0x1E400] =	vst v63  }
0xae: {  	_ = 	snop  }
0xaf: {  	[tilespmem:s24], [sflag:$0x2] =	stream.indirect.gather [hbm4b:s4+s20], $0x80, s20, s20, $0xb8;
	[tilespmem:$0x1E400] =	vst v63  }
0xb0: {  	_ =	swait.ge [sflag:s25], $0x4000  }
0xb1: {  	[sflag:s25] =	ssyncset.done $0x0  }
0xb2: {  	[sflag:s25] =	ssyncadd.s32 $0xFFFFC000  }
0xb3: {  	[spmem:s1] =	stream.indirect.scatter.add.f32 [tilespmem:s24], [sflag:$0x4], $0x80, s26, s20, $0xb8;
	[tilespmem:$0x1E400] =	vst v63  }
0xb4: {  	_ =	swait.ge [sflag:s22], $0x4000  }
0xb5: {  	[sflag:s22] =	ssyncset.done $0x0  }
0xb6: {  	s31 =	simm.s32 $0xFFFFB800;
	[sflag:s22] =	ssyncadd.s32 $0xFFFFC000  }
0xb7: {  	[tilespmem:s21], [sflag:$0x1] =	stream.indirect.gather [hbm4b:s4+s20], $0x80, s28, s20, $0xb8;
	[tilespmem:$0x1E400] =	vst v63  }
.LBB2_6:
0xb8: {  	_ =	swait.ge [sflag:s23], $0x4000  }
0xb9: {  	s0 =	sshra.s32 s31, $0x2;
	[sflag:s23] =	ssyncset.done $0x0  }
0xba: {  	s3 =	sadd.s32 $0x2700, s0;
	[sflag:s23] =	ssyncadd.s32 $0xFFFFC000  }
0xbb: {  	[spmem:s1] =	stream.indirect.scatter.add.f32 [tilespmem:s21], [sflag:$0x3], $0x80, s3, s20, $0xb8;
	[tilespmem:$0x1E400] =	vst v63  }
0xbc: {  	_ =	swait.ge [sflag:s29], $0x4000  }
0xbd: {  	[sflag:s29] =	ssyncset.done $0x0  }
0xbe: {  	s3 =	sadd.s32 $0x1380, s0;
	[sflag:s29] =	ssyncadd.s32 $0xFFFFC000  }
0xbf: {  	[tilespmem:s24], [sflag:$0x2] =	stream.indirect.gather [hbm4b:s4+s20], $0x80, s3, s20, $0xb8;
	[tilespmem:$0x1E400] =	vst v63  }
0xc0: {  	_ =	swait.ge [sflag:s25], $0x4000  }
0xc1: {  	p1 =	seq.s32 s31, $0x0;
	[sflag:s25] =	ssyncset.done $0x0  }
.Ltmp9:
0xc2: {  	s3 =	sadd.s32 $0x2780, s0;
	[sflag:s25] =	ssyncadd.s32 $0xFFFFC000;
	(pc) =	sbr.rel @p1 .LBB2_7-.Ltmp9, $4  }
0xc3: {  	[spmem:s1] =	stream.indirect.scatter.add.f32 [tilespmem:s24], [sflag:$0x4], $0x80, s3, s20, $0xb8;
	[tilespmem:$0x1E400] =	vst v63  }
0xc4: {  	_ =	swait.ge [sflag:s22], $0x4000  }
0xc5: {  	[sflag:s22] =	ssyncset.done $0x0  }
0xc6: {  	[sflag:s22] =	ssyncadd.s32 $0xFFFFC000  }
.Ltmp10:
0xc7: {  	(pc) =	sbr.rel .LBB2_6-.Ltmp10, $3  }
0xc8: {  	_ =	sdelay $0x1  }
0xc9: {  	s0 =	sadd.s32 $0x1400, s0;
	s31 =	sadd.s32 $0x400, s31  }
0xca: {  	[tilespmem:s21], [sflag:$0x1] =	stream.indirect.gather [hbm4b:s4+s20], $0x80, s0, s20, $0xb8;
	[tilespmem:$0x1E400] =	vst v63  }
.LBB2_7:
.Ltmp11:
0xcb: {  	(pc) =	sbr.rel .LBB2_15-.Ltmp11, $2  }
0xcc: {  	_ =	sdelay $0x2  }
0xcd: {  	s0 =	smov.u32 s6  }
.LBB2_16:
0xce: {  	_ =	sfence.sel $0x180000  }
0xcf: {  	[bflag:$0x0] =	sbarrier.arrive $0xFFFF  }
0xd0: {  	_ =	strace $0x9000004A  }
0xd1: {  	s0 =	stileid.u32;
	[bflag:$0x2] =	sbarrier.arrive $0xFFFF  }
0xd2: {  	p0 =	sne.s32 s0, $0x0;
	s0 =	rddreg [dreg:$0x3]  }
0xd3: {  	s0 =	sadd.s32 @!p0 $0x100000, s0  }
0xd4: {  	[sflag:s0] =	ssyncadd.tile.s32 @!p0 $0x1;
	_ =	shalt  }
.Lfunc_end2:
_tile_overlayer_lowered:
.L_overlay_start_2:
0xd5: {  	(tag) =	ssettag $0x2  }
0xd6: {  	s0 =	rddreg [dreg:$0x0];
	s2 =	stileid.u32  }
0xd7: {  	s1 =	rddreg [dreg:$0x1];
	p0 =	sne.s32 s2, $0x0  }
0xd8: {  	s3 =	rddreg [dreg:$0x2];
	[bflag:$0x3] =	sbarrier.arrive $0xFFFF;
	s2 =	simm.s32 @!p0 $0x1C05  }
0xd9: {  	[timem:s3], [sflag:s2] =	dma.local @!p0 [hbm:s0], s1  }
0xda: {  	s0 =	simm.s32 @!p0 $0x5  }
0xdb: {  	_ =	swait.ge @!p0 [sflag:s0], s1  }
0xdc: {  	s1 =	ssub.s32 @!p0 $0x0, s1;
	[sflag:s0] =	ssyncset.done @!p0 $0x0  }
0xdd: {  	[sflag:s0] =	ssyncadd.s32 @!p0 s1  }
0xde: {  	[bflag:$0x3] =	sbarrier.arrive $0xFFFF  }
0xdf: {  	_ =	shalt  }

// kernel: kernel.14.cloned.1.call-start
scs
__scs_entry_jumppad:
0x0: {  	(pc) =	sbr.rel $0x88, $3  }
0x1: {  	(tag) =	ssettag $0x0;
	lr =	simm.s32 $0x1  }
0x2: {  	[smem:$0x3F9D] =	sst lr;
	_ =	strace $0xD0000000  }
0x3: {  	_ = 	snop  }
0x4: {  	_ = 	snop  }
0x5: {  	_ = 	snop  }
0x6: {  	_ = 	snop  }
0x7: {  	_ = 	snop  }
__scs_overlays_trampoline_lowered:
0x8: {  	[smem:$0x3FAC] =	sst s0  }
0x9: {  	[smem:$0x3FAD] =	sst s1  }
0xa: {  	[smem:$0x3FAE] =	sst s2  }
0xb: {  	[smem:$0x3FAF] =	sst s3  }
0xc: {  	[smem:$0x3FB0] =	sst s4  }
0xd: {  	[smem:$0x3FB1] =	sst s5  }
0xe: {  	[smem:$0x3FB2] =	sst s6  }
0xf: {  	[smem:$0x3FB3] =	sst s7  }
0x10: {  	[smem:$0x3FB4] =	sst s8  }
0x11: {  	[smem:$0x3FB5] =	sst s9;
	s0 =	simm.s32 @!p0 $0x0  }
0x12: {  	s1 =	sld [smem:$0x3F9B];
	s0 =	simm.s32 @p0 $0x1  }
0x13: {  	[smem:$0x3FB6] =	sst s0;
	s0 =	simm.s32 @!p1 $0x0  }
0x14: {  	s2 =	sld [smem:$0x3F9A];
	s0 =	simm.s32 @p1 $0x1  }
0x15: {  	[smem:$0x3FB7] =	sst s0;
	s0 =	simm.s32 @!p2 $0x0  }
0x16: {  	s3 =	sld [smem:$0x3FDB];
	s0 =	simm.s32 @p2 $0x1  }
0x17: {  	s4 =	simm.s32 $0x1BF5;
	[smem:$0x3FB9] =	sst s0  }
0x18: {  	s0 =	sld [smem:$0x3F9C];
	_ =	swait.ge [sflag:s4], $0x0  }
0x19: {  	s7 =	sld [smem:$0x3F9D]  }
0x1a: {  	s8 =	sadd.s32 $0xFFFFE003, lr  }
0x1b: {  	s9 =	sadd.s32 $0xFFFFFEF7, lr;
	s5 =	simm.s32 $0xFFFFFFFF;
	p2 =	slt.u32 s8, $0xFFFFF086  }
0x1c: {  	p1 =	slt.u32 s9, $0xF7A;
	s5 =	simm.s32 @!p2 $0x0  }
0x1d: {  	s5 =	simm.s32 @p1 $0x1;
	p0 =	seq.s32 s7, s2  }
0x1e: {  	s7 =	smul.u32 @!p0 $0xF7A, s2;
	p2 =	seq.s32 @!p0 s5, $0x0  }
0x1f: {  	s9 =	smul.u32 $0xF7A, s1;
	s8 =	simm.s32 @!p0 $0x1BF5;
	p2 =	por !p2, p0  }
0x20: {  	[sflag:s8] =	ssyncset.s32 @!p0 $0xFFFFF086;
	s6 =	sadd.s32 @!p0 s3, s7;
	s7 =	simm.s32 @!p0 $0x108  }
0x21: {  	s3 =	sadd.s32 s3, s9;
	s6 =	sadd.s32 @!p0 $0x88, s6;
	s7 =	simm.s32 @p2 $0x1082  }
0x22: {  	[simem:s7], [sflag:s8] =	dma.local @!p0 [hbm:s6], $0xF7A  }
0x23: {  	s9 =	sor.u32 $0xD0000000, s2;
	s6 =	simm.s32 $0x108;
	_ =	swait.ge @!p0 [sflag:s8], $0x0  }
0x24: {  	s3 =	sadd.s32 $0x88, s3;
	s6 =	simm.s32 @!p1 $0x1082;
	[sflag:s4] =	ssyncset.s32 $0xFFFFF086  }
0x25: {  	[simem:s6], [sflag:s4] =	dma.local [hbm:s3], $0xF7A  }
0x26: {  	[smem:$0x3F9D] =	sst s1;
	(tag) =	ssettag s2;
	_ =	strace s9  }
0x27: {  	s1 =	sld [smem:$0x3FAD]  }
0x28: {  	s2 =	sld [smem:$0x3FAE]  }
0x29: {  	s4 =	sld [smem:$0x3FB0]  }
0x2a: {  	p0 =	seq.s32 s5, $0x0;
	s5 =	sld [smem:$0x3FB1]  }
0x2b: {  	s6 =	sld [smem:$0x3FB2]  }
0x2c: {  	s7 =	sld [smem:$0x3FB3]  }
0x2d: {  	s3 =	simm.s32 $0x108;
	s8 =	sld [smem:$0x3FB4]  }
0x2e: {  	s3 =	simm.s32 @!p0 $0x1082;
	s9 =	sld [smem:$0x3FB5]  }
0x2f: {  	lr =	sadd.s32 s0, s3;
	s0 =	sld [smem:$0x3FAC]  }
0x30: {  	s3 =	sld [smem:$0x3FAF]  }
0x31: {  	[smem:$0x3FB8] =	sst s10  }
0x32: {  	s10 =	sld [smem:$0x3FB6];
	_ =	sdelay $0x3  }
0x33: {  	p0 =	seq.s32 s10, $0x1;
	s10 =	sld [smem:$0x3FB8];
	_ =	sdelay $0x3  }
0x34: {  	[smem:$0x3FB8] =	sst s10  }
0x35: {  	s10 =	sld [smem:$0x3FB7];
	_ =	sdelay $0x3  }
0x36: {  	p1 =	seq.s32 s10, $0x1;
	s10 =	sld [smem:$0x3FB8];
	_ =	sdelay $0x3  }
0x37: {  	[smem:$0x3FB8] =	sst s10  }
0x38: {  	s10 =	sld [smem:$0x3FB9]  }
0x39: {  	_ = 	snop;
	(pc) =	sbr.ind lr, $3  }
0x3a: {  	_ = 	snop  }
0x3b: {  	_ = 	snop  }
0x3c: {  	p2 =	seq.s32 s10, $0x1;
	s10 =	sld [smem:$0x3FB8]  }
0x3d: {  	_ =	shalt  }
0x3e: {  	_ =	shalt  }
0x3f: {  	_ =	shalt  }
0x40: {  	_ =	shalt  }
0x41: {  	_ =	shalt  }
0x42: {  	_ =	shalt  }
0x43: {  	_ =	shalt  }
0x44: {  	_ =	shalt  }
0x45: {  	_ =	shalt  }
0x46: {  	_ =	shalt  }
0x47: {  	_ =	shalt  }
0x48: {  	_ =	shalt  }
0x49: {  	_ =	shalt  }
0x4a: {  	_ =	shalt  }
0x4b: {  	_ =	shalt  }
0x4c: {  	_ =	shalt  }
0x4d: {  	_ =	shalt  }
0x4e: {  	_ =	shalt  }
0x4f: {  	_ =	shalt  }
0x50: {  	_ =	shalt  }
0x51: {  	_ =	shalt  }
0x52: {  	_ =	shalt  }
0x53: {  	_ =	shalt  }
0x54: {  	_ =	shalt  }
0x55: {  	_ =	shalt  }
0x56: {  	_ =	shalt  }
0x57: {  	_ =	shalt  }
0x58: {  	_ =	shalt  }
0x59: {  	_ =	shalt  }
0x5a: {  	_ =	shalt  }
0x5b: {  	_ =	shalt  }
0x5c: {  	_ =	shalt  }
0x5d: {  	_ =	shalt  }
0x5e: {  	_ =	shalt  }
0x5f: {  	_ =	shalt  }
0x60: {  	_ =	shalt  }
0x61: {  	_ =	shalt  }
0x62: {  	_ =	shalt  }
0x63: {  	_ =	shalt  }
0x64: {  	_ =	shalt  }
0x65: {  	_ =	shalt  }
0x66: {  	_ =	shalt  }
0x67: {  	_ =	shalt  }
0x68: {  	_ =	shalt  }
0x69: {  	_ =	shalt  }
0x6a: {  	_ =	shalt  }
0x6b: {  	_ =	shalt  }
0x6c: {  	_ =	shalt  }
0x6d: {  	_ =	shalt  }
0x6e: {  	_ =	shalt  }
0x6f: {  	_ =	shalt  }
0x70: {  	_ =	shalt  }
0x71: {  	_ =	shalt  }
0x72: {  	_ =	shalt  }
0x73: {  	_ =	shalt  }
0x74: {  	_ =	shalt  }
0x75: {  	_ =	shalt  }
0x76: {  	_ =	shalt  }
0x77: {  	_ =	shalt  }
0x78: {  	_ =	shalt  }
0x79: {  	_ =	shalt  }
0x7a: {  	_ =	shalt  }
0x7b: {  	_ =	shalt  }
0x7c: {  	_ =	shalt  }
0x7d: {  	_ =	shalt  }
0x7e: {  	_ =	shalt  }
0x7f: {  	_ =	shalt  }
0x80: {  	_ =	shalt  }
0x81: {  	_ =	shalt  }
0x82: {  	_ =	shalt  }
0x83: {  	_ =	shalt  }
0x84: {  	_ =	shalt  }
0x85: {  	_ =	shalt  }
0x86: {  	_ =	shalt  }
0x87: {  	_ =	shalt  }
.Lfunc_end0:
.L_simem_size_0:
called_computation.2_lowered:
.L_overlay_start_0:
0x88: {  	s2 =	sld [smem:$0x3FD9]  }
0x89: {  	s3 =	sld [smem:$0x3FFE];
	_ =	sdelay $0x1  }
0x8a: {  	s1 =	srdreg.scid  }
0x8b: {  	s0 =	sand.u32 $0x1, s1  }
0x8c: {  	s17 =	sshll.u32 s0, $0xA;
	s2 =	sadd.s32 s3, s2  }
0x8d: {  	s2 =	sadd.s32 s2, s17  }
0x8e: {  	[smem:$0x3FC4] =	sst s2  }
0x8f: {  	_ = 	snop  }
0x90: {  	s2 =	sld [smem:$0x3FD0];
	(tm) =	ssettm $0x1  }
0x91: {  	s18 =	sld [smem:$0x3FFB];
	_ =	sdelay $0x3  }
0x92: {  	_ =	strace s18  }
0x93: {  	s3 =	sld [smem:$0x3FFC];
	_ =	sdelay $0x3  }
0x94: {  	_ =	strace s3  }
0x95: {  	s3 =	sld [smem:$0x3FFD];
	_ =	sdelay $0x3  }
0x96: {  	_ =	strace s3  }
0x97: {  	_ =	strace $0x8FFFFFFF  }
0x98: {  	s19 =	sld [smem:$0x3FDB];
	_ =	sdelay $0x1  }
0x99: {  	s4 =	simm.s32 $_scs_section_size  }
0x9a: {  	s5 =	simm.s32 $_size__tile_overlayer_lowered;
	s6 =	simm.s32 $_tile_overlayer_lowered  }
0x9b: {  	s22 =	simm.s32 $0x1BFF;
	s21 =	sshll.u32 s6, $0x1;
	s3 =	sadd.s32 s4, s19  }
0x9c: {  	s7 =	simm.s32 $0x0;
	s20 =	sshll.u32 s5, $0x1;
	s5 =	sadd.s32 s21, s3  }
0x9d: {  	[timem:s7], [sflag:s22] =	dma.local [hbm:s5], s20  }
0x9e: {  	_ =	swait.ge [sflag:s22], s20  }
0x9f: {  	s4 =	ssub.s32 $0x0, s20;
	[sflag:s22] =	ssyncset.done $0x0  }
0xa0: {  	[sflag:s22] =	ssyncadd.s32 s4;
	_ =	sdelay $0x1  }
0xa1: {  	s23 =	simm.s32 $0x1B8B  }
0xa2: {  	_ =	swait.ge [sflag:s23], $0x1  }
0xa3: {  	[sflag:s23] =	ssyncset.done $0x0  }
0xa4: {  	s25 =	simm.s32 $0x1B8E;
	s24 =	sld [smem:$0x3FFE];
	[sflag:s23] =	ssyncadd.s32 $0xFFFFFFFF  }
0xa5: {  	s26 =	simm.s32 $execute0_lowered;
	[smem:$0x3FD2] =	sst s25  }
0xa6: {  	s5 =	sshll.u32 s26, $0x1;
	_ =	strace $0x8000004C;
	[dreg:$0x1] =	wrdreg $0xFFFFFFFF  }
0xa7: {  	s28 =	simm.s32 $_size_execute0_lowered;
	s3 =	sadd.s32 s3, s5;
	[dreg:$0x0] =	wrdreg $0x0  }
0xa8: {  	s5 =	sshll.u32 s28, $0x1;
	[dreg:$0x2] =	wrdreg s3  }
0xa9: {  	[dreg:$0x3] =	wrdreg s5  }
0xaa: {  	[dreg:$0x4] =	wrdreg $0xC0  }
0xab: {  	_ =	task [dreg:s7], $0x5FFFF  }
0xac: {  	[dreg:$0x1] =	wrdreg $0xFFFFFFFF  }
0xad: {  	[dreg:$0x0] =	wrdreg $0x60  }
0xae: {  	[dreg:$0x2] =	wrdreg s24  }
0xaf: {  	[dreg:$0x3] =	wrdreg s2  }
0xb0: {  	[dreg:$0x4] =	wrdreg $0xA8000  }
0xb1: {  	[dreg:$0x5] =	wrdreg $0x9  }
0xb2: {  	_ =	task.clear_ibuf [dreg:s7], $0x6FFFF;
	_ =	strace $0x9000004C  }
0xb3: {  	s29 =	simm.s32 $0x9;
	_ =	strace $0x8000004E  }
0xb4: {  	_ =	swait.ge [sflag:s29], $0x1  }
0xb5: {  	[sflag:s29] =	ssyncadd.s32 $0xFFFFFFFF  }
0xb6: {  	_ =	strace $0x9000004E  }
0xb7: {  	_ =	sfence  }
0xb8: {  	s30 =	sld [smem:$0x0];
	_ =	sdelay $0x2  }
0xb9: {  	s31 =	sshll.u32 s1, $0xD;
	s1 =	sshrl.u32 s1, $0x2  }
0xba: {  	s3 =	sand.u32 $0x4000, s31;
	s1 =	sadd.s32 s1, s30  }
0xbb: {  	s0 =	sor.u32 s3, s0;
	s1 =	sshll.u32 s1, $0x11  }
0xbc: {  	s0 =	sor.u32 s1, s0  }
0xbd: {  	s0 =	sadd.s32 $0x8F2B, s0  }
0xbe: {  	[sflag:s0] =	ssyncadd.remote.s32 $0x1  }
0xbf: {  	_ =	sfence.sel $0xFFFF  }
0xc0: {  	[dreg:$0x0] =	wrdreg $0xFFFFFFFF;
	(pc) =	sbr.abs _section_cstart, $3  }
0xc1: {  	[dreg:$0x1] =	wrdreg $0xFFFFFFFF  }
0xc2: {  	_ =	task.clear_ibuf [dreg:s7], $0x2FFFF;
	_ =	strace $0x9FFFFFFF  }
0xc3: {  	(tm) =	ssettm $0x7FFFFFFF  }
tec
execute0_lowered:
.L_overlay_start_1:
0x0: {  	(tag) =	ssettag $0x1  }
0x1: {  	s0 =	rddreg [dreg:$0x0]  }
0x2: {  	s9 =	rddreg [dreg:$0x1]  }
0x3: {  	s1 =	rddreg [dreg:$0x2];
	s2 =	simm.s32 $0x0  }
0x4: {  	s6 =	srdreg.scid;
	s3 =	stileid.u32;
	s18 =	simm.s32 $0x5  }
0x5: {  	s19 =	simm.s32 $0x1400;
	s20 =	simm.s32 $0x80;
	s21 =	simm.s32 $0x2800  }
0x6: {  	s28 =	simm.s32 $0x100;
	s29 =	simm.s32 $0x4;
	s30 =	simm.s32 $0x0  }
0x7: {  	[smem:$0x7FF] =	sst s2;
	s4 =	sadd.s32 $0x66C00, s0;
	s14 =	smul.u32 $0x4F000, s3  }
0x8: {  	s5 =	sadd.s32 $0x8DE00, s0;
	s12 =	sadd.s32 $0x12C00, s0;
	s7 =	smul.u32 $0x2780, s3  }
0x9: {  	s10 =	sand.u32 $0x1, s6;
	s13 =	sadd.s32 $0xDC00, s0;
	s23 =	smul.u32 $0x2800, s3  }
0xa: {  	s6 =	sadd.s32 $0xB5000, s0;
	s8 =	sadd.s32 $0xDC800, s0;
	s25 =	smul.u32 $0x500, s3  }
0xb: {  	_ =	strace $0x8000004D;
	s11 =	ssub.s32 $0x2, s10;
	p0 =	seq.s32 s10, $0x1  }
0xc: {  	s15 =	sshrl.u32 s11, $0x1;
	s24 =	sshrl.u32 s14, $0x2;
	s9 =	sadd.s32 s9, s7  }
0xd: {  	s26 =	sshrl.u32 s23, $0x3;
	s10 =	sadd.s32 s12, s25;
	s14 =	sshll.u32 s3, $0x6  }
.Ltmp0:
0xe: {  	s23 =	simm.s32 $0x1;
	s22 =	ssub.s32 s11, s15;
	(pc) =	sbr.rel .LBB2_1-.Ltmp0, $4  }
0xf: {  	s17 =	sadd.s32 s24, s1;
	s11 =	sadd.s32 s13, s25;
	s31 =	sadd.s32 $0x280, s26  }
0x10: {  	s16 =	sor.u32 $0x1C03, s14;
	s24 =	simm.s32 $0x6800;
	s25 =	simm.s32 $0x2  }
0x11: {  	s26 =	simm.s32 $0x1480;
	s12 =	sadd.s32 s12, s31;
	s13 =	sadd.s32 s13, s31  }
0x12: {  	s15 =	smax.u32 s22, $0x1;
	s17 =	sshrl.u32 s17, $0x3;
	s22 =	simm.s32 $0x3  }
.LBB2_14:
0x13: {  	s0 =	smov.u32 s8  }
.LBB2_15:
0x14: {  	_ =	swait.ge [sflag:s29], $0x4000  }
0x15: {  	s30 =	sadd.s32 $0x1, s30;
	[sflag:s29] =	ssyncset.done $0x0  }
0x16: {  	s0 =	sadd.s32 s0, s7;
	p1 =	sne.s32 s30, s15;
	[sflag:s29] =	ssyncadd.s32 $0xFFFFC000  }
.Ltmp1:
0x17: {  	s3 =	sor.u32 $0x1C05, s14;
	[bflag:$0x0] =	sbarrier.arrive $0xFFFF;
	(pc) =	sbr.rel @!p1 .LBB2_16-.Ltmp1, $4  }
0x18: {  	[hbm:s0], [sflag:s3] =	dma.local [spmem:s17], $0x2780  }
0x19: {  	_ =	swait.ge [sflag:s18], $0x2780  }
0x1a: {  	[sflag:s18] =	ssyncset.done $0x0  }
0x1b: {  	[sflag:s18] =	ssyncadd.s32 $0xFFFFD880  }
.LBB2_1:
0x1c: {  	[spmem:s17], [sflag:s16] =	dma.local [hbm:s9], $0x2780  }
0x1d: {  	[tilespmem:s2], [sflag:$0x5] =	stream.linear.gather [hbm4b:s10+s2], $0x1400, $0x38;
	[tilespmem:$0x1E400] =	vst v63  }
0x1e: {  	_ =	swait.ge [sflag:s18], $0x1400  }
0x1f: {  	[sflag:s18] =	ssyncset.done $0x0  }
.Ltmp2:
0x20: {  	[sflag:s18] =	ssyncadd.s32 $0xFFFFEC00;
	(pc) =	sbr.rel @!p0 .LBB2_2-.Ltmp2, $4  }
0x21: {  	[tilespmem:s19], [sflag:$0x5] =	stream.linear.gather [hbm4b:s11+s2], $0x1400, $0x38;
	[tilespmem:$0x1E400] =	vst v63  }
0x22: {  	_ =	swait.ge [sflag:s18], $0x1400  }
0x23: {  	[sflag:s18] =	ssyncset.done $0x0  }
0x24: {  	[sflag:s18] =	ssyncadd.s32 $0xFFFFEC00  }
0x25: {  	[tilespmem:s21], [sflag:$0x1] =	stream.indirect.gather [hbm4b:s5+s20], $0x80, s2, s20, $0xb8;
	[tilespmem:$0x1E400] =	vst v63  }
0x26: {  	_ =	swait.ge [sflag:s22], $0x2780  }
0x27: {  	[sflag:s22] =	ssyncset.done $0x0  }
0x28: {  	[sflag:s22] =	ssyncadd.s32 $0xFFFFD880  }
0x29: {  	[bflag:$0x0] =	sbarrier.arrive $0xFFFF  }
0x2a: {  	_ =	swait.ge [sflag:s23], $0x4000  }
0x2b: {  	[sflag:s23] =	ssyncset.done $0x0  }
0x2c: {  	[sflag:s23] =	ssyncadd.s32 $0xFFFFC000  }
0x2d: {  	[spmem:s1] =	stream.indirect.scatter.add.f32 [tilespmem:s21], [sflag:$0x3], $0x80, s19, s20, $0xb8;
	[tilespmem:$0x1E400] =	vst v63  }
0x2e: {  	_ = 	snop  }
0x2f: {  	[tilespmem:s24], [sflag:$0x2] =	stream.indirect.gather [hbm4b:s5+s20], $0x80, s20, s20, $0xb8;
	[tilespmem:$0x1E400] =	vst v63  }
0x30: {  	_ =	swait.ge [sflag:s25], $0x4000  }
0x31: {  	[sflag:s25] =	ssyncset.done $0x0  }
0x32: {  	[sflag:s25] =	ssyncadd.s32 $0xFFFFC000  }
0x33: {  	[spmem:s1] =	stream.indirect.scatter.add.f32 [tilespmem:s24], [sflag:$0x4], $0x80, s26, s20, $0xb8;
	[tilespmem:$0x1E400] =	vst v63  }
0x34: {  	_ =	swait.ge [sflag:s22], $0x4000  }
0x35: {  	[sflag:s22] =	ssyncset.done $0x0  }
0x36: {  	s31 =	simm.s32 $0xFFFFB800;
	[sflag:s22] =	ssyncadd.s32 $0xFFFFC000  }
0x37: {  	[tilespmem:s21], [sflag:$0x1] =	stream.indirect.gather [hbm4b:s5+s20], $0x80, s28, s20, $0xb8;
	[tilespmem:$0x1E400] =	vst v63  }
.LBB2_10:
0x38: {  	_ =	swait.ge [sflag:s23], $0x4000  }
0x39: {  	s0 =	sshra.s32 s31, $0x2;
	[sflag:s23] =	ssyncset.done $0x0  }
0x3a: {  	s3 =	sadd.s32 $0x2700, s0;
	[sflag:s23] =	ssyncadd.s32 $0xFFFFC000  }
0x3b: {  	[spmem:s1] =	stream.indirect.scatter.add.f32 [tilespmem:s21], [sflag:$0x3], $0x80, s3, s20, $0xb8;
	[tilespmem:$0x1E400] =	vst v63  }
0x3c: {  	_ =	swait.ge [sflag:s29], $0x4000  }
0x3d: {  	[sflag:s29] =	ssyncset.done $0x0  }
0x3e: {  	s3 =	sadd.s32 $0x1380, s0;
	[sflag:s29] =	ssyncadd.s32 $0xFFFFC000  }
0x3f: {  	[tilespmem:s24], [sflag:$0x2] =	stream.indirect.gather [hbm4b:s5+s20], $0x80, s3, s20, $0xb8;
	[tilespmem:$0x1E400] =	vst v63  }
0x40: {  	_ =	swait.ge [sflag:s25], $0x4000  }
0x41: {  	p1 =	seq.s32 s31, $0x0;
	[sflag:s25] =	ssyncset.done $0x0  }
.Ltmp3:
0x42: {  	s3 =	sadd.s32 $0x2780, s0;
	[sflag:s25] =	ssyncadd.s32 $0xFFFFC000;
	(pc) =	sbr.rel @p1 .LBB2_12-.Ltmp3, $4  }
0x43: {  	[spmem:s1] =	stream.indirect.scatter.add.f32 [tilespmem:s24], [sflag:$0x4], $0x80, s3, s20, $0xb8;
	[tilespmem:$0x1E400] =	vst v63  }
0x44: {  	_ =	swait.ge [sflag:s22], $0x4000  }
0x45: {  	[sflag:s22] =	ssyncset.done $0x0  }
0x46: {  	[sflag:s22] =	ssyncadd.s32 $0xFFFFC000  }
.Ltmp4:
0x47: {  	(pc) =	sbr.rel .LBB2_10-.Ltmp4, $3  }
0x48: {  	_ =	sdelay $0x1  }
0x49: {  	s0 =	sadd.s32 $0x1400, s0;
	s31 =	sadd.s32 $0x400, s31  }
0x4a: {  	[tilespmem:s21], [sflag:$0x1] =	stream.indirect.gather [hbm4b:s5+s20], $0x80, s0, s20, $0xb8;
	[tilespmem:$0x1E400] =	vst v63  }
.LBB2_2:
0x4b: {  	[tilespmem:s21], [sflag:$0x1] =	stream.indirect.gather [hbm4b:s4+s20], $0x80, s2, s20, $0xb8;
	[tilespmem:$0x1E400] =	vst v63  }
0x4c: {  	_ =	swait.ge [sflag:s22], $0x2780  }
0x4d: {  	[sflag:s22] =	ssyncset.done $0x0  }
0x4e: {  	[sflag:s22] =	ssyncadd.s32 $0xFFFFD880  }
0x4f: {  	[bflag:$0x0] =	sbarrier.arrive $0xFFFF  }
0x50: {  	_ =	swait.ge [sflag:s23], $0x4000  }
0x51: {  	[sflag:s23] =	ssyncset.done $0x0  }
0x52: {  	[sflag:s23] =	ssyncadd.s32 $0xFFFFC000  }
0x53: {  	[spmem:s1] =	stream.indirect.scatter.add.f32 [tilespmem:s21], [sflag:$0x3], $0x80, s19, s20, $0xb8;
	[tilespmem:$0x1E400] =	vst v63  }
0x54: {  	_ = 	snop  }
0x55: {  	[tilespmem:s24], [sflag:$0x2] =	stream.indirect.gather [hbm4b:s4+s20], $0x80, s20, s20, $0xb8;
	[tilespmem:$0x1E400] =	vst v63  }
0x56: {  	_ =	swait.ge [sflag:s25], $0x4000  }
0x57: {  	[sflag:s25] =	ssyncset.done $0x0  }
0x58: {  	[sflag:s25] =	ssyncadd.s32 $0xFFFFC000  }
0x59: {  	[spmem:s1] =	stream.indirect.scatter.add.f32 [tilespmem:s24], [sflag:$0x4], $0x80, s26, s20, $0xb8;
	[tilespmem:$0x1E400] =	vst v63  }
0x5a: {  	_ =	swait.ge [sflag:s22], $0x4000  }
0x5b: {  	[sflag:s22] =	ssyncset.done $0x0  }
0x5c: {  	s31 =	simm.s32 $0xFFFFB800;
	[sflag:s22] =	ssyncadd.s32 $0xFFFFC000  }
0x5d: {  	[tilespmem:s21], [sflag:$0x1] =	stream.indirect.gather [hbm4b:s4+s20], $0x80, s28, s20, $0xb8;
	[tilespmem:$0x1E400] =	vst v63  }
.LBB2_3:
0x5e: {  	_ =	swait.ge [sflag:s23], $0x4000  }
0x5f: {  	s0 =	sshra.s32 s31, $0x2;
	[sflag:s23] =	ssyncset.done $0x0  }
0x60: {  	s3 =	sadd.s32 $0x2700, s0;
	[sflag:s23] =	ssyncadd.s32 $0xFFFFC000  }
0x61: {  	[spmem:s1] =	stream.indirect.scatter.add.f32 [tilespmem:s21], [sflag:$0x3], $0x80, s3, s20, $0xb8;
	[tilespmem:$0x1E400] =	vst v63  }
0x62: {  	_ =	swait.ge [sflag:s29], $0x4000  }
0x63: {  	[sflag:s29] =	ssyncset.done $0x0  }
0x64: {  	s3 =	sadd.s32 $0x1380, s0;
	[sflag:s29] =	ssyncadd.s32 $0xFFFFC000  }
0x65: {  	[tilespmem:s24], [sflag:$0x2] =	stream.indirect.gather [hbm4b:s4+s20], $0x80, s3, s20, $0xb8;
	[tilespmem:$0x1E400] =	vst v63  }
0x66: {  	_ =	swait.ge [sflag:s25], $0x4000  }
0x67: {  	p1 =	seq.s32 s31, $0x0;
	[sflag:s25] =	ssyncset.done $0x0  }
.Ltmp5:
0x68: {  	s3 =	sadd.s32 $0x2780, s0;
	[sflag:s25] =	ssyncadd.s32 $0xFFFFC000;
	(pc) =	sbr.rel @p1 .LBB2_5-.Ltmp5, $4  }
0x69: {  	[spmem:s1] =	stream.indirect.scatter.add.f32 [tilespmem:s24], [sflag:$0x4], $0x80, s3, s20, $0xb8;
	[tilespmem:$0x1E400] =	vst v63  }
0x6a: {  	_ =	swait.ge [sflag:s22], $0x4000  }
0x6b: {  	[sflag:s22] =	ssyncset.done $0x0  }
0x6c: {  	[sflag:s22] =	ssyncadd.s32 $0xFFFFC000  }
.Ltmp6:
0x6d: {  	(pc) =	sbr.rel .LBB2_3-.Ltmp6, $3  }
0x6e: {  	_ =	sdelay $0x1  }
0x6f: {  	s0 =	sadd.s32 $0x1400, s0;
	s31 =	sadd.s32 $0x400, s31  }
0x70: {  	[tilespmem:s21], [sflag:$0x1] =	stream.indirect.gather [hbm4b:s4+s20], $0x80, s0, s20, $0xb8;
	[tilespmem:$0x1E400] =	vst v63  }
.LBB2_12:
0x71: {  	_ =	swait.ge [sflag:s29], $0x4000  }
0x72: {  	[sflag:s29] =	ssyncset.done $0x0  }
0x73: {  	[sflag:s29] =	ssyncadd.s32 $0xFFFFC000  }
0x74: {  	[tilespmem:s2], [sflag:$0x5] =	stream.linear.gather [hbm4b:s12+s2], $0x1400, $0x38;
	[tilespmem:$0x1E400] =	vst v63  }
0x75: {  	_ =	swait.ge [sflag:s18], $0x1400  }
0x76: {  	[sflag:s18] =	ssyncset.done $0x0  }
0x77: {  	[sflag:s18] =	ssyncadd.s32 $0xFFFFEC00  }
0x78: {  	[tilespmem:s19], [sflag:$0x5] =	stream.linear.gather [hbm4b:s13+s2], $0x1400, $0x38;
	[tilespmem:$0x1E400] =	vst v63  }
0x79: {  	_ =	swait.ge [sflag:s18], $0x1400  }
0x7a: {  	[sflag:s18] =	ssyncset.done $0x0  }
0x7b: {  	[sflag:s18] =	ssyncadd.s32 $0xFFFFEC00  }
0x7c: {  	[tilespmem:s21], [sflag:$0x1] =	stream.indirect.gather [hbm4b:s5+s20], $0x80, s2, s20, $0xb8;
	[tilespmem:$0x1E400] =	vst v63  }
0x7d: {  	_ =	swait.ge [sflag:s23], $0x4000  }
0x7e: {  	[sflag:s23] =	ssyncset.done $0x0  }
0x7f: {  	[sflag:s23] =	ssyncadd.s32 $0xFFFFC000  }
0x80: {  	[spmem:s1] =	stream.indirect.scatter.add.f32 [tilespmem:s21], [sflag:$0x3], $0x80, s19, s20, $0xb8;
	[tilespmem:$0x1E400] =	vst v63  }
0x81: {  	_ = 	snop  }
0x82: {  	[tilespmem:s24], [sflag:$0x2] =	stream.indirect.gather [hbm4b:s5+s20], $0x80, s20, s20, $0xb8;
	[tilespmem:$0x1E400] =	vst v63  }
0x83: {  	_ =	swait.ge [sflag:s25], $0x4000  }
0x84: {  	[sflag:s25] =	ssyncset.done $0x0  }
0x85: {  	[sflag:s25] =	ssyncadd.s32 $0xFFFFC000  }
0x86: {  	[spmem:s1] =	stream.indirect.scatter.add.f32 [tilespmem:s24], [sflag:$0x4], $0x80, s26, s20, $0xb8;
	[tilespmem:$0x1E400] =	vst v63  }
0x87: {  	_ =	swait.ge [sflag:s22], $0x4000  }
0x88: {  	[sflag:s22] =	ssyncset.done $0x0  }
0x89: {  	s31 =	simm.s32 $0xFFFFB800;
	[sflag:s22] =	ssyncadd.s32 $0xFFFFC000  }
0x8a: {  	[tilespmem:s21], [sflag:$0x1] =	stream.indirect.gather [hbm4b:s5+s20], $0x80, s28, s20, $0xb8;
	[tilespmem:$0x1E400] =	vst v63  }
.LBB2_13:
0x8b: {  	_ =	swait.ge [sflag:s23], $0x4000  }
0x8c: {  	s0 =	sshra.s32 s31, $0x2;
	[sflag:s23] =	ssyncset.done $0x0  }
0x8d: {  	s3 =	sadd.s32 $0x2700, s0;
	[sflag:s23] =	ssyncadd.s32 $0xFFFFC000  }
0x8e: {  	[spmem:s1] =	stream.indirect.scatter.add.f32 [tilespmem:s21], [sflag:$0x3], $0x80, s3, s20, $0xb8;
	[tilespmem:$0x1E400] =	vst v63  }
0x8f: {  	_ =	swait.ge [sflag:s29], $0x4000  }
0x90: {  	[sflag:s29] =	ssyncset.done $0x0  }
0x91: {  	s3 =	sadd.s32 $0x1380, s0;
	[sflag:s29] =	ssyncadd.s32 $0xFFFFC000  }
0x92: {  	[tilespmem:s24], [sflag:$0x2] =	stream.indirect.gather [hbm4b:s5+s20], $0x80, s3, s20, $0xb8;
	[tilespmem:$0x1E400] =	vst v63  }
0x93: {  	_ =	swait.ge [sflag:s25], $0x4000  }
0x94: {  	p1 =	seq.s32 s31, $0x0;
	[sflag:s25] =	ssyncset.done $0x0  }
.Ltmp7:
0x95: {  	s3 =	sadd.s32 $0x2780, s0;
	[sflag:s25] =	ssyncadd.s32 $0xFFFFC000;
	(pc) =	sbr.rel @p1 .LBB2_14-.Ltmp7, $4  }
0x96: {  	[spmem:s1] =	stream.indirect.scatter.add.f32 [tilespmem:s24], [sflag:$0x4], $0x80, s3, s20, $0xb8;
	[tilespmem:$0x1E400] =	vst v63  }
0x97: {  	_ =	swait.ge [sflag:s22], $0x4000  }
0x98: {  	[sflag:s22] =	ssyncset.done $0x0  }
0x99: {  	[sflag:s22] =	ssyncadd.s32 $0xFFFFC000  }
.Ltmp8:
0x9a: {  	(pc) =	sbr.rel .LBB2_13-.Ltmp8, $3  }
0x9b: {  	_ =	sdelay $0x1  }
0x9c: {  	s0 =	sadd.s32 $0x1400, s0;
	s31 =	sadd.s32 $0x400, s31  }
0x9d: {  	[tilespmem:s21], [sflag:$0x1] =	stream.indirect.gather [hbm4b:s5+s20], $0x80, s0, s20, $0xb8;
	[tilespmem:$0x1E400] =	vst v63  }
.LBB2_5:
0x9e: {  	_ =	swait.ge [sflag:s29], $0x4000  }
0x9f: {  	[sflag:s29] =	ssyncset.done $0x0  }
0xa0: {  	[sflag:s29] =	ssyncadd.s32 $0xFFFFC000  }
0xa1: {  	[tilespmem:s2], [sflag:$0x5] =	stream.linear.gather [hbm4b:s12+s2], $0x1400, $0x38;
	[tilespmem:$0x1E400] =	vst v63  }
0xa2: {  	_ =	swait.ge [sflag:s18], $0x1400  }
0xa3: {  	[sflag:s18] =	ssyncset.done $0x0  }
0xa4: {  	[sflag:s18] =	ssyncadd.s32 $0xFFFFEC00  }
0xa5: {  	[tilespmem:s19], [sflag:$0x5] =	stream.linear.gather [hbm4b:s13+s2], $0x1400, $0x38;
	[tilespmem:$0x1E400] =	vst v63  }
0xa6: {  	_ =	swait.ge [sflag:s18], $0x1400  }
0xa7: {  	[sflag:s18] =	ssyncset.done $0x0  }
0xa8: {  	[sflag:s18] =	ssyncadd.s32 $0xFFFFEC00  }
0xa9: {  	[tilespmem:s21], [sflag:$0x1] =	stream.indirect.gather [hbm4b:s4+s20], $0x80, s2, s20, $0xb8;
	[tilespmem:$0x1E400] =	vst v63  }
0xaa: {  	_ =	swait.ge [sflag:s23], $0x4000  }
0xab: {  	[sflag:s23] =	ssyncset.done $0x0  }
0xac: {  	[sflag:s23] =	ssyncadd.s32 $0xFFFFC000  }
0xad: {  	[spmem:s1] =	stream.indirect.scatter.add.f32 [tilespmem:s21], [sflag:$0x3], $0x80, s19, s20, $0xb8;
	[tilespmem:$0x1E400] =	vst v63  }
0xae: {  	_ = 	snop  }
0xaf: {  	[tilespmem:s24], [sflag:$0x2] =	stream.indirect.gather [hbm4b:s4+s20], $0x80, s20, s20, $0xb8;
	[tilespmem:$0x1E400] =	vst v63  }
0xb0: {  	_ =	swait.ge [sflag:s25], $0x4000  }
0xb1: {  	[sflag:s25] =	ssyncset.done $0x0  }
0xb2: {  	[sflag:s25] =	ssyncadd.s32 $0xFFFFC000  }
0xb3: {  	[spmem:s1] =	stream.indirect.scatter.add.f32 [tilespmem:s24], [sflag:$0x4], $0x80, s26, s20, $0xb8;
	[tilespmem:$0x1E400] =	vst v63  }
0xb4: {  	_ =	swait.ge [sflag:s22], $0x4000  }
0xb5: {  	[sflag:s22] =	ssyncset.done $0x0  }
0xb6: {  	s31 =	simm.s32 $0xFFFFB800;
	[sflag:s22] =	ssyncadd.s32 $0xFFFFC000  }
0xb7: {  	[tilespmem:s21], [sflag:$0x1] =	stream.indirect.gather [hbm4b:s4+s20], $0x80, s28, s20, $0xb8;
	[tilespmem:$0x1E400] =	vst v63  }
.LBB2_6:
0xb8: {  	_ =	swait.ge [sflag:s23], $0x4000  }
0xb9: {  	s0 =	sshra.s32 s31, $0x2;
	[sflag:s23] =	ssyncset.done $0x0  }
0xba: {  	s3 =	sadd.s32 $0x2700, s0;
	[sflag:s23] =	ssyncadd.s32 $0xFFFFC000  }
0xbb: {  	[spmem:s1] =	stream.indirect.scatter.add.f32 [tilespmem:s21], [sflag:$0x3], $0x80, s3, s20, $0xb8;
	[tilespmem:$0x1E400] =	vst v63  }
0xbc: {  	_ =	swait.ge [sflag:s29], $0x4000  }
0xbd: {  	[sflag:s29] =	ssyncset.done $0x0  }
0xbe: {  	s3 =	sadd.s32 $0x1380, s0;
	[sflag:s29] =	ssyncadd.s32 $0xFFFFC000  }
0xbf: {  	[tilespmem:s24], [sflag:$0x2] =	stream.indirect.gather [hbm4b:s4+s20], $0x80, s3, s20, $0xb8;
	[tilespmem:$0x1E400] =	vst v63  }
0xc0: {  	_ =	swait.ge [sflag:s25], $0x4000  }
0xc1: {  	p1 =	seq.s32 s31, $0x0;
	[sflag:s25] =	ssyncset.done $0x0  }
.Ltmp9:
0xc2: {  	s3 =	sadd.s32 $0x2780, s0;
	[sflag:s25] =	ssyncadd.s32 $0xFFFFC000;
	(pc) =	sbr.rel @p1 .LBB2_7-.Ltmp9, $4  }
0xc3: {  	[spmem:s1] =	stream.indirect.scatter.add.f32 [tilespmem:s24], [sflag:$0x4], $0x80, s3, s20, $0xb8;
	[tilespmem:$0x1E400] =	vst v63  }
0xc4: {  	_ =	swait.ge [sflag:s22], $0x4000  }
0xc5: {  	[sflag:s22] =	ssyncset.done $0x0  }
0xc6: {  	[sflag:s22] =	ssyncadd.s32 $0xFFFFC000  }
.Ltmp10:
0xc7: {  	(pc) =	sbr.rel .LBB2_6-.Ltmp10, $3  }
0xc8: {  	_ =	sdelay $0x1  }
0xc9: {  	s0 =	sadd.s32 $0x1400, s0;
	s31 =	sadd.s32 $0x400, s31  }
0xca: {  	[tilespmem:s21], [sflag:$0x1] =	stream.indirect.gather [hbm4b:s4+s20], $0x80, s0, s20, $0xb8;
	[tilespmem:$0x1E400] =	vst v63  }
.LBB2_7:
.Ltmp11:
0xcb: {  	(pc) =	sbr.rel .LBB2_15-.Ltmp11, $2  }
0xcc: {  	_ =	sdelay $0x2  }
0xcd: {  	s0 =	smov.u32 s6  }
.LBB2_16:
0xce: {  	_ =	sfence.sel $0x180000  }
0xcf: {  	[bflag:$0x0] =	sbarrier.arrive $0xFFFF  }
0xd0: {  	_ =	strace $0x9000004D  }
0xd1: {  	s0 =	stileid.u32;
	[bflag:$0x2] =	sbarrier.arrive $0xFFFF  }
0xd2: {  	p0 =	sne.s32 s0, $0x0;
	s0 =	rddreg [dreg:$0x3]  }
0xd3: {  	s0 =	sadd.s32 @!p0 $0x100000, s0  }
0xd4: {  	[sflag:s0] =	ssyncadd.tile.s32 @!p0 $0x1;
	_ =	shalt  }
.Lfunc_end2:
_tile_overlayer_lowered:
.L_overlay_start_2:
0xd5: {  	(tag) =	ssettag $0x2  }
0xd6: {  	s0 =	rddreg [dreg:$0x0];
	s2 =	stileid.u32  }
0xd7: {  	s1 =	rddreg [dreg:$0x1];
	p0 =	sne.s32 s2, $0x0  }
0xd8: {  	s3 =	rddreg [dreg:$0x2];
	[bflag:$0x3] =	sbarrier.arrive $0xFFFF;
	s2 =	simm.s32 @!p0 $0x1C05  }
0xd9: {  	[timem:s3], [sflag:s2] =	dma.local @!p0 [hbm:s0], s1  }
0xda: {  	s0 =	simm.s32 @!p0 $0x5  }
0xdb: {  	_ =	swait.ge @!p0 [sflag:s0], s1  }
0xdc: {  	s1 =	ssub.s32 @!p0 $0x0, s1;
	[sflag:s0] =	ssyncset.done @!p0 $0x0  }
0xdd: {  	[sflag:s0] =	ssyncadd.s32 @!p0 s1  }
0xde: {  	[bflag:$0x3] =	sbarrier.arrive $0xFFFF  }
0xdf: {  	_ =	shalt  }

// kernel: kernel.8.cloned.1.call-start
scs
__scs_entry_jumppad:
0x0: {  	(pc) =	sbr.rel $0x88, $3  }
0x1: {  	(tag) =	ssettag $0x0;
	lr =	simm.s32 $0x1  }
0x2: {  	[smem:$0x3F9D] =	sst lr;
	_ =	strace $0xD0000000  }
0x3: {  	_ = 	snop  }
0x4: {  	_ = 	snop  }
0x5: {  	_ = 	snop  }
0x6: {  	_ = 	snop  }
0x7: {  	_ = 	snop  }
__scs_overlays_trampoline_lowered:
0x8: {  	[smem:$0x3FAC] =	sst s0  }
0x9: {  	[smem:$0x3FAD] =	sst s1  }
0xa: {  	[smem:$0x3FAE] =	sst s2  }
0xb: {  	[smem:$0x3FAF] =	sst s3  }
0xc: {  	[smem:$0x3FB0] =	sst s4  }
0xd: {  	[smem:$0x3FB1] =	sst s5  }
0xe: {  	[smem:$0x3FB2] =	sst s6  }
0xf: {  	[smem:$0x3FB3] =	sst s7  }
0x10: {  	[smem:$0x3FB4] =	sst s8  }
0x11: {  	[smem:$0x3FB5] =	sst s9;
	s0 =	simm.s32 @!p0 $0x0  }
0x12: {  	s1 =	sld [smem:$0x3F9B];
	s0 =	simm.s32 @p0 $0x1  }
0x13: {  	[smem:$0x3FB6] =	sst s0;
	s0 =	simm.s32 @!p1 $0x0  }
0x14: {  	s2 =	sld [smem:$0x3F9A];
	s0 =	simm.s32 @p1 $0x1  }
0x15: {  	[smem:$0x3FB7] =	sst s0;
	s0 =	simm.s32 @!p2 $0x0  }
0x16: {  	s3 =	sld [smem:$0x3FDB];
	s0 =	simm.s32 @p2 $0x1  }
0x17: {  	s4 =	simm.s32 $0x1BF5;
	[smem:$0x3FB9] =	sst s0  }
0x18: {  	s0 =	sld [smem:$0x3F9C];
	_ =	swait.ge [sflag:s4], $0x0  }
0x19: {  	s7 =	sld [smem:$0x3F9D]  }
0x1a: {  	s8 =	sadd.s32 $0xFFFFE003, lr  }
0x1b: {  	s9 =	sadd.s32 $0xFFFFFEF7, lr;
	s5 =	simm.s32 $0xFFFFFFFF;
	p2 =	slt.u32 s8, $0xFFFFF086  }
0x1c: {  	p1 =	slt.u32 s9, $0xF7A;
	s5 =	simm.s32 @!p2 $0x0  }
0x1d: {  	s5 =	simm.s32 @p1 $0x1;
	p0 =	seq.s32 s7, s2  }
0x1e: {  	s7 =	smul.u32 @!p0 $0xF7A, s2;
	p2 =	seq.s32 @!p0 s5, $0x0  }
0x1f: {  	s9 =	smul.u32 $0xF7A, s1;
	s8 =	simm.s32 @!p0 $0x1BF5;
	p2 =	por !p2, p0  }
0x20: {  	[sflag:s8] =	ssyncset.s32 @!p0 $0xFFFFF086;
	s6 =	sadd.s32 @!p0 s3, s7;
	s7 =	simm.s32 @!p0 $0x108  }
0x21: {  	s3 =	sadd.s32 s3, s9;
	s6 =	sadd.s32 @!p0 $0x88, s6;
	s7 =	simm.s32 @p2 $0x1082  }
0x22: {  	[simem:s7], [sflag:s8] =	dma.local @!p0 [hbm:s6], $0xF7A  }
0x23: {  	s9 =	sor.u32 $0xD0000000, s2;
	s6 =	simm.s32 $0x108;
	_ =	swait.ge @!p0 [sflag:s8], $0x0  }
0x24: {  	s3 =	sadd.s32 $0x88, s3;
	s6 =	simm.s32 @!p1 $0x1082;
	[sflag:s4] =	ssyncset.s32 $0xFFFFF086  }
0x25: {  	[simem:s6], [sflag:s4] =	dma.local [hbm:s3], $0xF7A  }
0x26: {  	[smem:$0x3F9D] =	sst s1;
	(tag) =	ssettag s2;
	_ =	strace s9  }
0x27: {  	s1 =	sld [smem:$0x3FAD]  }
0x28: {  	s2 =	sld [smem:$0x3FAE]  }
0x29: {  	s4 =	sld [smem:$0x3FB0]  }
0x2a: {  	p0 =	seq.s32 s5, $0x0;
	s5 =	sld [smem:$0x3FB1]  }
0x2b: {  	s6 =	sld [smem:$0x3FB2]  }
0x2c: {  	s7 =	sld [smem:$0x3FB3]  }
0x2d: {  	s3 =	simm.s32 $0x108;
	s8 =	sld [smem:$0x3FB4]  }
0x2e: {  	s3 =	simm.s32 @!p0 $0x1082;
	s9 =	sld [smem:$0x3FB5]  }
0x2f: {  	lr =	sadd.s32 s0, s3;
	s0 =	sld [smem:$0x3FAC]  }
0x30: {  	s3 =	sld [smem:$0x3FAF]  }
0x31: {  	[smem:$0x3FB8] =	sst s10  }
0x32: {  	s10 =	sld [smem:$0x3FB6];
	_ =	sdelay $0x3  }
0x33: {  	p0 =	seq.s32 s10, $0x1;
	s10 =	sld [smem:$0x3FB8];
	_ =	sdelay $0x3  }
0x34: {  	[smem:$0x3FB8] =	sst s10  }
0x35: {  	s10 =	sld [smem:$0x3FB7];
	_ =	sdelay $0x3  }
0x36: {  	p1 =	seq.s32 s10, $0x1;
	s10 =	sld [smem:$0x3FB8];
	_ =	sdelay $0x3  }
0x37: {  	[smem:$0x3FB8] =	sst s10  }
0x38: {  	s10 =	sld [smem:$0x3FB9]  }
0x39: {  	_ = 	snop;
	(pc) =	sbr.ind lr, $3  }
0x3a: {  	_ = 	snop  }
0x3b: {  	_ = 	snop  }
0x3c: {  	p2 =	seq.s32 s10, $0x1;
	s10 =	sld [smem:$0x3FB8]  }
0x3d: {  	_ =	shalt  }
0x3e: {  	_ =	shalt  }
0x3f: {  	_ =	shalt  }
0x40: {  	_ =	shalt  }
0x41: {  	_ =	shalt  }
0x42: {  	_ =	shalt  }
0x43: {  	_ =	shalt  }
0x44: {  	_ =	shalt  }
0x45: {  	_ =	shalt  }
0x46: {  	_ =	shalt  }
0x47: {  	_ =	shalt  }
0x48: {  	_ =	shalt  }
0x49: {  	_ =	shalt  }
0x4a: {  	_ =	shalt  }
0x4b: {  	_ =	shalt  }
0x4c: {  	_ =	shalt  }
0x4d: {  	_ =	shalt  }
0x4e: {  	_ =	shalt  }
0x4f: {  	_ =	shalt  }
0x50: {  	_ =	shalt  }
0x51: {  	_ =	shalt  }
0x52: {  	_ =	shalt  }
0x53: {  	_ =	shalt  }
0x54: {  	_ =	shalt  }
0x55: {  	_ =	shalt  }
0x56: {  	_ =	shalt  }
0x57: {  	_ =	shalt  }
0x58: {  	_ =	shalt  }
0x59: {  	_ =	shalt  }
0x5a: {  	_ =	shalt  }
0x5b: {  	_ =	shalt  }
0x5c: {  	_ =	shalt  }
0x5d: {  	_ =	shalt  }
0x5e: {  	_ =	shalt  }
0x5f: {  	_ =	shalt  }
0x60: {  	_ =	shalt  }
0x61: {  	_ =	shalt  }
0x62: {  	_ =	shalt  }
0x63: {  	_ =	shalt  }
0x64: {  	_ =	shalt  }
0x65: {  	_ =	shalt  }
0x66: {  	_ =	shalt  }
0x67: {  	_ =	shalt  }
0x68: {  	_ =	shalt  }
0x69: {  	_ =	shalt  }
0x6a: {  	_ =	shalt  }
0x6b: {  	_ =	shalt  }
0x6c: {  	_ =	shalt  }
0x6d: {  	_ =	shalt  }
0x6e: {  	_ =	shalt  }
0x6f: {  	_ =	shalt  }
0x70: {  	_ =	shalt  }
0x71: {  	_ =	shalt  }
0x72: {  	_ =	shalt  }
0x73: {  	_ =	shalt  }
0x74: {  	_ =	shalt  }
0x75: {  	_ =	shalt  }
0x76: {  	_ =	shalt  }
0x77: {  	_ =	shalt  }
0x78: {  	_ =	shalt  }
0x79: {  	_ =	shalt  }
0x7a: {  	_ =	shalt  }
0x7b: {  	_ =	shalt  }
0x7c: {  	_ =	shalt  }
0x7d: {  	_ =	shalt  }
0x7e: {  	_ =	shalt  }
0x7f: {  	_ =	shalt  }
0x80: {  	_ =	shalt  }
0x81: {  	_ =	shalt  }
0x82: {  	_ =	shalt  }
0x83: {  	_ =	shalt  }
0x84: {  	_ =	shalt  }
0x85: {  	_ =	shalt  }
0x86: {  	_ =	shalt  }
0x87: {  	_ =	shalt  }
.Lfunc_end0:
.L_simem_size_0:
called_computation_lowered:
.L_overlay_start_0:
0x88: {  	s2 =	sld [smem:$0x3FD9]  }
0x89: {  	s3 =	sld [smem:$0x3FFE];
	_ =	sdelay $0x1  }
0x8a: {  	s1 =	srdreg.scid  }
0x8b: {  	s0 =	sand.u32 $0x1, s1  }
0x8c: {  	s17 =	sshll.u32 s0, $0xA;
	s2 =	sadd.s32 s3, s2  }
0x8d: {  	s2 =	sadd.s32 s2, s17  }
0x8e: {  	[smem:$0x3FC4] =	sst s2  }
0x8f: {  	_ = 	snop  }
0x90: {  	s2 =	sld [smem:$0x3FD0];
	(tm) =	ssettm $0x1  }
0x91: {  	s18 =	sld [smem:$0x3FFB];
	_ =	sdelay $0x3  }
0x92: {  	_ =	strace s18  }
0x93: {  	s3 =	sld [smem:$0x3FFC];
	_ =	sdelay $0x3  }
0x94: {  	_ =	strace s3  }
0x95: {  	s3 =	sld [smem:$0x3FFD];
	_ =	sdelay $0x3  }
0x96: {  	_ =	strace s3  }
0x97: {  	_ =	strace $0x8FFFFFFF  }
0x98: {  	s19 =	sld [smem:$0x3FDB];
	_ =	sdelay $0x1  }
0x99: {  	s4 =	simm.s32 $_scs_section_size  }
0x9a: {  	s5 =	simm.s32 $_size__tile_overlayer_lowered;
	s6 =	simm.s32 $_tile_overlayer_lowered  }
0x9b: {  	s22 =	simm.s32 $0x1BFF;
	s21 =	sshll.u32 s6, $0x1;
	s3 =	sadd.s32 s4, s19  }
0x9c: {  	s7 =	simm.s32 $0x0;
	s20 =	sshll.u32 s5, $0x1;
	s5 =	sadd.s32 s21, s3  }
0x9d: {  	[timem:s7], [sflag:s22] =	dma.local [hbm:s5], s20  }
0x9e: {  	_ =	swait.ge [sflag:s22], s20  }
0x9f: {  	s4 =	ssub.s32 $0x0, s20;
	[sflag:s22] =	ssyncset.done $0x0  }
0xa0: {  	[sflag:s22] =	ssyncadd.s32 s4;
	_ =	sdelay $0x1  }
0xa1: {  	s23 =	simm.s32 $0x1B8B  }
0xa2: {  	_ =	swait.ge [sflag:s23], $0x1  }
0xa3: {  	[sflag:s23] =	ssyncset.done $0x0  }
0xa4: {  	s25 =	simm.s32 $0x1B8E;
	s24 =	sld [smem:$0x3FFE];
	[sflag:s23] =	ssyncadd.s32 $0xFFFFFFFF  }
0xa5: {  	s26 =	simm.s32 $execute0_lowered;
	[smem:$0x3FD2] =	sst s25  }
0xa6: {  	s5 =	sshll.u32 s26, $0x1;
	_ =	strace $0x80000046;
	[dreg:$0x1] =	wrdreg $0xFFFFFFFF  }
0xa7: {  	s28 =	simm.s32 $_size_execute0_lowered;
	s3 =	sadd.s32 s3, s5;
	[dreg:$0x0] =	wrdreg $0x0  }
0xa8: {  	s5 =	sshll.u32 s28, $0x1;
	[dreg:$0x2] =	wrdreg s3  }
0xa9: {  	[dreg:$0x3] =	wrdreg s5  }
0xaa: {  	[dreg:$0x4] =	wrdreg $0xC0  }
0xab: {  	_ =	task [dreg:s7], $0x5FFFF  }
0xac: {  	[dreg:$0x1] =	wrdreg $0xFFFFFFFF  }
0xad: {  	[dreg:$0x0] =	wrdreg $0x60  }
0xae: {  	[dreg:$0x2] =	wrdreg s24  }
0xaf: {  	[dreg:$0x3] =	wrdreg s2  }
0xb0: {  	[dreg:$0x4] =	wrdreg $0x1C000  }
0xb1: {  	[dreg:$0x5] =	wrdreg $0x9  }
0xb2: {  	_ =	task.clear_ibuf [dreg:s7], $0x6FFFF;
	_ =	strace $0x90000046  }
0xb3: {  	s29 =	simm.s32 $0x9;
	_ =	strace $0x80000048  }
0xb4: {  	_ =	swait.ge [sflag:s29], $0x1  }
0xb5: {  	[sflag:s29] =	ssyncadd.s32 $0xFFFFFFFF  }
0xb6: {  	_ =	strace $0x90000048  }
0xb7: {  	_ =	sfence  }
0xb8: {  	s30 =	sld [smem:$0x0];
	_ =	sdelay $0x2  }
0xb9: {  	s31 =	sshll.u32 s1, $0xD;
	s1 =	sshrl.u32 s1, $0x2  }
0xba: {  	s3 =	sand.u32 $0x4000, s31;
	s1 =	sadd.s32 s1, s30  }
0xbb: {  	s0 =	sor.u32 s3, s0;
	s1 =	sshll.u32 s1, $0x11  }
0xbc: {  	s0 =	sor.u32 s1, s0  }
0xbd: {  	s0 =	sadd.s32 $0x8F2B, s0  }
0xbe: {  	[sflag:s0] =	ssyncadd.remote.s32 $0x1  }
0xbf: {  	_ =	sfence.sel $0xFFFF  }
0xc0: {  	[dreg:$0x0] =	wrdreg $0xFFFFFFFF;
	(pc) =	sbr.abs _section_cstart, $3  }
0xc1: {  	[dreg:$0x1] =	wrdreg $0xFFFFFFFF  }
0xc2: {  	_ =	task.clear_ibuf [dreg:s7], $0x2FFFF;
	_ =	strace $0x9FFFFFFF  }
0xc3: {  	(tm) =	ssettm $0x7FFFFFFF  }
tec
execute0_lowered:
.L_overlay_start_1:
0x0: {  	(tag) =	ssettag $0x1  }
0x1: {  	s0 =	rddreg [dreg:$0x0];
	s1 =	srdreg.scid  }
0x2: {  	s11 =	stileid.u32;
	s8 =	rddreg [dreg:$0x1]  }
0x3: {  	s2 =	rddreg [dreg:$0x2];
	s12 =	simm.s32 $0x1400;
	s13 =	simm.s32 $0x80  }
0x4: {  	s17 =	simm.s32 $0xC00;
	s18 =	simm.s32 $0xC80;
	s19 =	simm.s32 $0xD00  }
0x5: {  	s20 =	simm.s32 $0xD80;
	s21 =	simm.s32 $0xE00;
	s22 =	simm.s32 $0xE80  }
0x6: {  	s23 =	simm.s32 $0xF00;
	s24 =	simm.s32 $0xF80;
	s28 =	simm.s32 $0x1100  }
0x7: {  	s29 =	simm.s32 $0x1180;
	s30 =	simm.s32 $0x1200;
	s31 =	simm.s32 $0x1280  }
0x8: {  	s14 =	simm.s32 $0x1;
	s15 =	simm.s32 $0x0;
	s1 =	sand.u32 $0x1, s1  }
0x9: {  	s3 =	sshll.u32 s11, $0x1;
	s5 =	smul.u32 $0x2780, s11;
	s26 =	sshll.u32 s11, $0x6  }
0xa: {  	s4 =	sor.u32 s1, s3;
	s9 =	ssub.s32 $0x2, s1;
	s1 =	smul.u32 $0x27800, s1  }
0xb: {  	s11 =	simm.s32 $0x2;
	s3 =	simm.s32 $0x0;
	s4 =	smul.u32 $0x280, s4  }
0xc: {  	[smem:$0x7FF] =	sst s3;
	s6 =	sshrl.u32 s5, $0x3;
	s25 =	sshrl.u32 s9, $0x1  }
0xd: {  	s10 =	sadd.s32 s5, s2;
	_ =	strace $0x80000047;
	s9 =	ssub.s32 s9, s25  }
0xe: {  	s1 =	sadd.s32 s5, s1;
	s10 =	sshrl.u32 s10, $0x3;
	s25 =	simm.s32 $0x1000  }
0xf: {  	s7 =	sadd.s32 s4, s0;
	s4 =	sadd.s32 $0x8A00, s0;
	s0 =	sadd.s32 s6, s0  }
0x10: {  	s1 =	sshrl.u32 s1, $0x3;
	s6 =	sor.u32 $0x1C02, s26;
	s9 =	smax.u32 s9, $0x1  }
0x11: {  	s26 =	simm.s32 $0x1080;
	s5 =	sadd.s32 $0x8C00, s0;
	s7 =	sadd.s32 $0x3A00, s7  }
0x12: {  	s8 =	sadd.s32 s8, s1;
	s1 =	simm.s32 $0x1300;
	s0 =	simm.s32 $0x1380  }
.LBB2_1:
0x13: {  	[spmem:s10], [sflag:s6] =	dma.local [hbm:s5], $0x4F0  }
0x14: {  	_ =	swait.ge [sflag:s11], $0x4F0  }
0x15: {  	[sflag:s11] =	ssyncset.done $0x0  }
0x16: {  	[sflag:s11] =	ssyncadd.s32 $0xFFFFFB10  }
0x17: {  	[tilespmem:s12], [sflag:$0x2] =	stream.linear.gather [hbm4b:s4+s3], $0x800, $0x38;
	[tilespmem:$0x4380] =	vst v63  }
0x18: {  	_ =	swait.ge [sflag:s11], $0x800  }
0x19: {  	[sflag:s11] =	ssyncset.done $0x0  }
0x1a: {  	[sflag:s11] =	ssyncadd.s32 $0xFFFFF800  }
0x1b: {  	[tilespmem:s3], [sflag:$0x2] =	stream.linear.gather [hbm4b:s7+s3], $0x1400, $0x38;
	[tilespmem:$0x4380] =	vst v63  }
0x1c: {  	_ =	swait.ge [sflag:s11], $0x1400  }
0x1d: {  	[sflag:s11] =	ssyncset.done $0x0  }
0x1e: {  	[sflag:s11] =	ssyncadd.s32 $0xFFFFEC00  }
0x1f: {  	[bflag:$0x0] =	sbarrier.arrive $0xFFFF  }
0x20: {  	[spmem:s2] =	stream.indirect.scatter.add.f32 [tilespmem:s12], [sflag:$0x1], $0x10, s3, s13, $0xb8;
	[tilespmem:$0x4380] =	vst v63  }
0x21: {  	_ = 	snop  }
0x22: {  	[spmem:s2] =	stream.indirect.scatter.add.f32 [tilespmem:s12], [sflag:$0x1], $0x10, s13, s13, $0xb8;
	[tilespmem:$0x4380] =	vst v63  }
0x23: {  	s16 =	simm.s32 $0x100  }
0x24: {  	[spmem:s2] =	stream.indirect.scatter.add.f32 [tilespmem:s12], [sflag:$0x1], $0x10, s16, s13, $0xb8;
	[tilespmem:$0x4380] =	vst v63  }
0x25: {  	s16 =	simm.s32 $0x180  }
0x26: {  	[spmem:s2] =	stream.indirect.scatter.add.f32 [tilespmem:s12], [sflag:$0x1], $0x10, s16, s13, $0xb8;
	[tilespmem:$0x4380] =	vst v63  }
0x27: {  	s16 =	simm.s32 $0x200  }
0x28: {  	[spmem:s2] =	stream.indirect.scatter.add.f32 [tilespmem:s12], [sflag:$0x1], $0x10, s16, s13, $0xb8;
	[tilespmem:$0x4380] =	vst v63  }
0x29: {  	s16 =	simm.s32 $0x280  }
0x2a: {  	[spmem:s2] =	stream.indirect.scatter.add.f32 [tilespmem:s12], [sflag:$0x1], $0x10, s16, s13, $0xb8;
	[tilespmem:$0x4380] =	vst v63  }
0x2b: {  	s16 =	simm.s32 $0x300  }
0x2c: {  	[spmem:s2] =	stream.indirect.scatter.add.f32 [tilespmem:s12], [sflag:$0x1], $0x10, s16, s13, $0xb8;
	[tilespmem:$0x4380] =	vst v63  }
0x2d: {  	s16 =	simm.s32 $0x380  }
0x2e: {  	[spmem:s2] =	stream.indirect.scatter.add.f32 [tilespmem:s12], [sflag:$0x1], $0x10, s16, s13, $0xb8;
	[tilespmem:$0x4380] =	vst v63  }
0x2f: {  	s16 =	simm.s32 $0x400  }
0x30: {  	[spmem:s2] =	stream.indirect.scatter.add.f32 [tilespmem:s12], [sflag:$0x1], $0x10, s16, s13, $0xb8;
	[tilespmem:$0x4380] =	vst v63  }
0x31: {  	s16 =	simm.s32 $0x480  }
0x32: {  	[spmem:s2] =	stream.indirect.scatter.add.f32 [tilespmem:s12], [sflag:$0x1], $0x10, s16, s13, $0xb8;
	[tilespmem:$0x4380] =	vst v63  }
0x33: {  	s16 =	simm.s32 $0x500  }
0x34: {  	[spmem:s2] =	stream.indirect.scatter.add.f32 [tilespmem:s12], [sflag:$0x1], $0x10, s16, s13, $0xb8;
	[tilespmem:$0x4380] =	vst v63  }
0x35: {  	s16 =	simm.s32 $0x580  }
0x36: {  	[spmem:s2] =	stream.indirect.scatter.add.f32 [tilespmem:s12], [sflag:$0x1], $0x10, s16, s13, $0xb8;
	[tilespmem:$0x4380] =	vst v63  }
0x37: {  	s16 =	simm.s32 $0x600  }
0x38: {  	[spmem:s2] =	stream.indirect.scatter.add.f32 [tilespmem:s12], [sflag:$0x1], $0x10, s16, s13, $0xb8;
	[tilespmem:$0x4380] =	vst v63  }
0x39: {  	s16 =	simm.s32 $0x680  }
0x3a: {  	[spmem:s2] =	stream.indirect.scatter.add.f32 [tilespmem:s12], [sflag:$0x1], $0x10, s16, s13, $0xb8;
	[tilespmem:$0x4380] =	vst v63  }
0x3b: {  	s16 =	simm.s32 $0x700  }
0x3c: {  	[spmem:s2] =	stream.indirect.scatter.add.f32 [tilespmem:s12], [sflag:$0x1], $0x10, s16, s13, $0xb8;
	[tilespmem:$0x4380] =	vst v63  }
0x3d: {  	s16 =	simm.s32 $0x780  }
0x3e: {  	[spmem:s2] =	stream.indirect.scatter.add.f32 [tilespmem:s12], [sflag:$0x1], $0x10, s16, s13, $0xb8;
	[tilespmem:$0x4380] =	vst v63  }
0x3f: {  	s16 =	simm.s32 $0x800  }
0x40: {  	[spmem:s2] =	stream.indirect.scatter.add.f32 [tilespmem:s12], [sflag:$0x1], $0x10, s16, s13, $0xb8;
	[tilespmem:$0x4380] =	vst v63  }
0x41: {  	s16 =	simm.s32 $0x880  }
0x42: {  	[spmem:s2] =	stream.indirect.scatter.add.f32 [tilespmem:s12], [sflag:$0x1], $0x10, s16, s13, $0xb8;
	[tilespmem:$0x4380] =	vst v63  }
0x43: {  	s16 =	simm.s32 $0x900  }
0x44: {  	[spmem:s2] =	stream.indirect.scatter.add.f32 [tilespmem:s12], [sflag:$0x1], $0x10, s16, s13, $0xb8;
	[tilespmem:$0x4380] =	vst v63  }
0x45: {  	s16 =	simm.s32 $0x980  }
0x46: {  	[spmem:s2] =	stream.indirect.scatter.add.f32 [tilespmem:s12], [sflag:$0x1], $0x10, s16, s13, $0xb8;
	[tilespmem:$0x4380] =	vst v63  }
0x47: {  	s16 =	simm.s32 $0xA00  }
0x48: {  	[spmem:s2] =	stream.indirect.scatter.add.f32 [tilespmem:s12], [sflag:$0x1], $0x10, s16, s13, $0xb8;
	[tilespmem:$0x4380] =	vst v63  }
0x49: {  	s16 =	simm.s32 $0xA80  }
0x4a: {  	[spmem:s2] =	stream.indirect.scatter.add.f32 [tilespmem:s12], [sflag:$0x1], $0x10, s16, s13, $0xb8;
	[tilespmem:$0x4380] =	vst v63  }
0x4b: {  	s16 =	simm.s32 $0xB00  }
0x4c: {  	[spmem:s2] =	stream.indirect.scatter.add.f32 [tilespmem:s12], [sflag:$0x1], $0x10, s16, s13, $0xb8;
	[tilespmem:$0x4380] =	vst v63  }
0x4d: {  	s16 =	simm.s32 $0xB80  }
0x4e: {  	[spmem:s2] =	stream.indirect.scatter.add.f32 [tilespmem:s12], [sflag:$0x1], $0x10, s16, s13, $0xb8;
	[tilespmem:$0x4380] =	vst v63  }
0x4f: {  	_ = 	snop  }
0x50: {  	[spmem:s2] =	stream.indirect.scatter.add.f32 [tilespmem:s12], [sflag:$0x1], $0x10, s17, s13, $0xb8;
	[tilespmem:$0x4380] =	vst v63  }
0x51: {  	_ = 	snop  }
0x52: {  	[spmem:s2] =	stream.indirect.scatter.add.f32 [tilespmem:s12], [sflag:$0x1], $0x10, s18, s13, $0xb8;
	[tilespmem:$0x4380] =	vst v63  }
0x53: {  	_ = 	snop  }
0x54: {  	[spmem:s2] =	stream.indirect.scatter.add.f32 [tilespmem:s12], [sflag:$0x1], $0x10, s19, s13, $0xb8;
	[tilespmem:$0x4380] =	vst v63  }
0x55: {  	_ = 	snop  }
0x56: {  	[spmem:s2] =	stream.indirect.scatter.add.f32 [tilespmem:s12], [sflag:$0x1], $0x10, s20, s13, $0xb8;
	[tilespmem:$0x4380] =	vst v63  }
0x57: {  	_ = 	snop  }
0x58: {  	[spmem:s2] =	stream.indirect.scatter.add.f32 [tilespmem:s12], [sflag:$0x1], $0x10, s21, s13, $0xb8;
	[tilespmem:$0x4380] =	vst v63  }
0x59: {  	_ = 	snop  }
0x5a: {  	[spmem:s2] =	stream.indirect.scatter.add.f32 [tilespmem:s12], [sflag:$0x1], $0x10, s22, s13, $0xb8;
	[tilespmem:$0x4380] =	vst v63  }
0x5b: {  	_ = 	snop  }
0x5c: {  	[spmem:s2] =	stream.indirect.scatter.add.f32 [tilespmem:s12], [sflag:$0x1], $0x10, s23, s13, $0xb8;
	[tilespmem:$0x4380] =	vst v63  }
0x5d: {  	_ = 	snop  }
0x5e: {  	[spmem:s2] =	stream.indirect.scatter.add.f32 [tilespmem:s12], [sflag:$0x1], $0x10, s24, s13, $0xb8;
	[tilespmem:$0x4380] =	vst v63  }
0x5f: {  	_ = 	snop  }
0x60: {  	[spmem:s2] =	stream.indirect.scatter.add.f32 [tilespmem:s12], [sflag:$0x1], $0x10, s25, s13, $0xb8;
	[tilespmem:$0x4380] =	vst v63  }
0x61: {  	_ = 	snop  }
0x62: {  	[spmem:s2] =	stream.indirect.scatter.add.f32 [tilespmem:s12], [sflag:$0x1], $0x10, s26, s13, $0xb8;
	[tilespmem:$0x4380] =	vst v63  }
0x63: {  	_ = 	snop  }
0x64: {  	[spmem:s2] =	stream.indirect.scatter.add.f32 [tilespmem:s12], [sflag:$0x1], $0x10, s28, s13, $0xb8;
	[tilespmem:$0x4380] =	vst v63  }
0x65: {  	_ = 	snop  }
0x66: {  	[spmem:s2] =	stream.indirect.scatter.add.f32 [tilespmem:s12], [sflag:$0x1], $0x10, s29, s13, $0xb8;
	[tilespmem:$0x4380] =	vst v63  }
0x67: {  	_ = 	snop  }
0x68: {  	[spmem:s2] =	stream.indirect.scatter.add.f32 [tilespmem:s12], [sflag:$0x1], $0x10, s30, s13, $0xb8;
	[tilespmem:$0x4380] =	vst v63  }
0x69: {  	_ = 	snop  }
0x6a: {  	[spmem:s2] =	stream.indirect.scatter.add.f32 [tilespmem:s12], [sflag:$0x1], $0x10, s31, s13, $0xb8;
	[tilespmem:$0x4380] =	vst v63  }
0x6b: {  	_ = 	snop  }
0x6c: {  	[spmem:s2] =	stream.indirect.scatter.add.f32 [tilespmem:s12], [sflag:$0x1], $0x10, s1, s13, $0xb8;
	[tilespmem:$0x4380] =	vst v63  }
0x6d: {  	_ = 	snop  }
0x6e: {  	[spmem:s2] =	stream.indirect.scatter.add.f32 [tilespmem:s12], [sflag:$0x1], $0x10, s0, s13, $0xb8;
	[tilespmem:$0x4380] =	vst v63  }
0x6f: {  	_ =	swait.ge [sflag:s14], $0x800  }
0x70: {  	s16 =	simm.s32 $0x27;
	[sflag:s14] =	ssyncset.done $0x0  }
.LBB2_2:
0x71: {  	p0 =	sne.s32 s16, $0x1;
	s16 =	sadd.s32 $0xFFFFFFFF, s16;
	[sflag:s14] =	ssyncadd.s32 $0xFFFFF800  }
.Ltmp0:
0x72: {  	(pc) =	sbr.rel @p0 .LBB2_2-.Ltmp0, $3  }
0x73: {  	_ =	sdelay $0x1  }
0x74: {  	_ =	swait.ge [sflag:s14], $0x800  }
0x75: {  	[sflag:s14] =	ssyncset.done $0x0  }
0x76: {  	s15 =	sadd.s32 $0x1, s15  }
0x77: {  	[sflag:s14] =	ssyncadd.s32 $0xFFFFF800;
	p0 =	sne.s32 s15, s9  }
.Ltmp1:
0x78: {  	[bflag:$0x0] =	sbarrier.arrive $0xFFFF;
	(pc) =	sbr.rel @p0 .LBB2_1-.Ltmp1, $4  }
0x79: {  	[hbm:s8], [sflag:s6] =	dma.local [spmem:s10], $0x4F0  }
0x7a: {  	_ =	swait.ge [sflag:s11], $0x4F0  }
0x7b: {  	[sflag:s11] =	ssyncset.done $0x0  }
0x7c: {  	[sflag:s11] =	ssyncadd.s32 $0xFFFFFB10  }
0x7d: {  	_ =	sfence.sel $0x180000  }
0x7e: {  	[bflag:$0x0] =	sbarrier.arrive $0xFFFF  }
0x7f: {  	_ =	strace $0x90000047  }
0x80: {  	s0 =	stileid.u32;
	[bflag:$0x2] =	sbarrier.arrive $0xFFFF  }
0x81: {  	p0 =	sne.s32 s0, $0x0;
	s0 =	rddreg [dreg:$0x3]  }
0x82: {  	s0 =	sadd.s32 @!p0 $0x100000, s0  }
0x83: {  	[sflag:s0] =	ssyncadd.tile.s32 @!p0 $0x1;
	_ =	shalt  }
.Lfunc_end2:
_tile_overlayer_lowered:
.L_overlay_start_2:
0x84: {  	(tag) =	ssettag $0x2  }
0x85: {  	s0 =	rddreg [dreg:$0x0];
	s2 =	stileid.u32  }
0x86: {  	s1 =	rddreg [dreg:$0x1];
	p0 =	sne.s32 s2, $0x0  }
0x87: {  	s3 =	rddreg [dreg:$0x2];
	[bflag:$0x3] =	sbarrier.arrive $0xFFFF;
	s2 =	simm.s32 @!p0 $0x1C02  }
0x88: {  	[timem:s3], [sflag:s2] =	dma.local @!p0 [hbm:s0], s1  }
0x89: {  	s0 =	simm.s32 @!p0 $0x2  }
0x8a: {  	_ =	swait.ge @!p0 [sflag:s0], s1  }
0x8b: {  	s1 =	ssub.s32 @!p0 $0x0, s1;
	[sflag:s0] =	ssyncset.done @!p0 $0x0  }
0x8c: {  	[sflag:s0] =	ssyncadd.s32 @!p0 s1  }
0x8d: {  	[bflag:$0x3] =	sbarrier.arrive $0xFFFF  }
0x8e: {  	_ =	shalt  }

</sc_bundles>
